<compile_context>
chip_gen: v7x
topology: tpu7x:2x2x1
jax: 0.10.2.dev20260603
libtpu: 0.0.44.dev20260713+nightly
codegen_flags: <defaults>
</compile_context>

<pallas_src>
import functools

import jax
import jax.numpy as jnp
from jax import lax
from jax.experimental import pallas as pl
from jax.experimental.pallas import tpu as pltpu
from jax.experimental.pallas import tpu_sc as plsc

B = 4096
L = 200
WORD_DIM = 50
OUT_DIM = 60
PAD_DIM = 64
TOK = B * L

_info = plsc.get_sparse_core_info()
NC, NS, LANES = _info.num_cores, _info.num_subcores, _info.num_lanes
NW = NC * NS

NSPLIT = 1
TOKS = TOK // NSPLIT
PER_W = TOKS // NW
CHUNK = 256
NBUF = 4
NCHUNK = PER_W // CHUNK
IDX_PER_DMA = 128
NDMA = CHUNK // IDX_PER_DMA


def _sc_embed(word_pad, widx, p1idx, p2idx, p1t, p2t):
    mesh = plsc.VectorSubcoreMesh(core_axis_name="c", subcore_axis_name="s")

    scratch = (
        [pltpu.VMEM((CHUNK,), jnp.int32) for _ in range(NBUF)]
        + [pltpu.VMEM((CHUNK,), jnp.int32) for _ in range(NBUF)]
        + [pltpu.VMEM((CHUNK,), jnp.int32) for _ in range(NBUF)]
        + [pltpu.VMEM((CHUNK, PAD_DIM), jnp.float32)
           for _ in range(NBUF)]
        + [pltpu.VMEM((2 * 2 * L * 5,), jnp.float32)]
        + [pltpu.SemaphoreType.DMA for _ in range(NBUF)]
        + [pltpu.SemaphoreType.DMA for _ in range(NBUF)]
    )

    @functools.partial(
        pl.kernel,
        mesh=mesh,
        out_type=jax.ShapeDtypeStruct((TOKS, PAD_DIM), jnp.float32),
        compiler_params=pltpu.CompilerParams(
            needs_layout_passes=False, use_tc_tiling_on_sc=False),
        scratch_types=scratch,
    )
    def k(word_hbm, widx_hbm, p1idx_hbm, p2idx_hbm, p1t_hbm, p2t_hbm,
          out_hbm, *refs):
        widx_v = refs[0:NBUF]
        p1i_v = refs[NBUF:2 * NBUF]
        p2i_v = refs[2 * NBUF:3 * NBUF]
        rows_v = refs[3 * NBUF:4 * NBUF]
        pcat_v = refs[4 * NBUF]
        gsem = refs[4 * NBUF + 1:5 * NBUF + 1]
        wsem = refs[5 * NBUF + 1:6 * NBUF + 1]

        wid = lax.axis_index("s") * NC + lax.axis_index("c")
        base_w = wid * PER_W
        pltpu.sync_copy(p1t_hbm, pcat_v.at[pl.ds(0, 2 * L * 5)])
        pltpu.sync_copy(p2t_hbm, pcat_v.at[pl.ds(2 * L * 5, 2 * L * 5)])

        def stage_and_fire(ci, p):
            base = base_w + ci * CHUNK
            pltpu.sync_copy(widx_hbm.at[pl.ds(base, CHUNK)], widx_v[p])
            pltpu.sync_copy(p1idx_hbm.at[pl.ds(base, CHUNK)], p1i_v[p])
            pltpu.sync_copy(p2idx_hbm.at[pl.ds(base, CHUNK)], p2i_v[p])
            for di in range(NDMA):
                pltpu.async_copy(
                    word_hbm.at[widx_v[p].at[pl.ds(di * IDX_PER_DMA,
                                                   IDX_PER_DMA)]],
                    rows_v[p].at[pl.ds(di * IDX_PER_DMA, IDX_PER_DMA), :],
                    gsem[p])

        def wait_gather(p):
            pltpu.make_async_copy(
                word_hbm.at[pl.ds(0, CHUNK), :], rows_v[p], gsem[p]).wait()

        def wait_wb(p):
            pltpu.make_async_copy(
                rows_v[p], out_hbm.at[pl.ds(0, CHUNK), :], wsem[p]).wait()

        def pos_fill(p):
            iota = lax.iota(jnp.int32, LANES)
            diags = []
            for s in range(10):
                jj = iota + s
                jj = jnp.where(jj >= 10, jj - 10, jj)
                jj = jnp.where(jj >= 10, jj - 10, jj)
                diags.append(jj)

            def grp(g, carry):
                tb = g * LANES
                t16 = iota + tb
                p1i = p1i_v[p][pl.ds(tb, LANES)] * 5
                p2i = p2i_v[p][pl.ds(tb, LANES)] * 5 + (2 * L * 5 - 5)
                for s in range(10):
                    jj = diags[s]
                    src = jnp.where(jj < 5, p1i + jj, p2i + jj)
                    v = plsc.load_gather(pcat_v, [src])
                    plsc.store_scatter(
                        rows_v[p], [t16, jj + WORD_DIM], v)
                return carry

            lax.fori_loop(0, CHUNK // LANES, grp, 0)

        stage_and_fire(0, 0)

        def body(i4, carry):
            for p in range(NBUF):
                j = NBUF * i4 + p
                q = (p + 1) % NBUF
                wait_gather(p)

                @pl.when(j + 1 < NCHUNK)
                def _():
                    @pl.when(j >= NBUF - 1)
                    def _():
                        wait_wb(q)

                    stage_and_fire(j + 1, q)

                pos_fill(p)
                pltpu.async_copy(
                    rows_v[p],
                    out_hbm.at[pl.ds(base_w + j * CHUNK, CHUNK), :],
                    wsem[p])
            return carry

        lax.fori_loop(0, NCHUNK // NBUF, body, 0)
        for p in range(NBUF):
            wait_wb(p)

    return k(word_pad, widx, p1idx, p2idx, p1t, p2t)


def kernel(word, pos1, pos2, word_table, pos1_table, pos2_table):
    word_pad = jnp.pad(word_table, ((0, 0), (0, PAD_DIM - WORD_DIM)))
    out_pad = _sc_embed(
        word_pad,
        word.reshape(-1),
        pos1.reshape(-1),
        pos2.reshape(-1),
        pos1_table.reshape(-1),
        pos2_table.reshape(-1),
    )
    return out_pad[:, :OUT_DIM].reshape(B, L, OUT_DIM)

# --- scband reference (transcript-rebuilt; emitter-appended) ---
"""Pipeline reference for scband-cnnsentence-encoder-31035433681255 (READ-ONLY COPY).

The authoritative reference and input builder live on the scoring server;
editing this copy changes nothing except your own understanding.
"""

import jax, jax.numpy as jnp
import numpy as np

B = 4096
L = 200  # max_length
VOCAB = 100000
WORD_DIM = 50
POS_DIM = 5
POS_VOCAB = 2 * L  # pos1/pos2 embedding rows, as in FewRel-style Embedding


def setup_inputs(seed: int = 0) -> dict:
    key = jax.random.key(seed)
    k1, k2, k3, k4, k5, k6 = jax.random.split(key, 6)
    # integer index inputs (the 'inputs' dict of the torch module: word, pos1, pos2)
    word = jax.random.randint(k1, (B, L), 0, VOCAB, dtype=jnp.int32)
    pos1 = jax.random.randint(k2, (B, L), 0, POS_VOCAB, dtype=jnp.int32)
    pos2 = jax.random.randint(k3, (B, L), 0, POS_VOCAB, dtype=jnp.int32)
    # learned parameters: word_vec_mat-backed word table (+2 rows for UNK/BLANK)
    word_table = jax.random.normal(k4, (VOCAB + 2, WORD_DIM), dtype=jnp.float32)
    pos1_table = jax.random.normal(k5, (POS_VOCAB, POS_DIM), dtype=jnp.float32)
    pos2_table = jax.random.normal(k6, (POS_VOCAB, POS_DIM), dtype=jnp.float32)
    return {
        "word": word,
        "pos1": pos1,
        "pos2": pos2,
        "word_table": word_table,
        "pos1_table": pos1_table,
        "pos2_table": pos2_table,
    }


def reference(word, pos1, pos2, word_table, pos1_table, pos2_table):
    # Faithful to CNNSentenceEncoder.forward: x = self.embedding(inputs)
    # Embedding = concat(word_emb[word], pos1_emb[pos1], pos2_emb[pos2]) along feature dim
    w = jnp.take(word_table, word, axis=0)   # [B, L, 50]
    p1 = jnp.take(pos1_table, pos1, axis=0)  # [B, L, 5]
    p2 = jnp.take(pos2_table, pos2, axis=0)  # [B, L, 5]
    return jnp.concatenate([w, p1, p2], axis=-1)  # [B, L, 60]

if __name__ == "__main__":
    import jax
    _d = setup_inputs()
    print(jax.jit(kernel)(*tuple(_d.values())))

</pallas_src>

<mosaic_0001>
#map = affine_map<(d0, d1) -> (0, 0)>
#map1 = affine_map<(d0, d1) -> (0)>
module attributes {stable_mosaic.version = 14 : i64} {
  func.func @k(%arg0: i32, %arg1: i32, %arg2: memref<100002x64xf32, #tpu.memory_space<hbm>>, %arg3: memref<819200xi32, #tpu.memory_space<hbm>>, %arg4: memref<819200xi32, #tpu.memory_space<hbm>>, %arg5: memref<819200xi32, #tpu.memory_space<hbm>>, %arg6: memref<2000xf32, #tpu.memory_space<hbm>>, %arg7: memref<2000xf32, #tpu.memory_space<hbm>>, %arg8: memref<819200x64xf32, #tpu.memory_space<hbm>>, %arg9: memref<256xi32, #tpu.memory_space<vmem>>, %arg10: memref<256xi32, #tpu.memory_space<vmem>>, %arg11: memref<256xi32, #tpu.memory_space<vmem>>, %arg12: memref<256xi32, #tpu.memory_space<vmem>>, %arg13: memref<256xi32, #tpu.memory_space<vmem>>, %arg14: memref<256xi32, #tpu.memory_space<vmem>>, %arg15: memref<256xi32, #tpu.memory_space<vmem>>, %arg16: memref<256xi32, #tpu.memory_space<vmem>>, %arg17: memref<256xi32, #tpu.memory_space<vmem>>, %arg18: memref<256xi32, #tpu.memory_space<vmem>>, %arg19: memref<256xi32, #tpu.memory_space<vmem>>, %arg20: memref<256xi32, #tpu.memory_space<vmem>>, %arg21: memref<256x64xf32, #tpu.memory_space<vmem>>, %arg22: memref<256x64xf32, #tpu.memory_space<vmem>>, %arg23: memref<256x64xf32, #tpu.memory_space<vmem>>, %arg24: memref<256x64xf32, #tpu.memory_space<vmem>>, %arg25: memref<4000xf32, #tpu.memory_space<vmem>>, %arg26: memref<!tpu.dma_semaphore, #tpu.memory_space<semaphore_mem>>, %arg27: memref<!tpu.dma_semaphore, #tpu.memory_space<semaphore_mem>>, %arg28: memref<!tpu.dma_semaphore, #tpu.memory_space<semaphore_mem>>, %arg29: memref<!tpu.dma_semaphore, #tpu.memory_space<semaphore_mem>>, %arg30: memref<!tpu.dma_semaphore, #tpu.memory_space<semaphore_mem>>, %arg31: memref<!tpu.dma_semaphore, #tpu.memory_space<semaphore_mem>>, %arg32: memref<!tpu.dma_semaphore, #tpu.memory_space<semaphore_mem>>, %arg33: memref<!tpu.dma_semaphore, #tpu.memory_space<semaphore_mem>>) attributes {dimension_semantics = [#tpu.dimension_semantics<core_parallel>, #tpu.dimension_semantics<subcore_parallel>], iteration_bounds = array<i64: 2, 16>, scalar_prefetch = 0 : i64, scratch_operands = 25 : i64, tpu.core_type = #tpu.core_type<sc_vector_subcore>, window_params = [{transform_indices = #map}, {transform_indices = #map1}, {transform_indices = #map1}, {transform_indices = #map1}, {transform_indices = #map1}, {transform_indices = #map1}, {transform_indices = #map}]} {
    %mul3A = arith.constant 2 : i32
    %mul3A_0 = arith.muli %arg1, %mul3A : i32
    %add3A = arith.addi %mul3A_0, %arg0 : i32
    %mul3A_1 = arith.constant 25600 : i32
    %mul3A_2 = arith.muli %add3A, %mul3A_1 : i32
    "tpu.region"() ({
      %run_scoped3A = tpu.sem_alloc : memref<!tpu.dma_semaphore, #tpu.memory_space<semaphore_mem>>
      %dma_start3A_48 = arith.constant 0 : i32
      %dma_start3A_49 = tpu.memref_slice %arg25[%dma_start3A_48] : memref<4000xf32, #tpu.memory_space<vmem>> -> memref<2000xf32, #tpu.memory_space<vmem>>
      %dma_start3A_50 = arith.constant 0 : i32
      %dma_start3A_51 = tpu.memref_slice %arg25[%dma_start3A_50] : memref<4000xf32, #tpu.memory_space<vmem>> -> memref<2000xf32, #tpu.memory_space<vmem>>
      tpu.enqueue_dma source(%arg6 : memref<2000xf32, #tpu.memory_space<hbm>>) target(%dma_start3A_51 : memref<2000xf32, #tpu.memory_space<vmem>>) target_semaphore(%run_scoped3A : memref<!tpu.dma_semaphore, #tpu.memory_space<semaphore_mem>>)
      %dma_wait3A_52 = arith.constant 0 : i32
      %dma_wait3A_53 = tpu.memref_slice %arg25[%dma_wait3A_52] : memref<4000xf32, #tpu.memory_space<vmem>> -> memref<2000xf32, #tpu.memory_space<vmem>>
      %dma_wait3A_54 = arith.constant 0 : i32
      %dma_wait3A_55 = tpu.memref_slice %arg25[%dma_wait3A_54] : memref<4000xf32, #tpu.memory_space<vmem>> -> memref<2000xf32, #tpu.memory_space<vmem>>
      tpu.wait_dma2 semaphore(%run_scoped3A : memref<!tpu.dma_semaphore, #tpu.memory_space<semaphore_mem>>) src(%arg6 : memref<2000xf32, #tpu.memory_space<hbm>>) dst(%dma_wait3A_55 : memref<2000xf32, #tpu.memory_space<vmem>>)
      tpu.yield
    }) : () -> ()
    "tpu.region"() ({
      %run_scoped3A = tpu.sem_alloc : memref<!tpu.dma_semaphore, #tpu.memory_space<semaphore_mem>>
      %dma_start3A_48 = arith.constant 2000 : i32
      %dma_start3A_49 = tpu.memref_slice %arg25[%dma_start3A_48] : memref<4000xf32, #tpu.memory_space<vmem>> -> memref<2000xf32, #tpu.memory_space<vmem>>
      %dma_start3A_50 = arith.constant 2000 : i32
      %dma_start3A_51 = tpu.memref_slice %arg25[%dma_start3A_50] : memref<4000xf32, #tpu.memory_space<vmem>> -> memref<2000xf32, #tpu.memory_space<vmem>>
      tpu.enqueue_dma source(%arg7 : memref<2000xf32, #tpu.memory_space<hbm>>) target(%dma_start3A_51 : memref<2000xf32, #tpu.memory_space<vmem>>) target_semaphore(%run_scoped3A : memref<!tpu.dma_semaphore, #tpu.memory_space<semaphore_mem>>)
      %dma_wait3A_52 = arith.constant 2000 : i32
      %dma_wait3A_53 = tpu.memref_slice %arg25[%dma_wait3A_52] : memref<4000xf32, #tpu.memory_space<vmem>> -> memref<2000xf32, #tpu.memory_space<vmem>>
      %dma_wait3A_54 = arith.constant 2000 : i32
      %dma_wait3A_55 = tpu.memref_slice %arg25[%dma_wait3A_54] : memref<4000xf32, #tpu.memory_space<vmem>> -> memref<2000xf32, #tpu.memory_space<vmem>>
      tpu.wait_dma2 semaphore(%run_scoped3A : memref<!tpu.dma_semaphore, #tpu.memory_space<semaphore_mem>>) src(%arg7 : memref<2000xf32, #tpu.memory_space<hbm>>) dst(%dma_wait3A_55 : memref<2000xf32, #tpu.memory_space<vmem>>)
      tpu.yield
    }) : () -> ()
    %add3A_3 = arith.constant 0 : i32
    %add3A_4 = arith.addi %mul3A_2, %add3A_3 : i32
    "tpu.region"() ({
      %run_scoped3A = tpu.sem_alloc : memref<!tpu.dma_semaphore, #tpu.memory_space<semaphore_mem>>
      %dma_start3A_48 = tpu.memref_slice %arg3[%add3A_4] : memref<819200xi32, #tpu.memory_space<hbm>> -> memref<256xi32, #tpu.memory_space<hbm>>
      %dma_start3A_49 = tpu.memref_slice %arg3[%add3A_4] : memref<819200xi32, #tpu.memory_space<hbm>> -> memref<256xi32, #tpu.memory_space<hbm>>
      tpu.enqueue_dma source(%dma_start3A_49 : memref<256xi32, #tpu.memory_space<hbm>>) target(%arg9 : memref<256xi32, #tpu.memory_space<vmem>>) target_semaphore(%run_scoped3A : memref<!tpu.dma_semaphore, #tpu.memory_space<semaphore_mem>>)
      %dma_wait3A_50 = tpu.memref_slice %arg3[%add3A_4] : memref<819200xi32, #tpu.memory_space<hbm>> -> memref<256xi32, #tpu.memory_space<hbm>>
      %dma_wait3A_51 = tpu.memref_slice %arg3[%add3A_4] : memref<819200xi32, #tpu.memory_space<hbm>> -> memref<256xi32, #tpu.memory_space<hbm>>
      tpu.wait_dma2 semaphore(%run_scoped3A : memref<!tpu.dma_semaphore, #tpu.memory_space<semaphore_mem>>) src(%dma_wait3A_51 : memref<256xi32, #tpu.memory_space<hbm>>) dst(%arg9 : memref<256xi32, #tpu.memory_space<vmem>>)
      tpu.yield
    }) : () -> ()
    "tpu.region"() ({
      %run_scoped3A = tpu.sem_alloc : memref<!tpu.dma_semaphore, #tpu.memory_space<semaphore_mem>>
      %dma_start3A_48 = tpu.memref_slice %arg4[%add3A_4] : memref<819200xi32, #tpu.memory_space<hbm>> -> memref<256xi32, #tpu.memory_space<hbm>>
      %dma_start3A_49 = tpu.memref_slice %arg4[%add3A_4] : memref<819200xi32, #tpu.memory_space<hbm>> -> memref<256xi32, #tpu.memory_space<hbm>>
      tpu.enqueue_dma source(%dma_start3A_49 : memref<256xi32, #tpu.memory_space<hbm>>) target(%arg13 : memref<256xi32, #tpu.memory_space<vmem>>) target_semaphore(%run_scoped3A : memref<!tpu.dma_semaphore, #tpu.memory_space<semaphore_mem>>)
      %dma_wait3A_50 = tpu.memref_slice %arg4[%add3A_4] : memref<819200xi32, #tpu.memory_space<hbm>> -> memref<256xi32, #tpu.memory_space<hbm>>
      %dma_wait3A_51 = tpu.memref_slice %arg4[%add3A_4] : memref<819200xi32, #tpu.memory_space<hbm>> -> memref<256xi32, #tpu.memory_space<hbm>>
      tpu.wait_dma2 semaphore(%run_scoped3A : memref<!tpu.dma_semaphore, #tpu.memory_space<semaphore_mem>>) src(%dma_wait3A_51 : memref<256xi32, #tpu.memory_space<hbm>>) dst(%arg13 : memref<256xi32, #tpu.memory_space<vmem>>)
      tpu.yield
    }) : () -> ()
    "tpu.region"() ({
      %run_scoped3A = tpu.sem_alloc : memref<!tpu.dma_semaphore, #tpu.memory_space<semaphore_mem>>
      %dma_start3A_48 = tpu.memref_slice %arg5[%add3A_4] : memref<819200xi32, #tpu.memory_space<hbm>> -> memref<256xi32, #tpu.memory_space<hbm>>
      %dma_start3A_49 = tpu.memref_slice %arg5[%add3A_4] : memref<819200xi32, #tpu.memory_space<hbm>> -> memref<256xi32, #tpu.memory_space<hbm>>
      tpu.enqueue_dma source(%dma_start3A_49 : memref<256xi32, #tpu.memory_space<hbm>>) target(%arg17 : memref<256xi32, #tpu.memory_space<vmem>>) target_semaphore(%run_scoped3A : memref<!tpu.dma_semaphore, #tpu.memory_space<semaphore_mem>>)
      %dma_wait3A_50 = tpu.memref_slice %arg5[%add3A_4] : memref<819200xi32, #tpu.memory_space<hbm>> -> memref<256xi32, #tpu.memory_space<hbm>>
      %dma_wait3A_51 = tpu.memref_slice %arg5[%add3A_4] : memref<819200xi32, #tpu.memory_space<hbm>> -> memref<256xi32, #tpu.memory_space<hbm>>
      tpu.wait_dma2 semaphore(%run_scoped3A : memref<!tpu.dma_semaphore, #tpu.memory_space<semaphore_mem>>) src(%dma_wait3A_51 : memref<256xi32, #tpu.memory_space<hbm>>) dst(%arg17 : memref<256xi32, #tpu.memory_space<vmem>>)
      tpu.yield
    }) : () -> ()
    %dma_start3A = arith.constant 0 : i32
    %dma_start3A_5 = arith.constant 0 : i32
    %dma_start3A_6 = tpu.memref_slice %arg21[%dma_start3A, %dma_start3A_5] : memref<256x64xf32, #tpu.memory_space<vmem>> -> memref<128x64xf32, #tpu.memory_space<vmem>>
    %dma_start3A_7 = arith.constant 0 : i32
    %dma_start3A_8 = tpu.memref_slice %arg9[%dma_start3A_7] : memref<256xi32, #tpu.memory_space<vmem>> -> memref<128xi32, #tpu.memory_space<vmem>>
    %dma_start3A_9 = arith.constant 0 : i32
    %dma_start3A_10 = arith.constant 0 : i32
    %dma_start3A_11 = tpu.memref_slice %arg2[%dma_start3A_9, %dma_start3A_10] : memref<100002x64xf32, #tpu.memory_space<hbm>> -> memref<100002x64xf32, #tpu.memory_space<hbm>>
    tpu.enqueue_indirect_dma source(%dma_start3A_11 : memref<100002x64xf32, #tpu.memory_space<hbm>>) target(%dma_start3A_6 : memref<128x64xf32, #tpu.memory_space<vmem>>) offsets(%dma_start3A_8 : memref<128xi32, #tpu.memory_space<vmem>>) semaphore(%arg26 : memref<!tpu.dma_semaphore, #tpu.memory_space<semaphore_mem>>)
    %dma_start3A_12 = arith.constant 128 : i32
    %dma_start3A_13 = arith.constant 0 : i32
    %dma_start3A_14 = tpu.memref_slice %arg21[%dma_start3A_12, %dma_start3A_13] : memref<256x64xf32, #tpu.memory_space<vmem>> -> memref<128x64xf32, #tpu.memory_space<vmem>>
    %dma_start3A_15 = arith.constant 128 : i32
    %dma_start3A_16 = tpu.memref_slice %arg9[%dma_start3A_15] : memref<256xi32, #tpu.memory_space<vmem>> -> memref<128xi32, #tpu.memory_space<vmem>>
    %dma_start3A_17 = arith.constant 0 : i32
    %dma_start3A_18 = arith.constant 0 : i32
    %dma_start3A_19 = tpu.memref_slice %arg2[%dma_start3A_17, %dma_start3A_18] : memref<100002x64xf32, #tpu.memory_space<hbm>> -> memref<100002x64xf32, #tpu.memory_space<hbm>>
    tpu.enqueue_indirect_dma source(%dma_start3A_19 : memref<100002x64xf32, #tpu.memory_space<hbm>>) target(%dma_start3A_14 : memref<128x64xf32, #tpu.memory_space<vmem>>) offsets(%dma_start3A_16 : memref<128xi32, #tpu.memory_space<vmem>>) semaphore(%arg26 : memref<!tpu.dma_semaphore, #tpu.memory_space<semaphore_mem>>)
    %scan3A = arith.constant 0 : i32
    %scan3A_20 = arith.constant 0 : i32
    %scan3A_21 = arith.constant 25 : i32
    %scan3A_22 = arith.addi %scan3A_20, %scan3A_21 : i32
    %scan3A_23 = arith.constant 1 : i32
    scf.for %scan3A_48 = %scan3A_20 to %scan3A_22 step %scan3A_23  : i32 {
      %mul3A_49 = arith.constant 4 : i32
      %mul3A_50 = arith.muli %mul3A_49, %scan3A_48 : i32
      %add3A_51 = arith.constant 0 : i32
      %add3A_52 = arith.addi %mul3A_50, %add3A_51 : i32
      %dma_wait3A_53 = arith.constant 0 : i32
      %dma_wait3A_54 = arith.constant 0 : i32
      %dma_wait3A_55 = tpu.memref_slice %arg2[%dma_wait3A_53, %dma_wait3A_54] : memref<100002x64xf32, #tpu.memory_space<hbm>> -> memref<256x64xf32, #tpu.memory_space<hbm>>
      %dma_wait3A_56 = arith.constant 0 : i32
      %dma_wait3A_57 = arith.constant 0 : i32
      %dma_wait3A_58 = tpu.memref_slice %arg2[%dma_wait3A_56, %dma_wait3A_57] : memref<100002x64xf32, #tpu.memory_space<hbm>> -> memref<256x64xf32, #tpu.memory_space<hbm>>
      tpu.wait_dma2 semaphore(%arg26 : memref<!tpu.dma_semaphore, #tpu.memory_space<semaphore_mem>>) src(%dma_wait3A_58 : memref<256x64xf32, #tpu.memory_space<hbm>>) dst(%arg21 : memref<256x64xf32, #tpu.memory_space<vmem>>)
      %add3A_59 = arith.constant 1 : i32
      %add3A_60 = arith.addi %add3A_52, %add3A_59 : i32
      %lt3A = arith.constant 100 : i32
      %lt3A_61 = arith.cmpi slt, %add3A_60, %lt3A : i32
      %convert_element_type3A = arith.extui %lt3A_61 : i1 to i32
      %cond3A = arith.constant 0 : i32
      %cond3A_62 = arith.cmpi ne, %convert_element_type3A, %cond3A : i32
      scf.if %cond3A_62 {
        %ge3A_846 = arith.constant 3 : i32
        %ge3A_847 = arith.cmpi sge, %add3A_52, %ge3A_846 : i32
        %convert_element_type3A_848 = arith.extui %ge3A_847 : i1 to i32
        %cond3A_849 = arith.constant 0 : i32
        %cond3A_850 = arith.cmpi ne, %convert_element_type3A_848, %cond3A_849 : i32
        scf.if %cond3A_850 {
          %dma_wait3A_872 = arith.constant 0 : i32
          %dma_wait3A_873 = arith.constant 0 : i32
          %dma_wait3A_874 = tpu.memref_slice %arg8[%dma_wait3A_872, %dma_wait3A_873] : memref<819200x64xf32, #tpu.memory_space<hbm>> -> memref<256x64xf32, #tpu.memory_space<hbm>>
          %dma_wait3A_875 = arith.constant 0 : i32
          %dma_wait3A_876 = arith.constant 0 : i32
          %dma_wait3A_877 = tpu.memref_slice %arg8[%dma_wait3A_875, %dma_wait3A_876] : memref<819200x64xf32, #tpu.memory_space<hbm>> -> memref<256x64xf32, #tpu.memory_space<hbm>>
          tpu.wait_dma2 semaphore(%arg31 : memref<!tpu.dma_semaphore, #tpu.memory_space<semaphore_mem>>) src(%arg22 : memref<256x64xf32, #tpu.memory_space<vmem>>) dst(%dma_wait3A_877 : memref<256x64xf32, #tpu.memory_space<hbm>>)
        } else {
        }
        %add3A_851 = arith.constant 1 : i32
        %add3A_852 = arith.addi %add3A_52, %add3A_851 : i32
        %mul3A_853 = arith.constant 256 : i32
        %mul3A_854 = arith.muli %add3A_852, %mul3A_853 : i32
        %add3A_855 = arith.addi %mul3A_2, %mul3A_854 : i32
        "tpu.region"() ({
          %run_scoped3A = tpu.sem_alloc : memref<!tpu.dma_semaphore, #tpu.memory_space<semaphore_mem>>
          %dma_start3A_872 = tpu.memref_slice %arg3[%add3A_855] : memref<819200xi32, #tpu.memory_space<hbm>> -> memref<256xi32, #tpu.memory_space<hbm>>
          %dma_start3A_873 = tpu.memref_slice %arg3[%add3A_855] : memref<819200xi32, #tpu.memory_space<hbm>> -> memref<256xi32, #tpu.memory_space<hbm>>
          tpu.enqueue_dma source(%dma_start3A_873 : memref<256xi32, #tpu.memory_space<hbm>>) target(%arg10 : memref<256xi32, #tpu.memory_space<vmem>>) target_semaphore(%run_scoped3A : memref<!tpu.dma_semaphore, #tpu.memory_space<semaphore_mem>>)
          %dma_wait3A_874 = tpu.memref_slice %arg3[%add3A_855] : memref<819200xi32, #tpu.memory_space<hbm>> -> memref<256xi32, #tpu.memory_space<hbm>>
          %dma_wait3A_875 = tpu.memref_slice %arg3[%add3A_855] : memref<819200xi32, #tpu.memory_space<hbm>> -> memref<256xi32, #tpu.memory_space<hbm>>
          tpu.wait_dma2 semaphore(%run_scoped3A : memref<!tpu.dma_semaphore, #tpu.memory_space<semaphore_mem>>) src(%dma_wait3A_875 : memref<256xi32, #tpu.memory_space<hbm>>) dst(%arg10 : memref<256xi32, #tpu.memory_space<vmem>>)
          tpu.yield
        }) : () -> ()
        "tpu.region"() ({
          %run_scoped3A = tpu.sem_alloc : memref<!tpu.dma_semaphore, #tpu.memory_space<semaphore_mem>>
          %dma_start3A_872 = tpu.memref_slice %arg4[%add3A_855] : memref<819200xi32, #tpu.memory_space<hbm>> -> memref<256xi32, #tpu.memory_space<hbm>>
          %dma_start3A_873 = tpu.memref_slice %arg4[%add3A_855] : memref<819200xi32, #tpu.memory_space<hbm>> -> memref<256xi32, #tpu.memory_space<hbm>>
          tpu.enqueue_dma source(%dma_start3A_873 : memref<256xi32, #tpu.memory_space<hbm>>) target(%arg14 : memref<256xi32, #tpu.memory_space<vmem>>) target_semaphore(%run_scoped3A : memref<!tpu.dma_semaphore, #tpu.memory_space<semaphore_mem>>)
          %dma_wait3A_874 = tpu.memref_slice %arg4[%add3A_855] : memref<819200xi32, #tpu.memory_space<hbm>> -> memref<256xi32, #tpu.memory_space<hbm>>
          %dma_wait3A_875 = tpu.memref_slice %arg4[%add3A_855] : memref<819200xi32, #tpu.memory_space<hbm>> -> memref<256xi32, #tpu.memory_space<hbm>>
          tpu.wait_dma2 semaphore(%run_scoped3A : memref<!tpu.dma_semaphore, #tpu.memory_space<semaphore_mem>>) src(%dma_wait3A_875 : memref<256xi32, #tpu.memory_space<hbm>>) dst(%arg14 : memref<256xi32, #tpu.memory_space<vmem>>)
          tpu.yield
        }) : () -> ()
        "tpu.region"() ({
          %run_scoped3A = tpu.sem_alloc : memref<!tpu.dma_semaphore, #tpu.memory_space<semaphore_mem>>
          %dma_start3A_872 = tpu.memref_slice %arg5[%add3A_855] : memref<819200xi32, #tpu.memory_space<hbm>> -> memref<256xi32, #tpu.memory_space<hbm>>
          %dma_start3A_873 = tpu.memref_slice %arg5[%add3A_855] : memref<819200xi32, #tpu.memory_space<hbm>> -> memref<256xi32, #tpu.memory_space<hbm>>
          tpu.enqueue_dma source(%dma_start3A_873 : memref<256xi32, #tpu.memory_space<hbm>>) target(%arg18 : memref<256xi32, #tpu.memory_space<vmem>>) target_semaphore(%run_scoped3A : memref<!tpu.dma_semaphore, #tpu.memory_space<semaphore_mem>>)
          %dma_wait3A_874 = tpu.memref_slice %arg5[%add3A_855] : memref<819200xi32, #tpu.memory_space<hbm>> -> memref<256xi32, #tpu.memory_space<hbm>>
          %dma_wait3A_875 = tpu.memref_slice %arg5[%add3A_855] : memref<819200xi32, #tpu.memory_space<hbm>> -> memref<256xi32, #tpu.memory_space<hbm>>
          tpu.wait_dma2 semaphore(%run_scoped3A : memref<!tpu.dma_semaphore, #tpu.memory_space<semaphore_mem>>) src(%dma_wait3A_875 : memref<256xi32, #tpu.memory_space<hbm>>) dst(%arg18 : memref<256xi32, #tpu.memory_space<vmem>>)
          tpu.yield
        }) : () -> ()
        %dma_start3A_856 = arith.constant 0 : i32
        %dma_start3A_857 = arith.constant 0 : i32
        %dma_start3A_858 = tpu.memref_slice %arg22[%dma_start3A_856, %dma_start3A_857] : memref<256x64xf32, #tpu.memory_space<vmem>> -> memref<128x64xf32, #tpu.memory_space<vmem>>
        %dma_start3A_859 = arith.constant 0 : i32
        %dma_start3A_860 = tpu.memref_slice %arg10[%dma_start3A_859] : memref<256xi32, #tpu.memory_space<vmem>> -> memref<128xi32, #tpu.memory_space<vmem>>
        %dma_start3A_861 = arith.constant 0 : i32
        %dma_start3A_862 = arith.constant 0 : i32
        %dma_start3A_863 = tpu.memref_slice %arg2[%dma_start3A_861, %dma_start3A_862] : memref<100002x64xf32, #tpu.memory_space<hbm>> -> memref<100002x64xf32, #tpu.memory_space<hbm>>
        tpu.enqueue_indirect_dma source(%dma_start3A_863 : memref<100002x64xf32, #tpu.memory_space<hbm>>) target(%dma_start3A_858 : memref<128x64xf32, #tpu.memory_space<vmem>>) offsets(%dma_start3A_860 : memref<128xi32, #tpu.memory_space<vmem>>) semaphore(%arg27 : memref<!tpu.dma_semaphore, #tpu.memory_space<semaphore_mem>>)
        %dma_start3A_864 = arith.constant 128 : i32
        %dma_start3A_865 = arith.constant 0 : i32
        %dma_start3A_866 = tpu.memref_slice %arg22[%dma_start3A_864, %dma_start3A_865] : memref<256x64xf32, #tpu.memory_space<vmem>> -> memref<128x64xf32, #tpu.memory_space<vmem>>
        %dma_start3A_867 = arith.constant 128 : i32
        %dma_start3A_868 = tpu.memref_slice %arg10[%dma_start3A_867] : memref<256xi32, #tpu.memory_space<vmem>> -> memref<128xi32, #tpu.memory_space<vmem>>
        %dma_start3A_869 = arith.constant 0 : i32
        %dma_start3A_870 = arith.constant 0 : i32
        %dma_start3A_871 = tpu.memref_slice %arg2[%dma_start3A_869, %dma_start3A_870] : memref<100002x64xf32, #tpu.memory_space<hbm>> -> memref<100002x64xf32, #tpu.memory_space<hbm>>
        tpu.enqueue_indirect_dma source(%dma_start3A_871 : memref<100002x64xf32, #tpu.memory_space<hbm>>) target(%dma_start3A_866 : memref<128x64xf32, #tpu.memory_space<vmem>>) offsets(%dma_start3A_868 : memref<128xi32, #tpu.memory_space<vmem>>) semaphore(%arg27 : memref<!tpu.dma_semaphore, #tpu.memory_space<semaphore_mem>>)
      } else {
      }
      %iota3A = tpu.iota {dimensions = array<i32: 0>} : vector<16xi32>
      %add3A_63 = arith.constant 0 : i32
      %add3A_64 = vector.broadcast %add3A_63 : i32 to vector<16xi32>
      %add3A_65 = arith.addi %iota3A, %add3A_64 : vector<16xi32>
      %ge3A = arith.constant 10 : i32
      %ge3A_66 = vector.broadcast %ge3A : i32 to vector<16xi32>
      %ge3A_67 = arith.cmpi sge, %add3A_65, %ge3A_66 : vector<16xi32>
      %sub3A = arith.constant 10 : i32
      %sub3A_68 = vector.broadcast %sub3A : i32 to vector<16xi32>
      %sub3A_69 = arith.subi %add3A_65, %sub3A_68 : vector<16xi32>
      %select_n3A = arith.select %ge3A_67, %sub3A_69, %add3A_65 : vector<16xi1>, vector<16xi32>
      %ge3A_70 = arith.constant 10 : i32
      %ge3A_71 = vector.broadcast %ge3A_70 : i32 to vector<16xi32>
      %ge3A_72 = arith.cmpi sge, %select_n3A, %ge3A_71 : vector<16xi32>
      %sub3A_73 = arith.constant 10 : i32
      %sub3A_74 = vector.broadcast %sub3A_73 : i32 to vector<16xi32>
      %sub3A_75 = arith.subi %select_n3A, %sub3A_74 : vector<16xi32>
      %select_n3A_76 = arith.select %ge3A_72, %sub3A_75, %select_n3A : vector<16xi1>, vector<16xi32>
      %add3A_77 = arith.constant 1 : i32
      %add3A_78 = vector.broadcast %add3A_77 : i32 to vector<16xi32>
      %add3A_79 = arith.addi %iota3A, %add3A_78 : vector<16xi32>
      %ge3A_80 = arith.constant 10 : i32
      %ge3A_81 = vector.broadcast %ge3A_80 : i32 to vector<16xi32>
      %ge3A_82 = arith.cmpi sge, %add3A_79, %ge3A_81 : vector<16xi32>
      %sub3A_83 = arith.constant 10 : i32
      %sub3A_84 = vector.broadcast %sub3A_83 : i32 to vector<16xi32>
      %sub3A_85 = arith.subi %add3A_79, %sub3A_84 : vector<16xi32>
      %select_n3A_86 = arith.select %ge3A_82, %sub3A_85, %add3A_79 : vector<16xi1>, vector<16xi32>
      %ge3A_87 = arith.constant 10 : i32
      %ge3A_88 = vector.broadcast %ge3A_87 : i32 to vector<16xi32>
      %ge3A_89 = arith.cmpi sge, %select_n3A_86, %ge3A_88 : vector<16xi32>
      %sub3A_90 = arith.constant 10 : i32
      %sub3A_91 = vector.broadcast %sub3A_90 : i32 to vector<16xi32>
      %sub3A_92 = arith.subi %select_n3A_86, %sub3A_91 : vector<16xi32>
      %select_n3A_93 = arith.select %ge3A_89, %sub3A_92, %select_n3A_86 : vector<16xi1>, vector<16xi32>
      %add3A_94 = arith.constant 2 : i32
      %add3A_95 = vector.broadcast %add3A_94 : i32 to vector<16xi32>
      %add3A_96 = arith.addi %iota3A, %add3A_95 : vector<16xi32>
      %ge3A_97 = arith.constant 10 : i32
      %ge3A_98 = vector.broadcast %ge3A_97 : i32 to vector<16xi32>
      %ge3A_99 = arith.cmpi sge, %add3A_96, %ge3A_98 : vector<16xi32>
      %sub3A_100 = arith.constant 10 : i32
      %sub3A_101 = vector.broadcast %sub3A_100 : i32 to vector<16xi32>
      %sub3A_102 = arith.subi %add3A_96, %sub3A_101 : vector<16xi32>
      %select_n3A_103 = arith.select %ge3A_99, %sub3A_102, %add3A_96 : vector<16xi1>, vector<16xi32>
      %ge3A_104 = arith.constant 10 : i32
      %ge3A_105 = vector.broadcast %ge3A_104 : i32 to vector<16xi32>
      %ge3A_106 = arith.cmpi sge, %select_n3A_103, %ge3A_105 : vector<16xi32>
      %sub3A_107 = arith.constant 10 : i32
      %sub3A_108 = vector.broadcast %sub3A_107 : i32 to vector<16xi32>
      %sub3A_109 = arith.subi %select_n3A_103, %sub3A_108 : vector<16xi32>
      %select_n3A_110 = arith.select %ge3A_106, %sub3A_109, %select_n3A_103 : vector<16xi1>, vector<16xi32>
      %add3A_111 = arith.constant 3 : i32
      %add3A_112 = vector.broadcast %add3A_111 : i32 to vector<16xi32>
      %add3A_113 = arith.addi %iota3A, %add3A_112 : vector<16xi32>
      %ge3A_114 = arith.constant 10 : i32
      %ge3A_115 = vector.broadcast %ge3A_114 : i32 to vector<16xi32>
      %ge3A_116 = arith.cmpi sge, %add3A_113, %ge3A_115 : vector<16xi32>
      %sub3A_117 = arith.constant 10 : i32
      %sub3A_118 = vector.broadcast %sub3A_117 : i32 to vector<16xi32>
      %sub3A_119 = arith.subi %add3A_113, %sub3A_118 : vector<16xi32>
      %select_n3A_120 = arith.select %ge3A_116, %sub3A_119, %add3A_113 : vector<16xi1>, vector<16xi32>
      %ge3A_121 = arith.constant 10 : i32
      %ge3A_122 = vector.broadcast %ge3A_121 : i32 to vector<16xi32>
      %ge3A_123 = arith.cmpi sge, %select_n3A_120, %ge3A_122 : vector<16xi32>
      %sub3A_124 = arith.constant 10 : i32
      %sub3A_125 = vector.broadcast %sub3A_124 : i32 to vector<16xi32>
      %sub3A_126 = arith.subi %select_n3A_120, %sub3A_125 : vector<16xi32>
      %select_n3A_127 = arith.select %ge3A_123, %sub3A_126, %select_n3A_120 : vector<16xi1>, vector<16xi32>
      %add3A_128 = arith.constant 4 : i32
      %add3A_129 = vector.broadcast %add3A_128 : i32 to vector<16xi32>
      %add3A_130 = arith.addi %iota3A, %add3A_129 : vector<16xi32>
      %ge3A_131 = arith.constant 10 : i32
      %ge3A_132 = vector.broadcast %ge3A_131 : i32 to vector<16xi32>
      %ge3A_133 = arith.cmpi sge, %add3A_130, %ge3A_132 : vector<16xi32>
      %sub3A_134 = arith.constant 10 : i32
      %sub3A_135 = vector.broadcast %sub3A_134 : i32 to vector<16xi32>
      %sub3A_136 = arith.subi %add3A_130, %sub3A_135 : vector<16xi32>
      %select_n3A_137 = arith.select %ge3A_133, %sub3A_136, %add3A_130 : vector<16xi1>, vector<16xi32>
      %ge3A_138 = arith.constant 10 : i32
      %ge3A_139 = vector.broadcast %ge3A_138 : i32 to vector<16xi32>
      %ge3A_140 = arith.cmpi sge, %select_n3A_137, %ge3A_139 : vector<16xi32>
      %sub3A_141 = arith.constant 10 : i32
      %sub3A_142 = vector.broadcast %sub3A_141 : i32 to vector<16xi32>
      %sub3A_143 = arith.subi %select_n3A_137, %sub3A_142 : vector<16xi32>
      %select_n3A_144 = arith.select %ge3A_140, %sub3A_143, %select_n3A_137 : vector<16xi1>, vector<16xi32>
      %add3A_145 = arith.constant 5 : i32
      %add3A_146 = vector.broadcast %add3A_145 : i32 to vector<16xi32>
      %add3A_147 = arith.addi %iota3A, %add3A_146 : vector<16xi32>
      %ge3A_148 = arith.constant 10 : i32
      %ge3A_149 = vector.broadcast %ge3A_148 : i32 to vector<16xi32>
      %ge3A_150 = arith.cmpi sge, %add3A_147, %ge3A_149 : vector<16xi32>
      %sub3A_151 = arith.constant 10 : i32
      %sub3A_152 = vector.broadcast %sub3A_151 : i32 to vector<16xi32>
      %sub3A_153 = arith.subi %add3A_147, %sub3A_152 : vector<16xi32>
      %select_n3A_154 = arith.select %ge3A_150, %sub3A_153, %add3A_147 : vector<16xi1>, vector<16xi32>
      %ge3A_155 = arith.constant 10 : i32
      %ge3A_156 = vector.broadcast %ge3A_155 : i32 to vector<16xi32>
      %ge3A_157 = arith.cmpi sge, %select_n3A_154, %ge3A_156 : vector<16xi32>
      %sub3A_158 = arith.constant 10 : i32
      %sub3A_159 = vector.broadcast %sub3A_158 : i32 to vector<16xi32>
      %sub3A_160 = arith.subi %select_n3A_154, %sub3A_159 : vector<16xi32>
      %select_n3A_161 = arith.select %ge3A_157, %sub3A_160, %select_n3A_154 : vector<16xi1>, vector<16xi32>
      %add3A_162 = arith.constant 6 : i32
      %add3A_163 = vector.broadcast %add3A_162 : i32 to vector<16xi32>
      %add3A_164 = arith.addi %iota3A, %add3A_163 : vector<16xi32>
      %ge3A_165 = arith.constant 10 : i32
      %ge3A_166 = vector.broadcast %ge3A_165 : i32 to vector<16xi32>
      %ge3A_167 = arith.cmpi sge, %add3A_164, %ge3A_166 : vector<16xi32>
      %sub3A_168 = arith.constant 10 : i32
      %sub3A_169 = vector.broadcast %sub3A_168 : i32 to vector<16xi32>
      %sub3A_170 = arith.subi %add3A_164, %sub3A_169 : vector<16xi32>
      %select_n3A_171 = arith.select %ge3A_167, %sub3A_170, %add3A_164 : vector<16xi1>, vector<16xi32>
      %ge3A_172 = arith.constant 10 : i32
      %ge3A_173 = vector.broadcast %ge3A_172 : i32 to vector<16xi32>
      %ge3A_174 = arith.cmpi sge, %select_n3A_171, %ge3A_173 : vector<16xi32>
      %sub3A_175 = arith.constant 10 : i32
      %sub3A_176 = vector.broadcast %sub3A_175 : i32 to vector<16xi32>
      %sub3A_177 = arith.subi %select_n3A_171, %sub3A_176 : vector<16xi32>
      %select_n3A_178 = arith.select %ge3A_174, %sub3A_177, %select_n3A_171 : vector<16xi1>, vector<16xi32>
      %add3A_179 = arith.constant 7 : i32
      %add3A_180 = vector.broadcast %add3A_179 : i32 to vector<16xi32>
      %add3A_181 = arith.addi %iota3A, %add3A_180 : vector<16xi32>
      %ge3A_182 = arith.constant 10 : i32
      %ge3A_183 = vector.broadcast %ge3A_182 : i32 to vector<16xi32>
      %ge3A_184 = arith.cmpi sge, %add3A_181, %ge3A_183 : vector<16xi32>
      %sub3A_185 = arith.constant 10 : i32
      %sub3A_186 = vector.broadcast %sub3A_185 : i32 to vector<16xi32>
      %sub3A_187 = arith.subi %add3A_181, %sub3A_186 : vector<16xi32>
      %select_n3A_188 = arith.select %ge3A_184, %sub3A_187, %add3A_181 : vector<16xi1>, vector<16xi32>
      %ge3A_189 = arith.constant 10 : i32
      %ge3A_190 = vector.broadcast %ge3A_189 : i32 to vector<16xi32>
      %ge3A_191 = arith.cmpi sge, %select_n3A_188, %ge3A_190 : vector<16xi32>
      %sub3A_192 = arith.constant 10 : i32
      %sub3A_193 = vector.broadcast %sub3A_192 : i32 to vector<16xi32>
      %sub3A_194 = arith.subi %select_n3A_188, %sub3A_193 : vector<16xi32>
      %select_n3A_195 = arith.select %ge3A_191, %sub3A_194, %select_n3A_188 : vector<16xi1>, vector<16xi32>
      %add3A_196 = arith.constant 8 : i32
      %add3A_197 = vector.broadcast %add3A_196 : i32 to vector<16xi32>
      %add3A_198 = arith.addi %iota3A, %add3A_197 : vector<16xi32>
      %ge3A_199 = arith.constant 10 : i32
      %ge3A_200 = vector.broadcast %ge3A_199 : i32 to vector<16xi32>
      %ge3A_201 = arith.cmpi sge, %add3A_198, %ge3A_200 : vector<16xi32>
      %sub3A_202 = arith.constant 10 : i32
      %sub3A_203 = vector.broadcast %sub3A_202 : i32 to vector<16xi32>
      %sub3A_204 = arith.subi %add3A_198, %sub3A_203 : vector<16xi32>
      %select_n3A_205 = arith.select %ge3A_201, %sub3A_204, %add3A_198 : vector<16xi1>, vector<16xi32>
      %ge3A_206 = arith.constant 10 : i32
      %ge3A_207 = vector.broadcast %ge3A_206 : i32 to vector<16xi32>
      %ge3A_208 = arith.cmpi sge, %select_n3A_205, %ge3A_207 : vector<16xi32>
      %sub3A_209 = arith.constant 10 : i32
      %sub3A_210 = vector.broadcast %sub3A_209 : i32 to vector<16xi32>
      %sub3A_211 = arith.subi %select_n3A_205, %sub3A_210 : vector<16xi32>
      %select_n3A_212 = arith.select %ge3A_208, %sub3A_211, %select_n3A_205 : vector<16xi1>, vector<16xi32>
      %add3A_213 = arith.constant 9 : i32
      %add3A_214 = vector.broadcast %add3A_213 : i32 to vector<16xi32>
      %add3A_215 = arith.addi %iota3A, %add3A_214 : vector<16xi32>
      %ge3A_216 = arith.constant 10 : i32
      %ge3A_217 = vector.broadcast %ge3A_216 : i32 to vector<16xi32>
      %ge3A_218 = arith.cmpi sge, %add3A_215, %ge3A_217 : vector<16xi32>
      %sub3A_219 = arith.constant 10 : i32
      %sub3A_220 = vector.broadcast %sub3A_219 : i32 to vector<16xi32>
      %sub3A_221 = arith.subi %add3A_215, %sub3A_220 : vector<16xi32>
      %select_n3A_222 = arith.select %ge3A_218, %sub3A_221, %add3A_215 : vector<16xi1>, vector<16xi32>
      %ge3A_223 = arith.constant 10 : i32
      %ge3A_224 = vector.broadcast %ge3A_223 : i32 to vector<16xi32>
      %ge3A_225 = arith.cmpi sge, %select_n3A_222, %ge3A_224 : vector<16xi32>
      %sub3A_226 = arith.constant 10 : i32
      %sub3A_227 = vector.broadcast %sub3A_226 : i32 to vector<16xi32>
      %sub3A_228 = arith.subi %select_n3A_222, %sub3A_227 : vector<16xi32>
      %select_n3A_229 = arith.select %ge3A_225, %sub3A_228, %select_n3A_222 : vector<16xi1>, vector<16xi32>
      %scan3A_230 = arith.constant 0 : i32
      %scan3A_231 = arith.constant 0 : i32
      %scan3A_232 = arith.constant 16 : i32
      %scan3A_233 = arith.addi %scan3A_231, %scan3A_232 : i32
      %scan3A_234 = arith.constant 1 : i32
      scf.for %scan3A_846 = %scan3A_231 to %scan3A_233 step %scan3A_234  : i32 {
        %mul3A_847 = arith.constant 16 : i32
        %mul3A_848 = arith.muli %scan3A_846, %mul3A_847 : i32
        %add3A_849 = vector.broadcast %mul3A_848 : i32 to vector<16xi32>
        %add3A_850 = arith.addi %iota3A, %add3A_849 : vector<16xi32>
        %get3A = arith.index_cast %mul3A_848 : i32 to index
        %get3A_851 = tpu.vector_load %arg13[%get3A] {strides = array<i32>} : memref<256xi32, #tpu.memory_space<vmem>>, vector<16xi32>,
        %mul3A_852 = arith.constant 5 : i32
        %mul3A_853 = vector.broadcast %mul3A_852 : i32 to vector<16xi32>
        %mul3A_854 = arith.muli %get3A_851, %mul3A_853 : vector<16xi32>
        %get3A_855 = arith.index_cast %mul3A_848 : i32 to index
        %get3A_856 = tpu.vector_load %arg17[%get3A_855] {strides = array<i32>} : memref<256xi32, #tpu.memory_space<vmem>>, vector<16xi32>,
        %mul3A_857 = arith.constant 5 : i32
        %mul3A_858 = vector.broadcast %mul3A_857 : i32 to vector<16xi32>
        %mul3A_859 = arith.muli %get3A_856, %mul3A_858 : vector<16xi32>
        %add3A_860 = arith.constant 1995 : i32
        %add3A_861 = vector.broadcast %add3A_860 : i32 to vector<16xi32>
        %add3A_862 = arith.addi %mul3A_859, %add3A_861 : vector<16xi32>
        %lt3A_863 = arith.constant 5 : i32
        %lt3A_864 = vector.broadcast %lt3A_863 : i32 to vector<16xi32>
        %lt3A_865 = arith.cmpi slt, %select_n3A_76, %lt3A_864 : vector<16xi32>
        %add3A_866 = arith.addi %mul3A_854, %select_n3A_76 : vector<16xi32>
        %add3A_867 = arith.addi %add3A_862, %select_n3A_76 : vector<16xi32>
        %select_n3A_868 = arith.select %lt3A_865, %add3A_866, %add3A_867 : vector<16xi1>, vector<16xi32>
        %gather3A = tpu.vector_load_idx %arg25[%select_n3A_868] : memref<4000xf32, #tpu.memory_space<vmem>>[vector<16xi32>], vector<16xf32>,
        %add3A_869 = arith.constant 50 : i32
        %add3A_870 = vector.broadcast %add3A_869 : i32 to vector<16xi32>
        %add3A_871 = arith.addi %select_n3A_76, %add3A_870 : vector<16xi32>
        tpu.vector_store_idx %arg21[%add3A_850, %add3A_871], %gather3A : memref<256x64xf32, #tpu.memory_space<vmem>>[vector<16xi32>, vector<16xi32>], vector<16xf32>,
        %lt3A_872 = arith.constant 5 : i32
        %lt3A_873 = vector.broadcast %lt3A_872 : i32 to vector<16xi32>
        %lt3A_874 = arith.cmpi slt, %select_n3A_93, %lt3A_873 : vector<16xi32>
        %add3A_875 = arith.addi %mul3A_854, %select_n3A_93 : vector<16xi32>
        %add3A_876 = arith.addi %add3A_862, %select_n3A_93 : vector<16xi32>
        %select_n3A_877 = arith.select %lt3A_874, %add3A_875, %add3A_876 : vector<16xi1>, vector<16xi32>
        %gather3A_878 = tpu.vector_load_idx %arg25[%select_n3A_877] : memref<4000xf32, #tpu.memory_space<vmem>>[vector<16xi32>], vector<16xf32>,
        %add3A_879 = arith.constant 50 : i32
        %add3A_880 = vector.broadcast %add3A_879 : i32 to vector<16xi32>
        %add3A_881 = arith.addi %select_n3A_93, %add3A_880 : vector<16xi32>
        tpu.vector_store_idx %arg21[%add3A_850, %add3A_881], %gather3A_878 : memref<256x64xf32, #tpu.memory_space<vmem>>[vector<16xi32>, vector<16xi32>], vector<16xf32>,
        %lt3A_882 = arith.constant 5 : i32
        %lt3A_883 = vector.broadcast %lt3A_882 : i32 to vector<16xi32>
        %lt3A_884 = arith.cmpi slt, %select_n3A_110, %lt3A_883 : vector<16xi32>
        %add3A_885 = arith.addi %mul3A_854, %select_n3A_110 : vector<16xi32>
        %add3A_886 = arith.addi %add3A_862, %select_n3A_110 : vector<16xi32>
        %select_n3A_887 = arith.select %lt3A_884, %add3A_885, %add3A_886 : vector<16xi1>, vector<16xi32>
        %gather3A_888 = tpu.vector_load_idx %arg25[%select_n3A_887] : memref<4000xf32, #tpu.memory_space<vmem>>[vector<16xi32>], vector<16xf32>,
        %add3A_889 = arith.constant 50 : i32
        %add3A_890 = vector.broadcast %add3A_889 : i32 to vector<16xi32>
        %add3A_891 = arith.addi %select_n3A_110, %add3A_890 : vector<16xi32>
        tpu.vector_store_idx %arg21[%add3A_850, %add3A_891], %gather3A_888 : memref<256x64xf32, #tpu.memory_space<vmem>>[vector<16xi32>, vector<16xi32>], vector<16xf32>,
        %lt3A_892 = arith.constant 5 : i32
        %lt3A_893 = vector.broadcast %lt3A_892 : i32 to vector<16xi32>
        %lt3A_894 = arith.cmpi slt, %select_n3A_127, %lt3A_893 : vector<16xi32>
        %add3A_895 = arith.addi %mul3A_854, %select_n3A_127 : vector<16xi32>
        %add3A_896 = arith.addi %add3A_862, %select_n3A_127 : vector<16xi32>
        %select_n3A_897 = arith.select %lt3A_894, %add3A_895, %add3A_896 : vector<16xi1>, vector<16xi32>
        %gather3A_898 = tpu.vector_load_idx %arg25[%select_n3A_897] : memref<4000xf32, #tpu.memory_space<vmem>>[vector<16xi32>], vector<16xf32>,
        %add3A_899 = arith.constant 50 : i32
        %add3A_900 = vector.broadcast %add3A_899 : i32 to vector<16xi32>
        %add3A_901 = arith.addi %select_n3A_127, %add3A_900 : vector<16xi32>
        tpu.vector_store_idx %arg21[%add3A_850, %add3A_901], %gather3A_898 : memref<256x64xf32, #tpu.memory_space<vmem>>[vector<16xi32>, vector<16xi32>], vector<16xf32>,
        %lt3A_902 = arith.constant 5 : i32
        %lt3A_903 = vector.broadcast %lt3A_902 : i32 to vector<16xi32>
        %lt3A_904 = arith.cmpi slt, %select_n3A_144, %lt3A_903 : vector<16xi32>
        %add3A_905 = arith.addi %mul3A_854, %select_n3A_144 : vector<16xi32>
        %add3A_906 = arith.addi %add3A_862, %select_n3A_144 : vector<16xi32>
        %select_n3A_907 = arith.select %lt3A_904, %add3A_905, %add3A_906 : vector<16xi1>, vector<16xi32>
        %gather3A_908 = tpu.vector_load_idx %arg25[%select_n3A_907] : memref<4000xf32, #tpu.memory_space<vmem>>[vector<16xi32>], vector<16xf32>,
        %add3A_909 = arith.constant 50 : i32
        %add3A_910 = vector.broadcast %add3A_909 : i32 to vector<16xi32>
        %add3A_911 = arith.addi %select_n3A_144, %add3A_910 : vector<16xi32>
        tpu.vector_store_idx %arg21[%add3A_850, %add3A_911], %gather3A_908 : memref<256x64xf32, #tpu.memory_space<vmem>>[vector<16xi32>, vector<16xi32>], vector<16xf32>,
        %lt3A_912 = arith.constant 5 : i32
        %lt3A_913 = vector.broadcast %lt3A_912 : i32 to vector<16xi32>
        %lt3A_914 = arith.cmpi slt, %select_n3A_161, %lt3A_913 : vector<16xi32>
        %add3A_915 = arith.addi %mul3A_854, %select_n3A_161 : vector<16xi32>
        %add3A_916 = arith.addi %add3A_862, %select_n3A_161 : vector<16xi32>
        %select_n3A_917 = arith.select %lt3A_914, %add3A_915, %add3A_916 : vector<16xi1>, vector<16xi32>
        %gather3A_918 = tpu.vector_load_idx %arg25[%select_n3A_917] : memref<4000xf32, #tpu.memory_space<vmem>>[vector<16xi32>], vector<16xf32>,
        %add3A_919 = arith.constant 50 : i32
        %add3A_920 = vector.broadcast %add3A_919 : i32 to vector<16xi32>
        %add3A_921 = arith.addi %select_n3A_161, %add3A_920 : vector<16xi32>
        tpu.vector_store_idx %arg21[%add3A_850, %add3A_921], %gather3A_918 : memref<256x64xf32, #tpu.memory_space<vmem>>[vector<16xi32>, vector<16xi32>], vector<16xf32>,
        %lt3A_922 = arith.constant 5 : i32
        %lt3A_923 = vector.broadcast %lt3A_922 : i32 to vector<16xi32>
        %lt3A_924 = arith.cmpi slt, %select_n3A_178, %lt3A_923 : vector<16xi32>
        %add3A_925 = arith.addi %mul3A_854, %select_n3A_178 : vector<16xi32>
        %add3A_926 = arith.addi %add3A_862, %select_n3A_178 : vector<16xi32>
        %select_n3A_927 = arith.select %lt3A_924, %add3A_925, %add3A_926 : vector<16xi1>, vector<16xi32>
        %gather3A_928 = tpu.vector_load_idx %arg25[%select_n3A_927] : memref<4000xf32, #tpu.memory_space<vmem>>[vector<16xi32>], vector<16xf32>,
        %add3A_929 = arith.constant 50 : i32
        %add3A_930 = vector.broadcast %add3A_929 : i32 to vector<16xi32>
        %add3A_931 = arith.addi %select_n3A_178, %add3A_930 : vector<16xi32>
        tpu.vector_store_idx %arg21[%add3A_850, %add3A_931], %gather3A_928 : memref<256x64xf32, #tpu.memory_space<vmem>>[vector<16xi32>, vector<16xi32>], vector<16xf32>,
        %lt3A_932 = arith.constant 5 : i32
        %lt3A_933 = vector.broadcast %lt3A_932 : i32 to vector<16xi32>
        %lt3A_934 = arith.cmpi slt, %select_n3A_195, %lt3A_933 : vector<16xi32>
        %add3A_935 = arith.addi %mul3A_854, %select_n3A_195 : vector<16xi32>
        %add3A_936 = arith.addi %add3A_862, %select_n3A_195 : vector<16xi32>
        %select_n3A_937 = arith.select %lt3A_934, %add3A_935, %add3A_936 : vector<16xi1>, vector<16xi32>
        %gather3A_938 = tpu.vector_load_idx %arg25[%select_n3A_937] : memref<4000xf32, #tpu.memory_space<vmem>>[vector<16xi32>], vector<16xf32>,
        %add3A_939 = arith.constant 50 : i32
        %add3A_940 = vector.broadcast %add3A_939 : i32 to vector<16xi32>
        %add3A_941 = arith.addi %select_n3A_195, %add3A_940 : vector<16xi32>
        tpu.vector_store_idx %arg21[%add3A_850, %add3A_941], %gather3A_938 : memref<256x64xf32, #tpu.memory_space<vmem>>[vector<16xi32>, vector<16xi32>], vector<16xf32>,
        %lt3A_942 = arith.constant 5 : i32
        %lt3A_943 = vector.broadcast %lt3A_942 : i32 to vector<16xi32>
        %lt3A_944 = arith.cmpi slt, %select_n3A_212, %lt3A_943 : vector<16xi32>
        %add3A_945 = arith.addi %mul3A_854, %select_n3A_212 : vector<16xi32>
        %add3A_946 = arith.addi %add3A_862, %select_n3A_212 : vector<16xi32>
        %select_n3A_947 = arith.select %lt3A_944, %add3A_945, %add3A_946 : vector<16xi1>, vector<16xi32>
        %gather3A_948 = tpu.vector_load_idx %arg25[%select_n3A_947] : memref<4000xf32, #tpu.memory_space<vmem>>[vector<16xi32>], vector<16xf32>,
        %add3A_949 = arith.constant 50 : i32
        %add3A_950 = vector.broadcast %add3A_949 : i32 to vector<16xi32>
        %add3A_951 = arith.addi %select_n3A_212, %add3A_950 : vector<16xi32>
        tpu.vector_store_idx %arg21[%add3A_850, %add3A_951], %gather3A_948 : memref<256x64xf32, #tpu.memory_space<vmem>>[vector<16xi32>, vector<16xi32>], vector<16xf32>,
        %lt3A_952 = arith.constant 5 : i32
        %lt3A_953 = vector.broadcast %lt3A_952 : i32 to vector<16xi32>
        %lt3A_954 = arith.cmpi slt, %select_n3A_229, %lt3A_953 : vector<16xi32>
        %add3A_955 = arith.addi %mul3A_854, %select_n3A_229 : vector<16xi32>
        %add3A_956 = arith.addi %add3A_862, %select_n3A_229 : vector<16xi32>
        %select_n3A_957 = arith.select %lt3A_954, %add3A_955, %add3A_956 : vector<16xi1>, vector<16xi32>
        %gather3A_958 = tpu.vector_load_idx %arg25[%select_n3A_957] : memref<4000xf32, #tpu.memory_space<vmem>>[vector<16xi32>], vector<16xf32>,
        %add3A_959 = arith.constant 50 : i32
        %add3A_960 = vector.broadcast %add3A_959 : i32 to vector<16xi32>
        %add3A_961 = arith.addi %select_n3A_229, %add3A_960 : vector<16xi32>
        tpu.vector_store_idx %arg21[%add3A_850, %add3A_961], %gather3A_958 : memref<256x64xf32, #tpu.memory_space<vmem>>[vector<16xi32>, vector<16xi32>], vector<16xf32>,
      }
      %scan3A_235 = arith.constant 16 : i32
      %mul3A_236 = arith.constant 256 : i32
      %mul3A_237 = arith.muli %add3A_52, %mul3A_236 : i32
      %add3A_238 = arith.addi %mul3A_2, %mul3A_237 : i32
      %dma_start3A_239 = arith.constant 0 : i32
      %dma_start3A_240 = tpu.memref_slice %arg8[%add3A_238, %dma_start3A_239] : memref<819200x64xf32, #tpu.memory_space<hbm>> -> memref<256x64xf32, #tpu.memory_space<hbm>>
      %dma_start3A_241 = arith.constant 0 : i32
      %dma_start3A_242 = tpu.memref_slice %arg8[%add3A_238, %dma_start3A_241] : memref<819200x64xf32, #tpu.memory_space<hbm>> -> memref<256x64xf32, #tpu.memory_space<hbm>>
      tpu.enqueue_dma source(%arg21 : memref<256x64xf32, #tpu.memory_space<vmem>>) target(%dma_start3A_242 : memref<256x64xf32, #tpu.memory_space<hbm>>) target_semaphore(%arg30 : memref<!tpu.dma_semaphore, #tpu.memory_space<semaphore_mem>>)
      %mul3A_243 = arith.constant 4 : i32
      %mul3A_244 = arith.muli %mul3A_243, %scan3A_48 : i32
      %add3A_245 = arith.constant 1 : i32
      %add3A_246 = arith.addi %mul3A_244, %add3A_245 : i32
      %dma_wait3A_247 = arith.constant 0 : i32
      %dma_wait3A_248 = arith.constant 0 : i32
      %dma_wait3A_249 = tpu.memref_slice %arg2[%dma_wait3A_247, %dma_wait3A_248] : memref<100002x64xf32, #tpu.memory_space<hbm>> -> memref<256x64xf32, #tpu.memory_space<hbm>>
      %dma_wait3A_250 = arith.constant 0 : i32
      %dma_wait3A_251 = arith.constant 0 : i32
      %dma_wait3A_252 = tpu.memref_slice %arg2[%dma_wait3A_250, %dma_wait3A_251] : memref<100002x64xf32, #tpu.memory_space<hbm>> -> memref<256x64xf32, #tpu.memory_space<hbm>>
      tpu.wait_dma2 semaphore(%arg27 : memref<!tpu.dma_semaphore, #tpu.memory_space<semaphore_mem>>) src(%dma_wait3A_252 : memref<256x64xf32, #tpu.memory_space<hbm>>) dst(%arg22 : memref<256x64xf32, #tpu.memory_space<vmem>>)
      %add3A_253 = arith.constant 1 : i32
      %add3A_254 = arith.addi %add3A_246, %add3A_253 : i32
      %lt3A_255 = arith.constant 100 : i32
      %lt3A_256 = arith.cmpi slt, %add3A_254, %lt3A_255 : i32
      %convert_element_type3A_257 = arith.extui %lt3A_256 : i1 to i32
      %cond3A_258 = arith.constant 0 : i32
      %cond3A_259 = arith.cmpi ne, %convert_element_type3A_257, %cond3A_258 : i32
      scf.if %cond3A_259 {
        %ge3A_846 = arith.constant 3 : i32
        %ge3A_847 = arith.cmpi sge, %add3A_246, %ge3A_846 : i32
        %convert_element_type3A_848 = arith.extui %ge3A_847 : i1 to i32
        %cond3A_849 = arith.constant 0 : i32
        %cond3A_850 = arith.cmpi ne, %convert_element_type3A_848, %cond3A_849 : i32
        scf.if %cond3A_850 {
          %dma_wait3A_872 = arith.constant 0 : i32
          %dma_wait3A_873 = arith.constant 0 : i32
          %dma_wait3A_874 = tpu.memref_slice %arg8[%dma_wait3A_872, %dma_wait3A_873] : memref<819200x64xf32, #tpu.memory_space<hbm>> -> memref<256x64xf32, #tpu.memory_space<hbm>>
          %dma_wait3A_875 = arith.constant 0 : i32
          %dma_wait3A_876 = arith.constant 0 : i32
          %dma_wait3A_877 = tpu.memref_slice %arg8[%dma_wait3A_875, %dma_wait3A_876] : memref<819200x64xf32, #tpu.memory_space<hbm>> -> memref<256x64xf32, #tpu.memory_space<hbm>>
          tpu.wait_dma2 semaphore(%arg32 : memref<!tpu.dma_semaphore, #tpu.memory_space<semaphore_mem>>) src(%arg23 : memref<256x64xf32, #tpu.memory_space<vmem>>) dst(%dma_wait3A_877 : memref<256x64xf32, #tpu.memory_space<hbm>>)
        } else {
        }
        %add3A_851 = arith.constant 1 : i32
        %add3A_852 = arith.addi %add3A_246, %add3A_851 : i32
        %mul3A_853 = arith.constant 256 : i32
        %mul3A_854 = arith.muli %add3A_852, %mul3A_853 : i32
        %add3A_855 = arith.addi %mul3A_2, %mul3A_854 : i32
        "tpu.region"() ({
          %run_scoped3A = tpu.sem_alloc : memref<!tpu.dma_semaphore, #tpu.memory_space<semaphore_mem>>
          %dma_start3A_872 = tpu.memref_slice %arg3[%add3A_855] : memref<819200xi32, #tpu.memory_space<hbm>> -> memref<256xi32, #tpu.memory_space<hbm>>
          %dma_start3A_873 = tpu.memref_slice %arg3[%add3A_855] : memref<819200xi32, #tpu.memory_space<hbm>> -> memref<256xi32, #tpu.memory_space<hbm>>
          tpu.enqueue_dma source(%dma_start3A_873 : memref<256xi32, #tpu.memory_space<hbm>>) target(%arg11 : memref<256xi32, #tpu.memory_space<vmem>>) target_semaphore(%run_scoped3A : memref<!tpu.dma_semaphore, #tpu.memory_space<semaphore_mem>>)
          %dma_wait3A_874 = tpu.memref_slice %arg3[%add3A_855] : memref<819200xi32, #tpu.memory_space<hbm>> -> memref<256xi32, #tpu.memory_space<hbm>>
          %dma_wait3A_875 = tpu.memref_slice %arg3[%add3A_855] : memref<819200xi32, #tpu.memory_space<hbm>> -> memref<256xi32, #tpu.memory_space<hbm>>
          tpu.wait_dma2 semaphore(%run_scoped3A : memref<!tpu.dma_semaphore, #tpu.memory_space<semaphore_mem>>) src(%dma_wait3A_875 : memref<256xi32, #tpu.memory_space<hbm>>) dst(%arg11 : memref<256xi32, #tpu.memory_space<vmem>>)
          tpu.yield
        }) : () -> ()
        "tpu.region"() ({
          %run_scoped3A = tpu.sem_alloc : memref<!tpu.dma_semaphore, #tpu.memory_space<semaphore_mem>>
          %dma_start3A_872 = tpu.memref_slice %arg4[%add3A_855] : memref<819200xi32, #tpu.memory_space<hbm>> -> memref<256xi32, #tpu.memory_space<hbm>>
          %dma_start3A_873 = tpu.memref_slice %arg4[%add3A_855] : memref<819200xi32, #tpu.memory_space<hbm>> -> memref<256xi32, #tpu.memory_space<hbm>>
          tpu.enqueue_dma source(%dma_start3A_873 : memref<256xi32, #tpu.memory_space<hbm>>) target(%arg15 : memref<256xi32, #tpu.memory_space<vmem>>) target_semaphore(%run_scoped3A : memref<!tpu.dma_semaphore, #tpu.memory_space<semaphore_mem>>)
          %dma_wait3A_874 = tpu.memref_slice %arg4[%add3A_855] : memref<819200xi32, #tpu.memory_space<hbm>> -> memref<256xi32, #tpu.memory_space<hbm>>
          %dma_wait3A_875 = tpu.memref_slice %arg4[%add3A_855] : memref<819200xi32, #tpu.memory_space<hbm>> -> memref<256xi32, #tpu.memory_space<hbm>>
          tpu.wait_dma2 semaphore(%run_scoped3A : memref<!tpu.dma_semaphore, #tpu.memory_space<semaphore_mem>>) src(%dma_wait3A_875 : memref<256xi32, #tpu.memory_space<hbm>>) dst(%arg15 : memref<256xi32, #tpu.memory_space<vmem>>)
          tpu.yield
        }) : () -> ()
        "tpu.region"() ({
          %run_scoped3A = tpu.sem_alloc : memref<!tpu.dma_semaphore, #tpu.memory_space<semaphore_mem>>
          %dma_start3A_872 = tpu.memref_slice %arg5[%add3A_855] : memref<819200xi32, #tpu.memory_space<hbm>> -> memref<256xi32, #tpu.memory_space<hbm>>
          %dma_start3A_873 = tpu.memref_slice %arg5[%add3A_855] : memref<819200xi32, #tpu.memory_space<hbm>> -> memref<256xi32, #tpu.memory_space<hbm>>
          tpu.enqueue_dma source(%dma_start3A_873 : memref<256xi32, #tpu.memory_space<hbm>>) target(%arg19 : memref<256xi32, #tpu.memory_space<vmem>>) target_semaphore(%run_scoped3A : memref<!tpu.dma_semaphore, #tpu.memory_space<semaphore_mem>>)
          %dma_wait3A_874 = tpu.memref_slice %arg5[%add3A_855] : memref<819200xi32, #tpu.memory_space<hbm>> -> memref<256xi32, #tpu.memory_space<hbm>>
          %dma_wait3A_875 = tpu.memref_slice %arg5[%add3A_855] : memref<819200xi32, #tpu.memory_space<hbm>> -> memref<256xi32, #tpu.memory_space<hbm>>
          tpu.wait_dma2 semaphore(%run_scoped3A : memref<!tpu.dma_semaphore, #tpu.memory_space<semaphore_mem>>) src(%dma_wait3A_875 : memref<256xi32, #tpu.memory_space<hbm>>) dst(%arg19 : memref<256xi32, #tpu.memory_space<vmem>>)
          tpu.yield
        }) : () -> ()
        %dma_start3A_856 = arith.constant 0 : i32
        %dma_start3A_857 = arith.constant 0 : i32
        %dma_start3A_858 = tpu.memref_slice %arg23[%dma_start3A_856, %dma_start3A_857] : memref<256x64xf32, #tpu.memory_space<vmem>> -> memref<128x64xf32, #tpu.memory_space<vmem>>
        %dma_start3A_859 = arith.constant 0 : i32
        %dma_start3A_860 = tpu.memref_slice %arg11[%dma_start3A_859] : memref<256xi32, #tpu.memory_space<vmem>> -> memref<128xi32, #tpu.memory_space<vmem>>
        %dma_start3A_861 = arith.constant 0 : i32
        %dma_start3A_862 = arith.constant 0 : i32
        %dma_start3A_863 = tpu.memref_slice %arg2[%dma_start3A_861, %dma_start3A_862] : memref<100002x64xf32, #tpu.memory_space<hbm>> -> memref<100002x64xf32, #tpu.memory_space<hbm>>
        tpu.enqueue_indirect_dma source(%dma_start3A_863 : memref<100002x64xf32, #tpu.memory_space<hbm>>) target(%dma_start3A_858 : memref<128x64xf32, #tpu.memory_space<vmem>>) offsets(%dma_start3A_860 : memref<128xi32, #tpu.memory_space<vmem>>) semaphore(%arg28 : memref<!tpu.dma_semaphore, #tpu.memory_space<semaphore_mem>>)
        %dma_start3A_864 = arith.constant 128 : i32
        %dma_start3A_865 = arith.constant 0 : i32
        %dma_start3A_866 = tpu.memref_slice %arg23[%dma_start3A_864, %dma_start3A_865] : memref<256x64xf32, #tpu.memory_space<vmem>> -> memref<128x64xf32, #tpu.memory_space<vmem>>
        %dma_start3A_867 = arith.constant 128 : i32
        %dma_start3A_868 = tpu.memref_slice %arg11[%dma_start3A_867] : memref<256xi32, #tpu.memory_space<vmem>> -> memref<128xi32, #tpu.memory_space<vmem>>
        %dma_start3A_869 = arith.constant 0 : i32
        %dma_start3A_870 = arith.constant 0 : i32
        %dma_start3A_871 = tpu.memref_slice %arg2[%dma_start3A_869, %dma_start3A_870] : memref<100002x64xf32, #tpu.memory_space<hbm>> -> memref<100002x64xf32, #tpu.memory_space<hbm>>
        tpu.enqueue_indirect_dma source(%dma_start3A_871 : memref<100002x64xf32, #tpu.memory_space<hbm>>) target(%dma_start3A_866 : memref<128x64xf32, #tpu.memory_space<vmem>>) offsets(%dma_start3A_868 : memref<128xi32, #tpu.memory_space<vmem>>) semaphore(%arg28 : memref<!tpu.dma_semaphore, #tpu.memory_space<semaphore_mem>>)
      } else {
      }
      %iota3A_260 = tpu.iota {dimensions = array<i32: 0>} : vector<16xi32>
      %add3A_261 = arith.constant 0 : i32
      %add3A_262 = vector.broadcast %add3A_261 : i32 to vector<16xi32>
      %add3A_263 = arith.addi %iota3A_260, %add3A_262 : vector<16xi32>
      %ge3A_264 = arith.constant 10 : i32
      %ge3A_265 = vector.broadcast %ge3A_264 : i32 to vector<16xi32>
      %ge3A_266 = arith.cmpi sge, %add3A_263, %ge3A_265 : vector<16xi32>
      %sub3A_267 = arith.constant 10 : i32
      %sub3A_268 = vector.broadcast %sub3A_267 : i32 to vector<16xi32>
      %sub3A_269 = arith.subi %add3A_263, %sub3A_268 : vector<16xi32>
      %select_n3A_270 = arith.select %ge3A_266, %sub3A_269, %add3A_263 : vector<16xi1>, vector<16xi32>
      %ge3A_271 = arith.constant 10 : i32
      %ge3A_272 = vector.broadcast %ge3A_271 : i32 to vector<16xi32>
      %ge3A_273 = arith.cmpi sge, %select_n3A_270, %ge3A_272 : vector<16xi32>
      %sub3A_274 = arith.constant 10 : i32
      %sub3A_275 = vector.broadcast %sub3A_274 : i32 to vector<16xi32>
      %sub3A_276 = arith.subi %select_n3A_270, %sub3A_275 : vector<16xi32>
      %select_n3A_277 = arith.select %ge3A_273, %sub3A_276, %select_n3A_270 : vector<16xi1>, vector<16xi32>
      %add3A_278 = arith.constant 1 : i32
      %add3A_279 = vector.broadcast %add3A_278 : i32 to vector<16xi32>
      %add3A_280 = arith.addi %iota3A_260, %add3A_279 : vector<16xi32>
      %ge3A_281 = arith.constant 10 : i32
      %ge3A_282 = vector.broadcast %ge3A_281 : i32 to vector<16xi32>
      %ge3A_283 = arith.cmpi sge, %add3A_280, %ge3A_282 : vector<16xi32>
      %sub3A_284 = arith.constant 10 : i32
      %sub3A_285 = vector.broadcast %sub3A_284 : i32 to vector<16xi32>
      %sub3A_286 = arith.subi %add3A_280, %sub3A_285 : vector<16xi32>
      %select_n3A_287 = arith.select %ge3A_283, %sub3A_286, %add3A_280 : vector<16xi1>, vector<16xi32>
      %ge3A_288 = arith.constant 10 : i32
      %ge3A_289 = vector.broadcast %ge3A_288 : i32 to vector<16xi32>
      %ge3A_290 = arith.cmpi sge, %select_n3A_287, %ge3A_289 : vector<16xi32>
      %sub3A_291 = arith.constant 10 : i32
      %sub3A_292 = vector.broadcast %sub3A_291 : i32 to vector<16xi32>
      %sub3A_293 = arith.subi %select_n3A_287, %sub3A_292 : vector<16xi32>
      %select_n3A_294 = arith.select %ge3A_290, %sub3A_293, %select_n3A_287 : vector<16xi1>, vector<16xi32>
      %add3A_295 = arith.constant 2 : i32
      %add3A_296 = vector.broadcast %add3A_295 : i32 to vector<16xi32>
      %add3A_297 = arith.addi %iota3A_260, %add3A_296 : vector<16xi32>
      %ge3A_298 = arith.constant 10 : i32
      %ge3A_299 = vector.broadcast %ge3A_298 : i32 to vector<16xi32>
      %ge3A_300 = arith.cmpi sge, %add3A_297, %ge3A_299 : vector<16xi32>
      %sub3A_301 = arith.constant 10 : i32
      %sub3A_302 = vector.broadcast %sub3A_301 : i32 to vector<16xi32>
      %sub3A_303 = arith.subi %add3A_297, %sub3A_302 : vector<16xi32>
      %select_n3A_304 = arith.select %ge3A_300, %sub3A_303, %add3A_297 : vector<16xi1>, vector<16xi32>
      %ge3A_305 = arith.constant 10 : i32
      %ge3A_306 = vector.broadcast %ge3A_305 : i32 to vector<16xi32>
      %ge3A_307 = arith.cmpi sge, %select_n3A_304, %ge3A_306 : vector<16xi32>
      %sub3A_308 = arith.constant 10 : i32
      %sub3A_309 = vector.broadcast %sub3A_308 : i32 to vector<16xi32>
      %sub3A_310 = arith.subi %select_n3A_304, %sub3A_309 : vector<16xi32>
      %select_n3A_311 = arith.select %ge3A_307, %sub3A_310, %select_n3A_304 : vector<16xi1>, vector<16xi32>
      %add3A_312 = arith.constant 3 : i32
      %add3A_313 = vector.broadcast %add3A_312 : i32 to vector<16xi32>
      %add3A_314 = arith.addi %iota3A_260, %add3A_313 : vector<16xi32>
      %ge3A_315 = arith.constant 10 : i32
      %ge3A_316 = vector.broadcast %ge3A_315 : i32 to vector<16xi32>
      %ge3A_317 = arith.cmpi sge, %add3A_314, %ge3A_316 : vector<16xi32>
      %sub3A_318 = arith.constant 10 : i32
      %sub3A_319 = vector.broadcast %sub3A_318 : i32 to vector<16xi32>
      %sub3A_320 = arith.subi %add3A_314, %sub3A_319 : vector<16xi32>
      %select_n3A_321 = arith.select %ge3A_317, %sub3A_320, %add3A_314 : vector<16xi1>, vector<16xi32>
      %ge3A_322 = arith.constant 10 : i32
      %ge3A_323 = vector.broadcast %ge3A_322 : i32 to vector<16xi32>
      %ge3A_324 = arith.cmpi sge, %select_n3A_321, %ge3A_323 : vector<16xi32>
      %sub3A_325 = arith.constant 10 : i32
      %sub3A_326 = vector.broadcast %sub3A_325 : i32 to vector<16xi32>
      %sub3A_327 = arith.subi %select_n3A_321, %sub3A_326 : vector<16xi32>
      %select_n3A_328 = arith.select %ge3A_324, %sub3A_327, %select_n3A_321 : vector<16xi1>, vector<16xi32>
      %add3A_329 = arith.constant 4 : i32
      %add3A_330 = vector.broadcast %add3A_329 : i32 to vector<16xi32>
      %add3A_331 = arith.addi %iota3A_260, %add3A_330 : vector<16xi32>
      %ge3A_332 = arith.constant 10 : i32
      %ge3A_333 = vector.broadcast %ge3A_332 : i32 to vector<16xi32>
      %ge3A_334 = arith.cmpi sge, %add3A_331, %ge3A_333 : vector<16xi32>
      %sub3A_335 = arith.constant 10 : i32
      %sub3A_336 = vector.broadcast %sub3A_335 : i32 to vector<16xi32>
      %sub3A_337 = arith.subi %add3A_331, %sub3A_336 : vector<16xi32>
      %select_n3A_338 = arith.select %ge3A_334, %sub3A_337, %add3A_331 : vector<16xi1>, vector<16xi32>
      %ge3A_339 = arith.constant 10 : i32
      %ge3A_340 = vector.broadcast %ge3A_339 : i32 to vector<16xi32>
      %ge3A_341 = arith.cmpi sge, %select_n3A_338, %ge3A_340 : vector<16xi32>
      %sub3A_342 = arith.constant 10 : i32
      %sub3A_343 = vector.broadcast %sub3A_342 : i32 to vector<16xi32>
      %sub3A_344 = arith.subi %select_n3A_338, %sub3A_343 : vector<16xi32>
      %select_n3A_345 = arith.select %ge3A_341, %sub3A_344, %select_n3A_338 : vector<16xi1>, vector<16xi32>
      %add3A_346 = arith.constant 5 : i32
      %add3A_347 = vector.broadcast %add3A_346 : i32 to vector<16xi32>
      %add3A_348 = arith.addi %iota3A_260, %add3A_347 : vector<16xi32>
      %ge3A_349 = arith.constant 10 : i32
      %ge3A_350 = vector.broadcast %ge3A_349 : i32 to vector<16xi32>
      %ge3A_351 = arith.cmpi sge, %add3A_348, %ge3A_350 : vector<16xi32>
      %sub3A_352 = arith.constant 10 : i32
      %sub3A_353 = vector.broadcast %sub3A_352 : i32 to vector<16xi32>
      %sub3A_354 = arith.subi %add3A_348, %sub3A_353 : vector<16xi32>
      %select_n3A_355 = arith.select %ge3A_351, %sub3A_354, %add3A_348 : vector<16xi1>, vector<16xi32>
      %ge3A_356 = arith.constant 10 : i32
      %ge3A_357 = vector.broadcast %ge3A_356 : i32 to vector<16xi32>
      %ge3A_358 = arith.cmpi sge, %select_n3A_355, %ge3A_357 : vector<16xi32>
      %sub3A_359 = arith.constant 10 : i32
      %sub3A_360 = vector.broadcast %sub3A_359 : i32 to vector<16xi32>
      %sub3A_361 = arith.subi %select_n3A_355, %sub3A_360 : vector<16xi32>
      %select_n3A_362 = arith.select %ge3A_358, %sub3A_361, %select_n3A_355 : vector<16xi1>, vector<16xi32>
      %add3A_363 = arith.constant 6 : i32
      %add3A_364 = vector.broadcast %add3A_363 : i32 to vector<16xi32>
      %add3A_365 = arith.addi %iota3A_260, %add3A_364 : vector<16xi32>
      %ge3A_366 = arith.constant 10 : i32
      %ge3A_367 = vector.broadcast %ge3A_366 : i32 to vector<16xi32>
      %ge3A_368 = arith.cmpi sge, %add3A_365, %ge3A_367 : vector<16xi32>
      %sub3A_369 = arith.constant 10 : i32
      %sub3A_370 = vector.broadcast %sub3A_369 : i32 to vector<16xi32>
      %sub3A_371 = arith.subi %add3A_365, %sub3A_370 : vector<16xi32>
      %select_n3A_372 = arith.select %ge3A_368, %sub3A_371, %add3A_365 : vector<16xi1>, vector<16xi32>
      %ge3A_373 = arith.constant 10 : i32
      %ge3A_374 = vector.broadcast %ge3A_373 : i32 to vector<16xi32>
      %ge3A_375 = arith.cmpi sge, %select_n3A_372, %ge3A_374 : vector<16xi32>
      %sub3A_376 = arith.constant 10 : i32
      %sub3A_377 = vector.broadcast %sub3A_376 : i32 to vector<16xi32>
      %sub3A_378 = arith.subi %select_n3A_372, %sub3A_377 : vector<16xi32>
      %select_n3A_379 = arith.select %ge3A_375, %sub3A_378, %select_n3A_372 : vector<16xi1>, vector<16xi32>
      %add3A_380 = arith.constant 7 : i32
      %add3A_381 = vector.broadcast %add3A_380 : i32 to vector<16xi32>
      %add3A_382 = arith.addi %iota3A_260, %add3A_381 : vector<16xi32>
      %ge3A_383 = arith.constant 10 : i32
      %ge3A_384 = vector.broadcast %ge3A_383 : i32 to vector<16xi32>
      %ge3A_385 = arith.cmpi sge, %add3A_382, %ge3A_384 : vector<16xi32>
      %sub3A_386 = arith.constant 10 : i32
      %sub3A_387 = vector.broadcast %sub3A_386 : i32 to vector<16xi32>
      %sub3A_388 = arith.subi %add3A_382, %sub3A_387 : vector<16xi32>
      %select_n3A_389 = arith.select %ge3A_385, %sub3A_388, %add3A_382 : vector<16xi1>, vector<16xi32>
      %ge3A_390 = arith.constant 10 : i32
      %ge3A_391 = vector.broadcast %ge3A_390 : i32 to vector<16xi32>
      %ge3A_392 = arith.cmpi sge, %select_n3A_389, %ge3A_391 : vector<16xi32>
      %sub3A_393 = arith.constant 10 : i32
      %sub3A_394 = vector.broadcast %sub3A_393 : i32 to vector<16xi32>
      %sub3A_395 = arith.subi %select_n3A_389, %sub3A_394 : vector<16xi32>
      %select_n3A_396 = arith.select %ge3A_392, %sub3A_395, %select_n3A_389 : vector<16xi1>, vector<16xi32>
      %add3A_397 = arith.constant 8 : i32
      %add3A_398 = vector.broadcast %add3A_397 : i32 to vector<16xi32>
      %add3A_399 = arith.addi %iota3A_260, %add3A_398 : vector<16xi32>
      %ge3A_400 = arith.constant 10 : i32
      %ge3A_401 = vector.broadcast %ge3A_400 : i32 to vector<16xi32>
      %ge3A_402 = arith.cmpi sge, %add3A_399, %ge3A_401 : vector<16xi32>
      %sub3A_403 = arith.constant 10 : i32
      %sub3A_404 = vector.broadcast %sub3A_403 : i32 to vector<16xi32>
      %sub3A_405 = arith.subi %add3A_399, %sub3A_404 : vector<16xi32>
      %select_n3A_406 = arith.select %ge3A_402, %sub3A_405, %add3A_399 : vector<16xi1>, vector<16xi32>
      %ge3A_407 = arith.constant 10 : i32
      %ge3A_408 = vector.broadcast %ge3A_407 : i32 to vector<16xi32>
      %ge3A_409 = arith.cmpi sge, %select_n3A_406, %ge3A_408 : vector<16xi32>
      %sub3A_410 = arith.constant 10 : i32
      %sub3A_411 = vector.broadcast %sub3A_410 : i32 to vector<16xi32>
      %sub3A_412 = arith.subi %select_n3A_406, %sub3A_411 : vector<16xi32>
      %select_n3A_413 = arith.select %ge3A_409, %sub3A_412, %select_n3A_406 : vector<16xi1>, vector<16xi32>
      %add3A_414 = arith.constant 9 : i32
      %add3A_415 = vector.broadcast %add3A_414 : i32 to vector<16xi32>
      %add3A_416 = arith.addi %iota3A_260, %add3A_415 : vector<16xi32>
      %ge3A_417 = arith.constant 10 : i32
      %ge3A_418 = vector.broadcast %ge3A_417 : i32 to vector<16xi32>
      %ge3A_419 = arith.cmpi sge, %add3A_416, %ge3A_418 : vector<16xi32>
      %sub3A_420 = arith.constant 10 : i32
      %sub3A_421 = vector.broadcast %sub3A_420 : i32 to vector<16xi32>
      %sub3A_422 = arith.subi %add3A_416, %sub3A_421 : vector<16xi32>
      %select_n3A_423 = arith.select %ge3A_419, %sub3A_422, %add3A_416 : vector<16xi1>, vector<16xi32>
      %ge3A_424 = arith.constant 10 : i32
      %ge3A_425 = vector.broadcast %ge3A_424 : i32 to vector<16xi32>
      %ge3A_426 = arith.cmpi sge, %select_n3A_423, %ge3A_425 : vector<16xi32>
      %sub3A_427 = arith.constant 10 : i32
      %sub3A_428 = vector.broadcast %sub3A_427 : i32 to vector<16xi32>
      %sub3A_429 = arith.subi %select_n3A_423, %sub3A_428 : vector<16xi32>
      %select_n3A_430 = arith.select %ge3A_426, %sub3A_429, %select_n3A_423 : vector<16xi1>, vector<16xi32>
      %scan3A_431 = arith.constant 0 : i32
      %scan3A_432 = arith.constant 0 : i32
      %scan3A_433 = arith.constant 16 : i32
      %scan3A_434 = arith.addi %scan3A_432, %scan3A_433 : i32
      %scan3A_435 = arith.constant 1 : i32
      scf.for %scan3A_846 = %scan3A_432 to %scan3A_434 step %scan3A_435  : i32 {
        %mul3A_847 = arith.constant 16 : i32
        %mul3A_848 = arith.muli %scan3A_846, %mul3A_847 : i32
        %add3A_849 = vector.broadcast %mul3A_848 : i32 to vector<16xi32>
        %add3A_850 = arith.addi %iota3A_260, %add3A_849 : vector<16xi32>
        %get3A = arith.index_cast %mul3A_848 : i32 to index
        %get3A_851 = tpu.vector_load %arg14[%get3A] {strides = array<i32>} : memref<256xi32, #tpu.memory_space<vmem>>, vector<16xi32>,
        %mul3A_852 = arith.constant 5 : i32
        %mul3A_853 = vector.broadcast %mul3A_852 : i32 to vector<16xi32>
        %mul3A_854 = arith.muli %get3A_851, %mul3A_853 : vector<16xi32>
        %get3A_855 = arith.index_cast %mul3A_848 : i32 to index
        %get3A_856 = tpu.vector_load %arg18[%get3A_855] {strides = array<i32>} : memref<256xi32, #tpu.memory_space<vmem>>, vector<16xi32>,
        %mul3A_857 = arith.constant 5 : i32
        %mul3A_858 = vector.broadcast %mul3A_857 : i32 to vector<16xi32>
        %mul3A_859 = arith.muli %get3A_856, %mul3A_858 : vector<16xi32>
        %add3A_860 = arith.constant 1995 : i32
        %add3A_861 = vector.broadcast %add3A_860 : i32 to vector<16xi32>
        %add3A_862 = arith.addi %mul3A_859, %add3A_861 : vector<16xi32>
        %lt3A_863 = arith.constant 5 : i32
        %lt3A_864 = vector.broadcast %lt3A_863 : i32 to vector<16xi32>
        %lt3A_865 = arith.cmpi slt, %select_n3A_277, %lt3A_864 : vector<16xi32>
        %add3A_866 = arith.addi %mul3A_854, %select_n3A_277 : vector<16xi32>
        %add3A_867 = arith.addi %add3A_862, %select_n3A_277 : vector<16xi32>
        %select_n3A_868 = arith.select %lt3A_865, %add3A_866, %add3A_867 : vector<16xi1>, vector<16xi32>
        %gather3A = tpu.vector_load_idx %arg25[%select_n3A_868] : memref<4000xf32, #tpu.memory_space<vmem>>[vector<16xi32>], vector<16xf32>,
        %add3A_869 = arith.constant 50 : i32
        %add3A_870 = vector.broadcast %add3A_869 : i32 to vector<16xi32>
        %add3A_871 = arith.addi %select_n3A_277, %add3A_870 : vector<16xi32>
        tpu.vector_store_idx %arg22[%add3A_850, %add3A_871], %gather3A : memref<256x64xf32, #tpu.memory_space<vmem>>[vector<16xi32>, vector<16xi32>], vector<16xf32>,
        %lt3A_872 = arith.constant 5 : i32
        %lt3A_873 = vector.broadcast %lt3A_872 : i32 to vector<16xi32>
        %lt3A_874 = arith.cmpi slt, %select_n3A_294, %lt3A_873 : vector<16xi32>
        %add3A_875 = arith.addi %mul3A_854, %select_n3A_294 : vector<16xi32>
        %add3A_876 = arith.addi %add3A_862, %select_n3A_294 : vector<16xi32>
        %select_n3A_877 = arith.select %lt3A_874, %add3A_875, %add3A_876 : vector<16xi1>, vector<16xi32>
        %gather3A_878 = tpu.vector_load_idx %arg25[%select_n3A_877] : memref<4000xf32, #tpu.memory_space<vmem>>[vector<16xi32>], vector<16xf32>,
        %add3A_879 = arith.constant 50 : i32
        %add3A_880 = vector.broadcast %add3A_879 : i32 to vector<16xi32>
        %add3A_881 = arith.addi %select_n3A_294, %add3A_880 : vector<16xi32>
        tpu.vector_store_idx %arg22[%add3A_850, %add3A_881], %gather3A_878 : memref<256x64xf32, #tpu.memory_space<vmem>>[vector<16xi32>, vector<16xi32>], vector<16xf32>,
        %lt3A_882 = arith.constant 5 : i32
        %lt3A_883 = vector.broadcast %lt3A_882 : i32 to vector<16xi32>
        %lt3A_884 = arith.cmpi slt, %select_n3A_311, %lt3A_883 : vector<16xi32>
        %add3A_885 = arith.addi %mul3A_854, %select_n3A_311 : vector<16xi32>
        %add3A_886 = arith.addi %add3A_862, %select_n3A_311 : vector<16xi32>
        %select_n3A_887 = arith.select %lt3A_884, %add3A_885, %add3A_886 : vector<16xi1>, vector<16xi32>
        %gather3A_888 = tpu.vector_load_idx %arg25[%select_n3A_887] : memref<4000xf32, #tpu.memory_space<vmem>>[vector<16xi32>], vector<16xf32>,
        %add3A_889 = arith.constant 50 : i32
        %add3A_890 = vector.broadcast %add3A_889 : i32 to vector<16xi32>
        %add3A_891 = arith.addi %select_n3A_311, %add3A_890 : vector<16xi32>
        tpu.vector_store_idx %arg22[%add3A_850, %add3A_891], %gather3A_888 : memref<256x64xf32, #tpu.memory_space<vmem>>[vector<16xi32>, vector<16xi32>], vector<16xf32>,
        %lt3A_892 = arith.constant 5 : i32
        %lt3A_893 = vector.broadcast %lt3A_892 : i32 to vector<16xi32>
        %lt3A_894 = arith.cmpi slt, %select_n3A_328, %lt3A_893 : vector<16xi32>
        %add3A_895 = arith.addi %mul3A_854, %select_n3A_328 : vector<16xi32>
        %add3A_896 = arith.addi %add3A_862, %select_n3A_328 : vector<16xi32>
        %select_n3A_897 = arith.select %lt3A_894, %add3A_895, %add3A_896 : vector<16xi1>, vector<16xi32>
        %gather3A_898 = tpu.vector_load_idx %arg25[%select_n3A_897] : memref<4000xf32, #tpu.memory_space<vmem>>[vector<16xi32>], vector<16xf32>,
        %add3A_899 = arith.constant 50 : i32
        %add3A_900 = vector.broadcast %add3A_899 : i32 to vector<16xi32>
        %add3A_901 = arith.addi %select_n3A_328, %add3A_900 : vector<16xi32>
        tpu.vector_store_idx %arg22[%add3A_850, %add3A_901], %gather3A_898 : memref<256x64xf32, #tpu.memory_space<vmem>>[vector<16xi32>, vector<16xi32>], vector<16xf32>,
        %lt3A_902 = arith.constant 5 : i32
        %lt3A_903 = vector.broadcast %lt3A_902 : i32 to vector<16xi32>
        %lt3A_904 = arith.cmpi slt, %select_n3A_345, %lt3A_903 : vector<16xi32>
        %add3A_905 = arith.addi %mul3A_854, %select_n3A_345 : vector<16xi32>
        %add3A_906 = arith.addi %add3A_862, %select_n3A_345 : vector<16xi32>
        %select_n3A_907 = arith.select %lt3A_904, %add3A_905, %add3A_906 : vector<16xi1>, vector<16xi32>
        %gather3A_908 = tpu.vector_load_idx %arg25[%select_n3A_907] : memref<4000xf32, #tpu.memory_space<vmem>>[vector<16xi32>], vector<16xf32>,
        %add3A_909 = arith.constant 50 : i32
        %add3A_910 = vector.broadcast %add3A_909 : i32 to vector<16xi32>
        %add3A_911 = arith.addi %select_n3A_345, %add3A_910 : vector<16xi32>
        tpu.vector_store_idx %arg22[%add3A_850, %add3A_911], %gather3A_908 : memref<256x64xf32, #tpu.memory_space<vmem>>[vector<16xi32>, vector<16xi32>], vector<16xf32>,
        %lt3A_912 = arith.constant 5 : i32
        %lt3A_913 = vector.broadcast %lt3A_912 : i32 to vector<16xi32>
        %lt3A_914 = arith.cmpi slt, %select_n3A_362, %lt3A_913 : vector<16xi32>
        %add3A_915 = arith.addi %mul3A_854, %select_n3A_362 : vector<16xi32>
        %add3A_916 = arith.addi %add3A_862, %select_n3A_362 : vector<16xi32>
        %select_n3A_917 = arith.select %lt3A_914, %add3A_915, %add3A_916 : vector<16xi1>, vector<16xi32>
        %gather3A_918 = tpu.vector_load_idx %arg25[%select_n3A_917] : memref<4000xf32, #tpu.memory_space<vmem>>[vector<16xi32>], vector<16xf32>,
        %add3A_919 = arith.constant 50 : i32
        %add3A_920 = vector.broadcast %add3A_919 : i32 to vector<16xi32>
        %add3A_921 = arith.addi %select_n3A_362, %add3A_920 : vector<16xi32>
        tpu.vector_store_idx %arg22[%add3A_850, %add3A_921], %gather3A_918 : memref<256x64xf32, #tpu.memory_space<vmem>>[vector<16xi32>, vector<16xi32>], vector<16xf32>,
        %lt3A_922 = arith.constant 5 : i32
        %lt3A_923 = vector.broadcast %lt3A_922 : i32 to vector<16xi32>
        %lt3A_924 = arith.cmpi slt, %select_n3A_379, %lt3A_923 : vector<16xi32>
        %add3A_925 = arith.addi %mul3A_854, %select_n3A_379 : vector<16xi32>
        %add3A_926 = arith.addi %add3A_862, %select_n3A_379 : vector<16xi32>
        %select_n3A_927 = arith.select %lt3A_924, %add3A_925, %add3A_926 : vector<16xi1>, vector<16xi32>
        %gather3A_928 = tpu.vector_load_idx %arg25[%select_n3A_927] : memref<4000xf32, #tpu.memory_space<vmem>>[vector<16xi32>], vector<16xf32>,
        %add3A_929 = arith.constant 50 : i32
        %add3A_930 = vector.broadcast %add3A_929 : i32 to vector<16xi32>
        %add3A_931 = arith.addi %select_n3A_379, %add3A_930 : vector<16xi32>
        tpu.vector_store_idx %arg22[%add3A_850, %add3A_931], %gather3A_928 : memref<256x64xf32, #tpu.memory_space<vmem>>[vector<16xi32>, vector<16xi32>], vector<16xf32>,
        %lt3A_932 = arith.constant 5 : i32
        %lt3A_933 = vector.broadcast %lt3A_932 : i32 to vector<16xi32>
        %lt3A_934 = arith.cmpi slt, %select_n3A_396, %lt3A_933 : vector<16xi32>
        %add3A_935 = arith.addi %mul3A_854, %select_n3A_396 : vector<16xi32>
        %add3A_936 = arith.addi %add3A_862, %select_n3A_396 : vector<16xi32>
        %select_n3A_937 = arith.select %lt3A_934, %add3A_935, %add3A_936 : vector<16xi1>, vector<16xi32>
        %gather3A_938 = tpu.vector_load_idx %arg25[%select_n3A_937] : memref<4000xf32, #tpu.memory_space<vmem>>[vector<16xi32>], vector<16xf32>,
        %add3A_939 = arith.constant 50 : i32
        %add3A_940 = vector.broadcast %add3A_939 : i32 to vector<16xi32>
        %add3A_941 = arith.addi %select_n3A_396, %add3A_940 : vector<16xi32>
        tpu.vector_store_idx %arg22[%add3A_850, %add3A_941], %gather3A_938 : memref<256x64xf32, #tpu.memory_space<vmem>>[vector<16xi32>, vector<16xi32>], vector<16xf32>,
        %lt3A_942 = arith.constant 5 : i32
        %lt3A_943 = vector.broadcast %lt3A_942 : i32 to vector<16xi32>
        %lt3A_944 = arith.cmpi slt, %select_n3A_413, %lt3A_943 : vector<16xi32>
        %add3A_945 = arith.addi %mul3A_854, %select_n3A_413 : vector<16xi32>
        %add3A_946 = arith.addi %add3A_862, %select_n3A_413 : vector<16xi32>
        %select_n3A_947 = arith.select %lt3A_944, %add3A_945, %add3A_946 : vector<16xi1>, vector<16xi32>
        %gather3A_948 = tpu.vector_load_idx %arg25[%select_n3A_947] : memref<4000xf32, #tpu.memory_space<vmem>>[vector<16xi32>], vector<16xf32>,
        %add3A_949 = arith.constant 50 : i32
        %add3A_950 = vector.broadcast %add3A_949 : i32 to vector<16xi32>
        %add3A_951 = arith.addi %select_n3A_413, %add3A_950 : vector<16xi32>
        tpu.vector_store_idx %arg22[%add3A_850, %add3A_951], %gather3A_948 : memref<256x64xf32, #tpu.memory_space<vmem>>[vector<16xi32>, vector<16xi32>], vector<16xf32>,
        %lt3A_952 = arith.constant 5 : i32
        %lt3A_953 = vector.broadcast %lt3A_952 : i32 to vector<16xi32>
        %lt3A_954 = arith.cmpi slt, %select_n3A_430, %lt3A_953 : vector<16xi32>
        %add3A_955 = arith.addi %mul3A_854, %select_n3A_430 : vector<16xi32>
        %add3A_956 = arith.addi %add3A_862, %select_n3A_430 : vector<16xi32>
        %select_n3A_957 = arith.select %lt3A_954, %add3A_955, %add3A_956 : vector<16xi1>, vector<16xi32>
        %gather3A_958 = tpu.vector_load_idx %arg25[%select_n3A_957] : memref<4000xf32, #tpu.memory_space<vmem>>[vector<16xi32>], vector<16xf32>,
        %add3A_959 = arith.constant 50 : i32
        %add3A_960 = vector.broadcast %add3A_959 : i32 to vector<16xi32>
        %add3A_961 = arith.addi %select_n3A_430, %add3A_960 : vector<16xi32>
        tpu.vector_store_idx %arg22[%add3A_850, %add3A_961], %gather3A_958 : memref<256x64xf32, #tpu.memory_space<vmem>>[vector<16xi32>, vector<16xi32>], vector<16xf32>,
      }
      %scan3A_436 = arith.constant 16 : i32
      %mul3A_437 = arith.constant 256 : i32
      %mul3A_438 = arith.muli %add3A_246, %mul3A_437 : i32
      %add3A_439 = arith.addi %mul3A_2, %mul3A_438 : i32
      %dma_start3A_440 = arith.constant 0 : i32
      %dma_start3A_441 = tpu.memref_slice %arg8[%add3A_439, %dma_start3A_440] : memref<819200x64xf32, #tpu.memory_space<hbm>> -> memref<256x64xf32, #tpu.memory_space<hbm>>
      %dma_start3A_442 = arith.constant 0 : i32
      %dma_start3A_443 = tpu.memref_slice %arg8[%add3A_439, %dma_start3A_442] : memref<819200x64xf32, #tpu.memory_space<hbm>> -> memref<256x64xf32, #tpu.memory_space<hbm>>
      tpu.enqueue_dma source(%arg22 : memref<256x64xf32, #tpu.memory_space<vmem>>) target(%dma_start3A_443 : memref<256x64xf32, #tpu.memory_space<hbm>>) target_semaphore(%arg31 : memref<!tpu.dma_semaphore, #tpu.memory_space<semaphore_mem>>)
      %mul3A_444 = arith.constant 4 : i32
      %mul3A_445 = arith.muli %mul3A_444, %scan3A_48 : i32
      %add3A_446 = arith.constant 2 : i32
      %add3A_447 = arith.addi %mul3A_445, %add3A_446 : i32
      %dma_wait3A_448 = arith.constant 0 : i32
      %dma_wait3A_449 = arith.constant 0 : i32
      %dma_wait3A_450 = tpu.memref_slice %arg2[%dma_wait3A_448, %dma_wait3A_449] : memref<100002x64xf32, #tpu.memory_space<hbm>> -> memref<256x64xf32, #tpu.memory_space<hbm>>
      %dma_wait3A_451 = arith.constant 0 : i32
      %dma_wait3A_452 = arith.constant 0 : i32
      %dma_wait3A_453 = tpu.memref_slice %arg2[%dma_wait3A_451, %dma_wait3A_452] : memref<100002x64xf32, #tpu.memory_space<hbm>> -> memref<256x64xf32, #tpu.memory_space<hbm>>
      tpu.wait_dma2 semaphore(%arg28 : memref<!tpu.dma_semaphore, #tpu.memory_space<semaphore_mem>>) src(%dma_wait3A_453 : memref<256x64xf32, #tpu.memory_space<hbm>>) dst(%arg23 : memref<256x64xf32, #tpu.memory_space<vmem>>)
      %add3A_454 = arith.constant 1 : i32
      %add3A_455 = arith.addi %add3A_447, %add3A_454 : i32
      %lt3A_456 = arith.constant 100 : i32
      %lt3A_457 = arith.cmpi slt, %add3A_455, %lt3A_456 : i32
      %convert_element_type3A_458 = arith.extui %lt3A_457 : i1 to i32
      %cond3A_459 = arith.constant 0 : i32
      %cond3A_460 = arith.cmpi ne, %convert_element_type3A_458, %cond3A_459 : i32
      scf.if %cond3A_460 {
        %ge3A_846 = arith.constant 3 : i32
        %ge3A_847 = arith.cmpi sge, %add3A_447, %ge3A_846 : i32
        %convert_element_type3A_848 = arith.extui %ge3A_847 : i1 to i32
        %cond3A_849 = arith.constant 0 : i32
        %cond3A_850 = arith.cmpi ne, %convert_element_type3A_848, %cond3A_849 : i32
        scf.if %cond3A_850 {
          %dma_wait3A_872 = arith.constant 0 : i32
          %dma_wait3A_873 = arith.constant 0 : i32
          %dma_wait3A_874 = tpu.memref_slice %arg8[%dma_wait3A_872, %dma_wait3A_873] : memref<819200x64xf32, #tpu.memory_space<hbm>> -> memref<256x64xf32, #tpu.memory_space<hbm>>
          %dma_wait3A_875 = arith.constant 0 : i32
          %dma_wait3A_876 = arith.constant 0 : i32
          %dma_wait3A_877 = tpu.memref_slice %arg8[%dma_wait3A_875, %dma_wait3A_876] : memref<819200x64xf32, #tpu.memory_space<hbm>> -> memref<256x64xf32, #tpu.memory_space<hbm>>
          tpu.wait_dma2 semaphore(%arg33 : memref<!tpu.dma_semaphore, #tpu.memory_space<semaphore_mem>>) src(%arg24 : memref<256x64xf32, #tpu.memory_space<vmem>>) dst(%dma_wait3A_877 : memref<256x64xf32, #tpu.memory_space<hbm>>)
        } else {
        }
        %add3A_851 = arith.constant 1 : i32
        %add3A_852 = arith.addi %add3A_447, %add3A_851 : i32
        %mul3A_853 = arith.constant 256 : i32
        %mul3A_854 = arith.muli %add3A_852, %mul3A_853 : i32
        %add3A_855 = arith.addi %mul3A_2, %mul3A_854 : i32
        "tpu.region"() ({
          %run_scoped3A = tpu.sem_alloc : memref<!tpu.dma_semaphore, #tpu.memory_space<semaphore_mem>>
          %dma_start3A_872 = tpu.memref_slice %arg3[%add3A_855] : memref<819200xi32, #tpu.memory_space<hbm>> -> memref<256xi32, #tpu.memory_space<hbm>>
          %dma_start3A_873 = tpu.memref_slice %arg3[%add3A_855] : memref<819200xi32, #tpu.memory_space<hbm>> -> memref<256xi32, #tpu.memory_space<hbm>>
          tpu.enqueue_dma source(%dma_start3A_873 : memref<256xi32, #tpu.memory_space<hbm>>) target(%arg12 : memref<256xi32, #tpu.memory_space<vmem>>) target_semaphore(%run_scoped3A : memref<!tpu.dma_semaphore, #tpu.memory_space<semaphore_mem>>)
          %dma_wait3A_874 = tpu.memref_slice %arg3[%add3A_855] : memref<819200xi32, #tpu.memory_space<hbm>> -> memref<256xi32, #tpu.memory_space<hbm>>
          %dma_wait3A_875 = tpu.memref_slice %arg3[%add3A_855] : memref<819200xi32, #tpu.memory_space<hbm>> -> memref<256xi32, #tpu.memory_space<hbm>>
          tpu.wait_dma2 semaphore(%run_scoped3A : memref<!tpu.dma_semaphore, #tpu.memory_space<semaphore_mem>>) src(%dma_wait3A_875 : memref<256xi32, #tpu.memory_space<hbm>>) dst(%arg12 : memref<256xi32, #tpu.memory_space<vmem>>)
          tpu.yield
        }) : () -> ()
        "tpu.region"() ({
          %run_scoped3A = tpu.sem_alloc : memref<!tpu.dma_semaphore, #tpu.memory_space<semaphore_mem>>
          %dma_start3A_872 = tpu.memref_slice %arg4[%add3A_855] : memref<819200xi32, #tpu.memory_space<hbm>> -> memref<256xi32, #tpu.memory_space<hbm>>
          %dma_start3A_873 = tpu.memref_slice %arg4[%add3A_855] : memref<819200xi32, #tpu.memory_space<hbm>> -> memref<256xi32, #tpu.memory_space<hbm>>
          tpu.enqueue_dma source(%dma_start3A_873 : memref<256xi32, #tpu.memory_space<hbm>>) target(%arg16 : memref<256xi32, #tpu.memory_space<vmem>>) target_semaphore(%run_scoped3A : memref<!tpu.dma_semaphore, #tpu.memory_space<semaphore_mem>>)
          %dma_wait3A_874 = tpu.memref_slice %arg4[%add3A_855] : memref<819200xi32, #tpu.memory_space<hbm>> -> memref<256xi32, #tpu.memory_space<hbm>>
          %dma_wait3A_875 = tpu.memref_slice %arg4[%add3A_855] : memref<819200xi32, #tpu.memory_space<hbm>> -> memref<256xi32, #tpu.memory_space<hbm>>
          tpu.wait_dma2 semaphore(%run_scoped3A : memref<!tpu.dma_semaphore, #tpu.memory_space<semaphore_mem>>) src(%dma_wait3A_875 : memref<256xi32, #tpu.memory_space<hbm>>) dst(%arg16 : memref<256xi32, #tpu.memory_space<vmem>>)
          tpu.yield
        }) : () -> ()
        "tpu.region"() ({
          %run_scoped3A = tpu.sem_alloc : memref<!tpu.dma_semaphore, #tpu.memory_space<semaphore_mem>>
          %dma_start3A_872 = tpu.memref_slice %arg5[%add3A_855] : memref<819200xi32, #tpu.memory_space<hbm>> -> memref<256xi32, #tpu.memory_space<hbm>>
          %dma_start3A_873 = tpu.memref_slice %arg5[%add3A_855] : memref<819200xi32, #tpu.memory_space<hbm>> -> memref<256xi32, #tpu.memory_space<hbm>>
          tpu.enqueue_dma source(%dma_start3A_873 : memref<256xi32, #tpu.memory_space<hbm>>) target(%arg20 : memref<256xi32, #tpu.memory_space<vmem>>) target_semaphore(%run_scoped3A : memref<!tpu.dma_semaphore, #tpu.memory_space<semaphore_mem>>)
          %dma_wait3A_874 = tpu.memref_slice %arg5[%add3A_855] : memref<819200xi32, #tpu.memory_space<hbm>> -> memref<256xi32, #tpu.memory_space<hbm>>
          %dma_wait3A_875 = tpu.memref_slice %arg5[%add3A_855] : memref<819200xi32, #tpu.memory_space<hbm>> -> memref<256xi32, #tpu.memory_space<hbm>>
          tpu.wait_dma2 semaphore(%run_scoped3A : memref<!tpu.dma_semaphore, #tpu.memory_space<semaphore_mem>>) src(%dma_wait3A_875 : memref<256xi32, #tpu.memory_space<hbm>>) dst(%arg20 : memref<256xi32, #tpu.memory_space<vmem>>)
          tpu.yield
        }) : () -> ()
        %dma_start3A_856 = arith.constant 0 : i32
        %dma_start3A_857 = arith.constant 0 : i32
        %dma_start3A_858 = tpu.memref_slice %arg24[%dma_start3A_856, %dma_start3A_857] : memref<256x64xf32, #tpu.memory_space<vmem>> -> memref<128x64xf32, #tpu.memory_space<vmem>>
        %dma_start3A_859 = arith.constant 0 : i32
        %dma_start3A_860 = tpu.memref_slice %arg12[%dma_start3A_859] : memref<256xi32, #tpu.memory_space<vmem>> -> memref<128xi32, #tpu.memory_space<vmem>>
        %dma_start3A_861 = arith.constant 0 : i32
        %dma_start3A_862 = arith.constant 0 : i32
        %dma_start3A_863 = tpu.memref_slice %arg2[%dma_start3A_861, %dma_start3A_862] : memref<100002x64xf32, #tpu.memory_space<hbm>> -> memref<100002x64xf32, #tpu.memory_space<hbm>>
        tpu.enqueue_indirect_dma source(%dma_start3A_863 : memref<100002x64xf32, #tpu.memory_space<hbm>>) target(%dma_start3A_858 : memref<128x64xf32, #tpu.memory_space<vmem>>) offsets(%dma_start3A_860 : memref<128xi32, #tpu.memory_space<vmem>>) semaphore(%arg29 : memref<!tpu.dma_semaphore, #tpu.memory_space<semaphore_mem>>)
        %dma_start3A_864 = arith.constant 128 : i32
        %dma_start3A_865 = arith.constant 0 : i32
        %dma_start3A_866 = tpu.memref_slice %arg24[%dma_start3A_864, %dma_start3A_865] : memref<256x64xf32, #tpu.memory_space<vmem>> -> memref<128x64xf32, #tpu.memory_space<vmem>>
        %dma_start3A_867 = arith.constant 128 : i32
        %dma_start3A_868 = tpu.memref_slice %arg12[%dma_start3A_867] : memref<256xi32, #tpu.memory_space<vmem>> -> memref<128xi32, #tpu.memory_space<vmem>>
        %dma_start3A_869 = arith.constant 0 : i32
        %dma_start3A_870 = arith.constant 0 : i32
        %dma_start3A_871 = tpu.memref_slice %arg2[%dma_start3A_869, %dma_start3A_870] : memref<100002x64xf32, #tpu.memory_space<hbm>> -> memref<100002x64xf32, #tpu.memory_space<hbm>>
        tpu.enqueue_indirect_dma source(%dma_start3A_871 : memref<100002x64xf32, #tpu.memory_space<hbm>>) target(%dma_start3A_866 : memref<128x64xf32, #tpu.memory_space<vmem>>) offsets(%dma_start3A_868 : memref<128xi32, #tpu.memory_space<vmem>>) semaphore(%arg29 : memref<!tpu.dma_semaphore, #tpu.memory_space<semaphore_mem>>)
      } else {
      }
      %iota3A_461 = tpu.iota {dimensions = array<i32: 0>} : vector<16xi32>
      %add3A_462 = arith.constant 0 : i32
      %add3A_463 = vector.broadcast %add3A_462 : i32 to vector<16xi32>
      %add3A_464 = arith.addi %iota3A_461, %add3A_463 : vector<16xi32>
      %ge3A_465 = arith.constant 10 : i32
      %ge3A_466 = vector.broadcast %ge3A_465 : i32 to vector<16xi32>
      %ge3A_467 = arith.cmpi sge, %add3A_464, %ge3A_466 : vector<16xi32>
      %sub3A_468 = arith.constant 10 : i32
      %sub3A_469 = vector.broadcast %sub3A_468 : i32 to vector<16xi32>
      %sub3A_470 = arith.subi %add3A_464, %sub3A_469 : vector<16xi32>
      %select_n3A_471 = arith.select %ge3A_467, %sub3A_470, %add3A_464 : vector<16xi1>, vector<16xi32>
      %ge3A_472 = arith.constant 10 : i32
      %ge3A_473 = vector.broadcast %ge3A_472 : i32 to vector<16xi32>
      %ge3A_474 = arith.cmpi sge, %select_n3A_471, %ge3A_473 : vector<16xi32>
      %sub3A_475 = arith.constant 10 : i32
      %sub3A_476 = vector.broadcast %sub3A_475 : i32 to vector<16xi32>
      %sub3A_477 = arith.subi %select_n3A_471, %sub3A_476 : vector<16xi32>
      %select_n3A_478 = arith.select %ge3A_474, %sub3A_477, %select_n3A_471 : vector<16xi1>, vector<16xi32>
      %add3A_479 = arith.constant 1 : i32
      %add3A_480 = vector.broadcast %add3A_479 : i32 to vector<16xi32>
      %add3A_481 = arith.addi %iota3A_461, %add3A_480 : vector<16xi32>
      %ge3A_482 = arith.constant 10 : i32
      %ge3A_483 = vector.broadcast %ge3A_482 : i32 to vector<16xi32>
      %ge3A_484 = arith.cmpi sge, %add3A_481, %ge3A_483 : vector<16xi32>
      %sub3A_485 = arith.constant 10 : i32
      %sub3A_486 = vector.broadcast %sub3A_485 : i32 to vector<16xi32>
      %sub3A_487 = arith.subi %add3A_481, %sub3A_486 : vector<16xi32>
      %select_n3A_488 = arith.select %ge3A_484, %sub3A_487, %add3A_481 : vector<16xi1>, vector<16xi32>
      %ge3A_489 = arith.constant 10 : i32
      %ge3A_490 = vector.broadcast %ge3A_489 : i32 to vector<16xi32>
      %ge3A_491 = arith.cmpi sge, %select_n3A_488, %ge3A_490 : vector<16xi32>
      %sub3A_492 = arith.constant 10 : i32
      %sub3A_493 = vector.broadcast %sub3A_492 : i32 to vector<16xi32>
      %sub3A_494 = arith.subi %select_n3A_488, %sub3A_493 : vector<16xi32>
      %select_n3A_495 = arith.select %ge3A_491, %sub3A_494, %select_n3A_488 : vector<16xi1>, vector<16xi32>
      %add3A_496 = arith.constant 2 : i32
      %add3A_497 = vector.broadcast %add3A_496 : i32 to vector<16xi32>
      %add3A_498 = arith.addi %iota3A_461, %add3A_497 : vector<16xi32>
      %ge3A_499 = arith.constant 10 : i32
      %ge3A_500 = vector.broadcast %ge3A_499 : i32 to vector<16xi32>
      %ge3A_501 = arith.cmpi sge, %add3A_498, %ge3A_500 : vector<16xi32>
      %sub3A_502 = arith.constant 10 : i32
      %sub3A_503 = vector.broadcast %sub3A_502 : i32 to vector<16xi32>
      %sub3A_504 = arith.subi %add3A_498, %sub3A_503 : vector<16xi32>
      %select_n3A_505 = arith.select %ge3A_501, %sub3A_504, %add3A_498 : vector<16xi1>, vector<16xi32>
      %ge3A_506 = arith.constant 10 : i32
      %ge3A_507 = vector.broadcast %ge3A_506 : i32 to vector<16xi32>
      %ge3A_508 = arith.cmpi sge, %select_n3A_505, %ge3A_507 : vector<16xi32>
      %sub3A_509 = arith.constant 10 : i32
      %sub3A_510 = vector.broadcast %sub3A_509 : i32 to vector<16xi32>
      %sub3A_511 = arith.subi %select_n3A_505, %sub3A_510 : vector<16xi32>
      %select_n3A_512 = arith.select %ge3A_508, %sub3A_511, %select_n3A_505 : vector<16xi1>, vector<16xi32>
      %add3A_513 = arith.constant 3 : i32
      %add3A_514 = vector.broadcast %add3A_513 : i32 to vector<16xi32>
      %add3A_515 = arith.addi %iota3A_461, %add3A_514 : vector<16xi32>
      %ge3A_516 = arith.constant 10 : i32
      %ge3A_517 = vector.broadcast %ge3A_516 : i32 to vector<16xi32>
      %ge3A_518 = arith.cmpi sge, %add3A_515, %ge3A_517 : vector<16xi32>
      %sub3A_519 = arith.constant 10 : i32
      %sub3A_520 = vector.broadcast %sub3A_519 : i32 to vector<16xi32>
      %sub3A_521 = arith.subi %add3A_515, %sub3A_520 : vector<16xi32>
      %select_n3A_522 = arith.select %ge3A_518, %sub3A_521, %add3A_515 : vector<16xi1>, vector<16xi32>
      %ge3A_523 = arith.constant 10 : i32
      %ge3A_524 = vector.broadcast %ge3A_523 : i32 to vector<16xi32>
      %ge3A_525 = arith.cmpi sge, %select_n3A_522, %ge3A_524 : vector<16xi32>
      %sub3A_526 = arith.constant 10 : i32
      %sub3A_527 = vector.broadcast %sub3A_526 : i32 to vector<16xi32>
      %sub3A_528 = arith.subi %select_n3A_522, %sub3A_527 : vector<16xi32>
      %select_n3A_529 = arith.select %ge3A_525, %sub3A_528, %select_n3A_522 : vector<16xi1>, vector<16xi32>
      %add3A_530 = arith.constant 4 : i32
      %add3A_531 = vector.broadcast %add3A_530 : i32 to vector<16xi32>
      %add3A_532 = arith.addi %iota3A_461, %add3A_531 : vector<16xi32>
      %ge3A_533 = arith.constant 10 : i32
      %ge3A_534 = vector.broadcast %ge3A_533 : i32 to vector<16xi32>
      %ge3A_535 = arith.cmpi sge, %add3A_532, %ge3A_534 : vector<16xi32>
      %sub3A_536 = arith.constant 10 : i32
      %sub3A_537 = vector.broadcast %sub3A_536 : i32 to vector<16xi32>
      %sub3A_538 = arith.subi %add3A_532, %sub3A_537 : vector<16xi32>
      %select_n3A_539 = arith.select %ge3A_535, %sub3A_538, %add3A_532 : vector<16xi1>, vector<16xi32>
      %ge3A_540 = arith.constant 10 : i32
      %ge3A_541 = vector.broadcast %ge3A_540 : i32 to vector<16xi32>
      %ge3A_542 = arith.cmpi sge, %select_n3A_539, %ge3A_541 : vector<16xi32>
      %sub3A_543 = arith.constant 10 : i32
      %sub3A_544 = vector.broadcast %sub3A_543 : i32 to vector<16xi32>
      %sub3A_545 = arith.subi %select_n3A_539, %sub3A_544 : vector<16xi32>
      %select_n3A_546 = arith.select %ge3A_542, %sub3A_545, %select_n3A_539 : vector<16xi1>, vector<16xi32>
      %add3A_547 = arith.constant 5 : i32
      %add3A_548 = vector.broadcast %add3A_547 : i32 to vector<16xi32>
      %add3A_549 = arith.addi %iota3A_461, %add3A_548 : vector<16xi32>
      %ge3A_550 = arith.constant 10 : i32
      %ge3A_551 = vector.broadcast %ge3A_550 : i32 to vector<16xi32>
      %ge3A_552 = arith.cmpi sge, %add3A_549, %ge3A_551 : vector<16xi32>
      %sub3A_553 = arith.constant 10 : i32
      %sub3A_554 = vector.broadcast %sub3A_553 : i32 to vector<16xi32>
      %sub3A_555 = arith.subi %add3A_549, %sub3A_554 : vector<16xi32>
      %select_n3A_556 = arith.select %ge3A_552, %sub3A_555, %add3A_549 : vector<16xi1>, vector<16xi32>
      %ge3A_557 = arith.constant 10 : i32
      %ge3A_558 = vector.broadcast %ge3A_557 : i32 to vector<16xi32>
      %ge3A_559 = arith.cmpi sge, %select_n3A_556, %ge3A_558 : vector<16xi32>
      %sub3A_560 = arith.constant 10 : i32
      %sub3A_561 = vector.broadcast %sub3A_560 : i32 to vector<16xi32>
      %sub3A_562 = arith.subi %select_n3A_556, %sub3A_561 : vector<16xi32>
      %select_n3A_563 = arith.select %ge3A_559, %sub3A_562, %select_n3A_556 : vector<16xi1>, vector<16xi32>
      %add3A_564 = arith.constant 6 : i32
      %add3A_565 = vector.broadcast %add3A_564 : i32 to vector<16xi32>
      %add3A_566 = arith.addi %iota3A_461, %add3A_565 : vector<16xi32>
      %ge3A_567 = arith.constant 10 : i32
      %ge3A_568 = vector.broadcast %ge3A_567 : i32 to vector<16xi32>
      %ge3A_569 = arith.cmpi sge, %add3A_566, %ge3A_568 : vector<16xi32>
      %sub3A_570 = arith.constant 10 : i32
      %sub3A_571 = vector.broadcast %sub3A_570 : i32 to vector<16xi32>
      %sub3A_572 = arith.subi %add3A_566, %sub3A_571 : vector<16xi32>
      %select_n3A_573 = arith.select %ge3A_569, %sub3A_572, %add3A_566 : vector<16xi1>, vector<16xi32>
      %ge3A_574 = arith.constant 10 : i32
      %ge3A_575 = vector.broadcast %ge3A_574 : i32 to vector<16xi32>
      %ge3A_576 = arith.cmpi sge, %select_n3A_573, %ge3A_575 : vector<16xi32>
      %sub3A_577 = arith.constant 10 : i32
      %sub3A_578 = vector.broadcast %sub3A_577 : i32 to vector<16xi32>
      %sub3A_579 = arith.subi %select_n3A_573, %sub3A_578 : vector<16xi32>
      %select_n3A_580 = arith.select %ge3A_576, %sub3A_579, %select_n3A_573 : vector<16xi1>, vector<16xi32>
      %add3A_581 = arith.constant 7 : i32
      %add3A_582 = vector.broadcast %add3A_581 : i32 to vector<16xi32>
      %add3A_583 = arith.addi %iota3A_461, %add3A_582 : vector<16xi32>
      %ge3A_584 = arith.constant 10 : i32
      %ge3A_585 = vector.broadcast %ge3A_584 : i32 to vector<16xi32>
      %ge3A_586 = arith.cmpi sge, %add3A_583, %ge3A_585 : vector<16xi32>
      %sub3A_587 = arith.constant 10 : i32
      %sub3A_588 = vector.broadcast %sub3A_587 : i32 to vector<16xi32>
      %sub3A_589 = arith.subi %add3A_583, %sub3A_588 : vector<16xi32>
      %select_n3A_590 = arith.select %ge3A_586, %sub3A_589, %add3A_583 : vector<16xi1>, vector<16xi32>
      %ge3A_591 = arith.constant 10 : i32
      %ge3A_592 = vector.broadcast %ge3A_591 : i32 to vector<16xi32>
      %ge3A_593 = arith.cmpi sge, %select_n3A_590, %ge3A_592 : vector<16xi32>
      %sub3A_594 = arith.constant 10 : i32
      %sub3A_595 = vector.broadcast %sub3A_594 : i32 to vector<16xi32>
      %sub3A_596 = arith.subi %select_n3A_590, %sub3A_595 : vector<16xi32>
      %select_n3A_597 = arith.select %ge3A_593, %sub3A_596, %select_n3A_590 : vector<16xi1>, vector<16xi32>
      %add3A_598 = arith.constant 8 : i32
      %add3A_599 = vector.broadcast %add3A_598 : i32 to vector<16xi32>
      %add3A_600 = arith.addi %iota3A_461, %add3A_599 : vector<16xi32>
      %ge3A_601 = arith.constant 10 : i32
      %ge3A_602 = vector.broadcast %ge3A_601 : i32 to vector<16xi32>
      %ge3A_603 = arith.cmpi sge, %add3A_600, %ge3A_602 : vector<16xi32>
      %sub3A_604 = arith.constant 10 : i32
      %sub3A_605 = vector.broadcast %sub3A_604 : i32 to vector<16xi32>
      %sub3A_606 = arith.subi %add3A_600, %sub3A_605 : vector<16xi32>
      %select_n3A_607 = arith.select %ge3A_603, %sub3A_606, %add3A_600 : vector<16xi1>, vector<16xi32>
      %ge3A_608 = arith.constant 10 : i32
      %ge3A_609 = vector.broadcast %ge3A_608 : i32 to vector<16xi32>
      %ge3A_610 = arith.cmpi sge, %select_n3A_607, %ge3A_609 : vector<16xi32>
      %sub3A_611 = arith.constant 10 : i32
      %sub3A_612 = vector.broadcast %sub3A_611 : i32 to vector<16xi32>
      %sub3A_613 = arith.subi %select_n3A_607, %sub3A_612 : vector<16xi32>
      %select_n3A_614 = arith.select %ge3A_610, %sub3A_613, %select_n3A_607 : vector<16xi1>, vector<16xi32>
      %add3A_615 = arith.constant 9 : i32
      %add3A_616 = vector.broadcast %add3A_615 : i32 to vector<16xi32>
      %add3A_617 = arith.addi %iota3A_461, %add3A_616 : vector<16xi32>
      %ge3A_618 = arith.constant 10 : i32
      %ge3A_619 = vector.broadcast %ge3A_618 : i32 to vector<16xi32>
      %ge3A_620 = arith.cmpi sge, %add3A_617, %ge3A_619 : vector<16xi32>
      %sub3A_621 = arith.constant 10 : i32
      %sub3A_622 = vector.broadcast %sub3A_621 : i32 to vector<16xi32>
      %sub3A_623 = arith.subi %add3A_617, %sub3A_622 : vector<16xi32>
      %select_n3A_624 = arith.select %ge3A_620, %sub3A_623, %add3A_617 : vector<16xi1>, vector<16xi32>
      %ge3A_625 = arith.constant 10 : i32
      %ge3A_626 = vector.broadcast %ge3A_625 : i32 to vector<16xi32>
      %ge3A_627 = arith.cmpi sge, %select_n3A_624, %ge3A_626 : vector<16xi32>
      %sub3A_628 = arith.constant 10 : i32
      %sub3A_629 = vector.broadcast %sub3A_628 : i32 to vector<16xi32>
      %sub3A_630 = arith.subi %select_n3A_624, %sub3A_629 : vector<16xi32>
      %select_n3A_631 = arith.select %ge3A_627, %sub3A_630, %select_n3A_624 : vector<16xi1>, vector<16xi32>
      %scan3A_632 = arith.constant 0 : i32
      %scan3A_633 = arith.constant 0 : i32
      %scan3A_634 = arith.constant 16 : i32
      %scan3A_635 = arith.addi %scan3A_633, %scan3A_634 : i32
      %scan3A_636 = arith.constant 1 : i32
      scf.for %scan3A_846 = %scan3A_633 to %scan3A_635 step %scan3A_636  : i32 {
        %mul3A_847 = arith.constant 16 : i32
        %mul3A_848 = arith.muli %scan3A_846, %mul3A_847 : i32
        %add3A_849 = vector.broadcast %mul3A_848 : i32 to vector<16xi32>
        %add3A_850 = arith.addi %iota3A_461, %add3A_849 : vector<16xi32>
        %get3A = arith.index_cast %mul3A_848 : i32 to index
        %get3A_851 = tpu.vector_load %arg15[%get3A] {strides = array<i32>} : memref<256xi32, #tpu.memory_space<vmem>>, vector<16xi32>,
        %mul3A_852 = arith.constant 5 : i32
        %mul3A_853 = vector.broadcast %mul3A_852 : i32 to vector<16xi32>
        %mul3A_854 = arith.muli %get3A_851, %mul3A_853 : vector<16xi32>
        %get3A_855 = arith.index_cast %mul3A_848 : i32 to index
        %get3A_856 = tpu.vector_load %arg19[%get3A_855] {strides = array<i32>} : memref<256xi32, #tpu.memory_space<vmem>>, vector<16xi32>,
        %mul3A_857 = arith.constant 5 : i32
        %mul3A_858 = vector.broadcast %mul3A_857 : i32 to vector<16xi32>
        %mul3A_859 = arith.muli %get3A_856, %mul3A_858 : vector<16xi32>
        %add3A_860 = arith.constant 1995 : i32
        %add3A_861 = vector.broadcast %add3A_860 : i32 to vector<16xi32>
        %add3A_862 = arith.addi %mul3A_859, %add3A_861 : vector<16xi32>
        %lt3A_863 = arith.constant 5 : i32
        %lt3A_864 = vector.broadcast %lt3A_863 : i32 to vector<16xi32>
        %lt3A_865 = arith.cmpi slt, %select_n3A_478, %lt3A_864 : vector<16xi32>
        %add3A_866 = arith.addi %mul3A_854, %select_n3A_478 : vector<16xi32>
        %add3A_867 = arith.addi %add3A_862, %select_n3A_478 : vector<16xi32>
        %select_n3A_868 = arith.select %lt3A_865, %add3A_866, %add3A_867 : vector<16xi1>, vector<16xi32>
        %gather3A = tpu.vector_load_idx %arg25[%select_n3A_868] : memref<4000xf32, #tpu.memory_space<vmem>>[vector<16xi32>], vector<16xf32>,
        %add3A_869 = arith.constant 50 : i32
        %add3A_870 = vector.broadcast %add3A_869 : i32 to vector<16xi32>
        %add3A_871 = arith.addi %select_n3A_478, %add3A_870 : vector<16xi32>
        tpu.vector_store_idx %arg23[%add3A_850, %add3A_871], %gather3A : memref<256x64xf32, #tpu.memory_space<vmem>>[vector<16xi32>, vector<16xi32>], vector<16xf32>,
        %lt3A_872 = arith.constant 5 : i32
        %lt3A_873 = vector.broadcast %lt3A_872 : i32 to vector<16xi32>
        %lt3A_874 = arith.cmpi slt, %select_n3A_495, %lt3A_873 : vector<16xi32>
        %add3A_875 = arith.addi %mul3A_854, %select_n3A_495 : vector<16xi32>
        %add3A_876 = arith.addi %add3A_862, %select_n3A_495 : vector<16xi32>
        %select_n3A_877 = arith.select %lt3A_874, %add3A_875, %add3A_876 : vector<16xi1>, vector<16xi32>
        %gather3A_878 = tpu.vector_load_idx %arg25[%select_n3A_877] : memref<4000xf32, #tpu.memory_space<vmem>>[vector<16xi32>], vector<16xf32>,
        %add3A_879 = arith.constant 50 : i32
        %add3A_880 = vector.broadcast %add3A_879 : i32 to vector<16xi32>
        %add3A_881 = arith.addi %select_n3A_495, %add3A_880 : vector<16xi32>
        tpu.vector_store_idx %arg23[%add3A_850, %add3A_881], %gather3A_878 : memref<256x64xf32, #tpu.memory_space<vmem>>[vector<16xi32>, vector<16xi32>], vector<16xf32>,
        %lt3A_882 = arith.constant 5 : i32
        %lt3A_883 = vector.broadcast %lt3A_882 : i32 to vector<16xi32>
        %lt3A_884 = arith.cmpi slt, %select_n3A_512, %lt3A_883 : vector<16xi32>
        %add3A_885 = arith.addi %mul3A_854, %select_n3A_512 : vector<16xi32>
        %add3A_886 = arith.addi %add3A_862, %select_n3A_512 : vector<16xi32>
        %select_n3A_887 = arith.select %lt3A_884, %add3A_885, %add3A_886 : vector<16xi1>, vector<16xi32>
        %gather3A_888 = tpu.vector_load_idx %arg25[%select_n3A_887] : memref<4000xf32, #tpu.memory_space<vmem>>[vector<16xi32>], vector<16xf32>,
        %add3A_889 = arith.constant 50 : i32
        %add3A_890 = vector.broadcast %add3A_889 : i32 to vector<16xi32>
        %add3A_891 = arith.addi %select_n3A_512, %add3A_890 : vector<16xi32>
        tpu.vector_store_idx %arg23[%add3A_850, %add3A_891], %gather3A_888 : memref<256x64xf32, #tpu.memory_space<vmem>>[vector<16xi32>, vector<16xi32>], vector<16xf32>,
        %lt3A_892 = arith.constant 5 : i32
        %lt3A_893 = vector.broadcast %lt3A_892 : i32 to vector<16xi32>
        %lt3A_894 = arith.cmpi slt, %select_n3A_529, %lt3A_893 : vector<16xi32>
        %add3A_895 = arith.addi %mul3A_854, %select_n3A_529 : vector<16xi32>
        %add3A_896 = arith.addi %add3A_862, %select_n3A_529 : vector<16xi32>
        %select_n3A_897 = arith.select %lt3A_894, %add3A_895, %add3A_896 : vector<16xi1>, vector<16xi32>
        %gather3A_898 = tpu.vector_load_idx %arg25[%select_n3A_897] : memref<4000xf32, #tpu.memory_space<vmem>>[vector<16xi32>], vector<16xf32>,
        %add3A_899 = arith.constant 50 : i32
        %add3A_900 = vector.broadcast %add3A_899 : i32 to vector<16xi32>
        %add3A_901 = arith.addi %select_n3A_529, %add3A_900 : vector<16xi32>
        tpu.vector_store_idx %arg23[%add3A_850, %add3A_901], %gather3A_898 : memref<256x64xf32, #tpu.memory_space<vmem>>[vector<16xi32>, vector<16xi32>], vector<16xf32>,
        %lt3A_902 = arith.constant 5 : i32
        %lt3A_903 = vector.broadcast %lt3A_902 : i32 to vector<16xi32>
        %lt3A_904 = arith.cmpi slt, %select_n3A_546, %lt3A_903 : vector<16xi32>
        %add3A_905 = arith.addi %mul3A_854, %select_n3A_546 : vector<16xi32>
        %add3A_906 = arith.addi %add3A_862, %select_n3A_546 : vector<16xi32>
        %select_n3A_907 = arith.select %lt3A_904, %add3A_905, %add3A_906 : vector<16xi1>, vector<16xi32>
        %gather3A_908 = tpu.vector_load_idx %arg25[%select_n3A_907] : memref<4000xf32, #tpu.memory_space<vmem>>[vector<16xi32>], vector<16xf32>,
        %add3A_909 = arith.constant 50 : i32
        %add3A_910 = vector.broadcast %add3A_909 : i32 to vector<16xi32>
        %add3A_911 = arith.addi %select_n3A_546, %add3A_910 : vector<16xi32>
        tpu.vector_store_idx %arg23[%add3A_850, %add3A_911], %gather3A_908 : memref<256x64xf32, #tpu.memory_space<vmem>>[vector<16xi32>, vector<16xi32>], vector<16xf32>,
        %lt3A_912 = arith.constant 5 : i32
        %lt3A_913 = vector.broadcast %lt3A_912 : i32 to vector<16xi32>
        %lt3A_914 = arith.cmpi slt, %select_n3A_563, %lt3A_913 : vector<16xi32>
        %add3A_915 = arith.addi %mul3A_854, %select_n3A_563 : vector<16xi32>
        %add3A_916 = arith.addi %add3A_862, %select_n3A_563 : vector<16xi32>
        %select_n3A_917 = arith.select %lt3A_914, %add3A_915, %add3A_916 : vector<16xi1>, vector<16xi32>
        %gather3A_918 = tpu.vector_load_idx %arg25[%select_n3A_917] : memref<4000xf32, #tpu.memory_space<vmem>>[vector<16xi32>], vector<16xf32>,
        %add3A_919 = arith.constant 50 : i32
        %add3A_920 = vector.broadcast %add3A_919 : i32 to vector<16xi32>
        %add3A_921 = arith.addi %select_n3A_563, %add3A_920 : vector<16xi32>
        tpu.vector_store_idx %arg23[%add3A_850, %add3A_921], %gather3A_918 : memref<256x64xf32, #tpu.memory_space<vmem>>[vector<16xi32>, vector<16xi32>], vector<16xf32>,
        %lt3A_922 = arith.constant 5 : i32
        %lt3A_923 = vector.broadcast %lt3A_922 : i32 to vector<16xi32>
        %lt3A_924 = arith.cmpi slt, %select_n3A_580, %lt3A_923 : vector<16xi32>
        %add3A_925 = arith.addi %mul3A_854, %select_n3A_580 : vector<16xi32>
        %add3A_926 = arith.addi %add3A_862, %select_n3A_580 : vector<16xi32>
        %select_n3A_927 = arith.select %lt3A_924, %add3A_925, %add3A_926 : vector<16xi1>, vector<16xi32>
        %gather3A_928 = tpu.vector_load_idx %arg25[%select_n3A_927] : memref<4000xf32, #tpu.memory_space<vmem>>[vector<16xi32>], vector<16xf32>,
        %add3A_929 = arith.constant 50 : i32
        %add3A_930 = vector.broadcast %add3A_929 : i32 to vector<16xi32>
        %add3A_931 = arith.addi %select_n3A_580, %add3A_930 : vector<16xi32>
        tpu.vector_store_idx %arg23[%add3A_850, %add3A_931], %gather3A_928 : memref<256x64xf32, #tpu.memory_space<vmem>>[vector<16xi32>, vector<16xi32>], vector<16xf32>,
        %lt3A_932 = arith.constant 5 : i32
        %lt3A_933 = vector.broadcast %lt3A_932 : i32 to vector<16xi32>
        %lt3A_934 = arith.cmpi slt, %select_n3A_597, %lt3A_933 : vector<16xi32>
        %add3A_935 = arith.addi %mul3A_854, %select_n3A_597 : vector<16xi32>
        %add3A_936 = arith.addi %add3A_862, %select_n3A_597 : vector<16xi32>
        %select_n3A_937 = arith.select %lt3A_934, %add3A_935, %add3A_936 : vector<16xi1>, vector<16xi32>
        %gather3A_938 = tpu.vector_load_idx %arg25[%select_n3A_937] : memref<4000xf32, #tpu.memory_space<vmem>>[vector<16xi32>], vector<16xf32>,
        %add3A_939 = arith.constant 50 : i32
        %add3A_940 = vector.broadcast %add3A_939 : i32 to vector<16xi32>
        %add3A_941 = arith.addi %select_n3A_597, %add3A_940 : vector<16xi32>
        tpu.vector_store_idx %arg23[%add3A_850, %add3A_941], %gather3A_938 : memref<256x64xf32, #tpu.memory_space<vmem>>[vector<16xi32>, vector<16xi32>], vector<16xf32>,
        %lt3A_942 = arith.constant 5 : i32
        %lt3A_943 = vector.broadcast %lt3A_942 : i32 to vector<16xi32>
        %lt3A_944 = arith.cmpi slt, %select_n3A_614, %lt3A_943 : vector<16xi32>
        %add3A_945 = arith.addi %mul3A_854, %select_n3A_614 : vector<16xi32>
        %add3A_946 = arith.addi %add3A_862, %select_n3A_614 : vector<16xi32>
        %select_n3A_947 = arith.select %lt3A_944, %add3A_945, %add3A_946 : vector<16xi1>, vector<16xi32>
        %gather3A_948 = tpu.vector_load_idx %arg25[%select_n3A_947] : memref<4000xf32, #tpu.memory_space<vmem>>[vector<16xi32>], vector<16xf32>,
        %add3A_949 = arith.constant 50 : i32
        %add3A_950 = vector.broadcast %add3A_949 : i32 to vector<16xi32>
        %add3A_951 = arith.addi %select_n3A_614, %add3A_950 : vector<16xi32>
        tpu.vector_store_idx %arg23[%add3A_850, %add3A_951], %gather3A_948 : memref<256x64xf32, #tpu.memory_space<vmem>>[vector<16xi32>, vector<16xi32>], vector<16xf32>,
        %lt3A_952 = arith.constant 5 : i32
        %lt3A_953 = vector.broadcast %lt3A_952 : i32 to vector<16xi32>
        %lt3A_954 = arith.cmpi slt, %select_n3A_631, %lt3A_953 : vector<16xi32>
        %add3A_955 = arith.addi %mul3A_854, %select_n3A_631 : vector<16xi32>
        %add3A_956 = arith.addi %add3A_862, %select_n3A_631 : vector<16xi32>
        %select_n3A_957 = arith.select %lt3A_954, %add3A_955, %add3A_956 : vector<16xi1>, vector<16xi32>
        %gather3A_958 = tpu.vector_load_idx %arg25[%select_n3A_957] : memref<4000xf32, #tpu.memory_space<vmem>>[vector<16xi32>], vector<16xf32>,
        %add3A_959 = arith.constant 50 : i32
        %add3A_960 = vector.broadcast %add3A_959 : i32 to vector<16xi32>
        %add3A_961 = arith.addi %select_n3A_631, %add3A_960 : vector<16xi32>
        tpu.vector_store_idx %arg23[%add3A_850, %add3A_961], %gather3A_958 : memref<256x64xf32, #tpu.memory_space<vmem>>[vector<16xi32>, vector<16xi32>], vector<16xf32>,
      }
      %scan3A_637 = arith.constant 16 : i32
      %mul3A_638 = arith.constant 256 : i32
      %mul3A_639 = arith.muli %add3A_447, %mul3A_638 : i32
      %add3A_640 = arith.addi %mul3A_2, %mul3A_639 : i32
      %dma_start3A_641 = arith.constant 0 : i32
      %dma_start3A_642 = tpu.memref_slice %arg8[%add3A_640, %dma_start3A_641] : memref<819200x64xf32, #tpu.memory_space<hbm>> -> memref<256x64xf32, #tpu.memory_space<hbm>>
      %dma_start3A_643 = arith.constant 0 : i32
      %dma_start3A_644 = tpu.memref_slice %arg8[%add3A_640, %dma_start3A_643] : memref<819200x64xf32, #tpu.memory_space<hbm>> -> memref<256x64xf32, #tpu.memory_space<hbm>>
      tpu.enqueue_dma source(%arg23 : memref<256x64xf32, #tpu.memory_space<vmem>>) target(%dma_start3A_644 : memref<256x64xf32, #tpu.memory_space<hbm>>) target_semaphore(%arg32 : memref<!tpu.dma_semaphore, #tpu.memory_space<semaphore_mem>>)
      %mul3A_645 = arith.constant 4 : i32
      %mul3A_646 = arith.muli %mul3A_645, %scan3A_48 : i32
      %add3A_647 = arith.constant 3 : i32
      %add3A_648 = arith.addi %mul3A_646, %add3A_647 : i32
      %dma_wait3A_649 = arith.constant 0 : i32
      %dma_wait3A_650 = arith.constant 0 : i32
      %dma_wait3A_651 = tpu.memref_slice %arg2[%dma_wait3A_649, %dma_wait3A_650] : memref<100002x64xf32, #tpu.memory_space<hbm>> -> memref<256x64xf32, #tpu.memory_space<hbm>>
      %dma_wait3A_652 = arith.constant 0 : i32
      %dma_wait3A_653 = arith.constant 0 : i32
      %dma_wait3A_654 = tpu.memref_slice %arg2[%dma_wait3A_652, %dma_wait3A_653] : memref<100002x64xf32, #tpu.memory_space<hbm>> -> memref<256x64xf32, #tpu.memory_space<hbm>>
      tpu.wait_dma2 semaphore(%arg29 : memref<!tpu.dma_semaphore, #tpu.memory_space<semaphore_mem>>) src(%dma_wait3A_654 : memref<256x64xf32, #tpu.memory_space<hbm>>) dst(%arg24 : memref<256x64xf32, #tpu.memory_space<vmem>>)
      %add3A_655 = arith.constant 1 : i32
      %add3A_656 = arith.addi %add3A_648, %add3A_655 : i32
      %lt3A_657 = arith.constant 100 : i32
      %lt3A_658 = arith.cmpi slt, %add3A_656, %lt3A_657 : i32
      %convert_element_type3A_659 = arith.extui %lt3A_658 : i1 to i32
      %cond3A_660 = arith.constant 0 : i32
      %cond3A_661 = arith.cmpi ne, %convert_element_type3A_659, %cond3A_660 : i32
      scf.if %cond3A_661 {
        %ge3A_846 = arith.constant 3 : i32
        %ge3A_847 = arith.cmpi sge, %add3A_648, %ge3A_846 : i32
        %convert_element_type3A_848 = arith.extui %ge3A_847 : i1 to i32
        %cond3A_849 = arith.constant 0 : i32
        %cond3A_850 = arith.cmpi ne, %convert_element_type3A_848, %cond3A_849 : i32
        scf.if %cond3A_850 {
          %dma_wait3A_872 = arith.constant 0 : i32
          %dma_wait3A_873 = arith.constant 0 : i32
          %dma_wait3A_874 = tpu.memref_slice %arg8[%dma_wait3A_872, %dma_wait3A_873] : memref<819200x64xf32, #tpu.memory_space<hbm>> -> memref<256x64xf32, #tpu.memory_space<hbm>>
          %dma_wait3A_875 = arith.constant 0 : i32
          %dma_wait3A_876 = arith.constant 0 : i32
          %dma_wait3A_877 = tpu.memref_slice %arg8[%dma_wait3A_875, %dma_wait3A_876] : memref<819200x64xf32, #tpu.memory_space<hbm>> -> memref<256x64xf32, #tpu.memory_space<hbm>>
          tpu.wait_dma2 semaphore(%arg30 : memref<!tpu.dma_semaphore, #tpu.memory_space<semaphore_mem>>) src(%arg21 : memref<256x64xf32, #tpu.memory_space<vmem>>) dst(%dma_wait3A_877 : memref<256x64xf32, #tpu.memory_space<hbm>>)
        } else {
        }
        %add3A_851 = arith.constant 1 : i32
        %add3A_852 = arith.addi %add3A_648, %add3A_851 : i32
        %mul3A_853 = arith.constant 256 : i32
        %mul3A_854 = arith.muli %add3A_852, %mul3A_853 : i32
        %add3A_855 = arith.addi %mul3A_2, %mul3A_854 : i32
        "tpu.region"() ({
          %run_scoped3A = tpu.sem_alloc : memref<!tpu.dma_semaphore, #tpu.memory_space<semaphore_mem>>
          %dma_start3A_872 = tpu.memref_slice %arg3[%add3A_855] : memref<819200xi32, #tpu.memory_space<hbm>> -> memref<256xi32, #tpu.memory_space<hbm>>
          %dma_start3A_873 = tpu.memref_slice %arg3[%add3A_855] : memref<819200xi32, #tpu.memory_space<hbm>> -> memref<256xi32, #tpu.memory_space<hbm>>
          tpu.enqueue_dma source(%dma_start3A_873 : memref<256xi32, #tpu.memory_space<hbm>>) target(%arg9 : memref<256xi32, #tpu.memory_space<vmem>>) target_semaphore(%run_scoped3A : memref<!tpu.dma_semaphore, #tpu.memory_space<semaphore_mem>>)
          %dma_wait3A_874 = tpu.memref_slice %arg3[%add3A_855] : memref<819200xi32, #tpu.memory_space<hbm>> -> memref<256xi32, #tpu.memory_space<hbm>>
          %dma_wait3A_875 = tpu.memref_slice %arg3[%add3A_855] : memref<819200xi32, #tpu.memory_space<hbm>> -> memref<256xi32, #tpu.memory_space<hbm>>
          tpu.wait_dma2 semaphore(%run_scoped3A : memref<!tpu.dma_semaphore, #tpu.memory_space<semaphore_mem>>) src(%dma_wait3A_875 : memref<256xi32, #tpu.memory_space<hbm>>) dst(%arg9 : memref<256xi32, #tpu.memory_space<vmem>>)
          tpu.yield
        }) : () -> ()
        "tpu.region"() ({
          %run_scoped3A = tpu.sem_alloc : memref<!tpu.dma_semaphore, #tpu.memory_space<semaphore_mem>>
          %dma_start3A_872 = tpu.memref_slice %arg4[%add3A_855] : memref<819200xi32, #tpu.memory_space<hbm>> -> memref<256xi32, #tpu.memory_space<hbm>>
          %dma_start3A_873 = tpu.memref_slice %arg4[%add3A_855] : memref<819200xi32, #tpu.memory_space<hbm>> -> memref<256xi32, #tpu.memory_space<hbm>>
          tpu.enqueue_dma source(%dma_start3A_873 : memref<256xi32, #tpu.memory_space<hbm>>) target(%arg13 : memref<256xi32, #tpu.memory_space<vmem>>) target_semaphore(%run_scoped3A : memref<!tpu.dma_semaphore, #tpu.memory_space<semaphore_mem>>)
          %dma_wait3A_874 = tpu.memref_slice %arg4[%add3A_855] : memref<819200xi32, #tpu.memory_space<hbm>> -> memref<256xi32, #tpu.memory_space<hbm>>
          %dma_wait3A_875 = tpu.memref_slice %arg4[%add3A_855] : memref<819200xi32, #tpu.memory_space<hbm>> -> memref<256xi32, #tpu.memory_space<hbm>>
          tpu.wait_dma2 semaphore(%run_scoped3A : memref<!tpu.dma_semaphore, #tpu.memory_space<semaphore_mem>>) src(%dma_wait3A_875 : memref<256xi32, #tpu.memory_space<hbm>>) dst(%arg13 : memref<256xi32, #tpu.memory_space<vmem>>)
          tpu.yield
        }) : () -> ()
        "tpu.region"() ({
          %run_scoped3A = tpu.sem_alloc : memref<!tpu.dma_semaphore, #tpu.memory_space<semaphore_mem>>
          %dma_start3A_872 = tpu.memref_slice %arg5[%add3A_855] : memref<819200xi32, #tpu.memory_space<hbm>> -> memref<256xi32, #tpu.memory_space<hbm>>
          %dma_start3A_873 = tpu.memref_slice %arg5[%add3A_855] : memref<819200xi32, #tpu.memory_space<hbm>> -> memref<256xi32, #tpu.memory_space<hbm>>
          tpu.enqueue_dma source(%dma_start3A_873 : memref<256xi32, #tpu.memory_space<hbm>>) target(%arg17 : memref<256xi32, #tpu.memory_space<vmem>>) target_semaphore(%run_scoped3A : memref<!tpu.dma_semaphore, #tpu.memory_space<semaphore_mem>>)
          %dma_wait3A_874 = tpu.memref_slice %arg5[%add3A_855] : memref<819200xi32, #tpu.memory_space<hbm>> -> memref<256xi32, #tpu.memory_space<hbm>>
          %dma_wait3A_875 = tpu.memref_slice %arg5[%add3A_855] : memref<819200xi32, #tpu.memory_space<hbm>> -> memref<256xi32, #tpu.memory_space<hbm>>
          tpu.wait_dma2 semaphore(%run_scoped3A : memref<!tpu.dma_semaphore, #tpu.memory_space<semaphore_mem>>) src(%dma_wait3A_875 : memref<256xi32, #tpu.memory_space<hbm>>) dst(%arg17 : memref<256xi32, #tpu.memory_space<vmem>>)
          tpu.yield
        }) : () -> ()
        %dma_start3A_856 = arith.constant 0 : i32
        %dma_start3A_857 = arith.constant 0 : i32
        %dma_start3A_858 = tpu.memref_slice %arg21[%dma_start3A_856, %dma_start3A_857] : memref<256x64xf32, #tpu.memory_space<vmem>> -> memref<128x64xf32, #tpu.memory_space<vmem>>
        %dma_start3A_859 = arith.constant 0 : i32
        %dma_start3A_860 = tpu.memref_slice %arg9[%dma_start3A_859] : memref<256xi32, #tpu.memory_space<vmem>> -> memref<128xi32, #tpu.memory_space<vmem>>
        %dma_start3A_861 = arith.constant 0 : i32
        %dma_start3A_862 = arith.constant 0 : i32
        %dma_start3A_863 = tpu.memref_slice %arg2[%dma_start3A_861, %dma_start3A_862] : memref<100002x64xf32, #tpu.memory_space<hbm>> -> memref<100002x64xf32, #tpu.memory_space<hbm>>
        tpu.enqueue_indirect_dma source(%dma_start3A_863 : memref<100002x64xf32, #tpu.memory_space<hbm>>) target(%dma_start3A_858 : memref<128x64xf32, #tpu.memory_space<vmem>>) offsets(%dma_start3A_860 : memref<128xi32, #tpu.memory_space<vmem>>) semaphore(%arg26 : memref<!tpu.dma_semaphore, #tpu.memory_space<semaphore_mem>>)
        %dma_start3A_864 = arith.constant 128 : i32
        %dma_start3A_865 = arith.constant 0 : i32
        %dma_start3A_866 = tpu.memref_slice %arg21[%dma_start3A_864, %dma_start3A_865] : memref<256x64xf32, #tpu.memory_space<vmem>> -> memref<128x64xf32, #tpu.memory_space<vmem>>
        %dma_start3A_867 = arith.constant 128 : i32
        %dma_start3A_868 = tpu.memref_slice %arg9[%dma_start3A_867] : memref<256xi32, #tpu.memory_space<vmem>> -> memref<128xi32, #tpu.memory_space<vmem>>
        %dma_start3A_869 = arith.constant 0 : i32
        %dma_start3A_870 = arith.constant 0 : i32
        %dma_start3A_871 = tpu.memref_slice %arg2[%dma_start3A_869, %dma_start3A_870] : memref<100002x64xf32, #tpu.memory_space<hbm>> -> memref<100002x64xf32, #tpu.memory_space<hbm>>
        tpu.enqueue_indirect_dma source(%dma_start3A_871 : memref<100002x64xf32, #tpu.memory_space<hbm>>) target(%dma_start3A_866 : memref<128x64xf32, #tpu.memory_space<vmem>>) offsets(%dma_start3A_868 : memref<128xi32, #tpu.memory_space<vmem>>) semaphore(%arg26 : memref<!tpu.dma_semaphore, #tpu.memory_space<semaphore_mem>>)
      } else {
      }
      %iota3A_662 = tpu.iota {dimensions = array<i32: 0>} : vector<16xi32>
      %add3A_663 = arith.constant 0 : i32
      %add3A_664 = vector.broadcast %add3A_663 : i32 to vector<16xi32>
      %add3A_665 = arith.addi %iota3A_662, %add3A_664 : vector<16xi32>
      %ge3A_666 = arith.constant 10 : i32
      %ge3A_667 = vector.broadcast %ge3A_666 : i32 to vector<16xi32>
      %ge3A_668 = arith.cmpi sge, %add3A_665, %ge3A_667 : vector<16xi32>
      %sub3A_669 = arith.constant 10 : i32
      %sub3A_670 = vector.broadcast %sub3A_669 : i32 to vector<16xi32>
      %sub3A_671 = arith.subi %add3A_665, %sub3A_670 : vector<16xi32>
      %select_n3A_672 = arith.select %ge3A_668, %sub3A_671, %add3A_665 : vector<16xi1>, vector<16xi32>
      %ge3A_673 = arith.constant 10 : i32
      %ge3A_674 = vector.broadcast %ge3A_673 : i32 to vector<16xi32>
      %ge3A_675 = arith.cmpi sge, %select_n3A_672, %ge3A_674 : vector<16xi32>
      %sub3A_676 = arith.constant 10 : i32
      %sub3A_677 = vector.broadcast %sub3A_676 : i32 to vector<16xi32>
      %sub3A_678 = arith.subi %select_n3A_672, %sub3A_677 : vector<16xi32>
      %select_n3A_679 = arith.select %ge3A_675, %sub3A_678, %select_n3A_672 : vector<16xi1>, vector<16xi32>
      %add3A_680 = arith.constant 1 : i32
      %add3A_681 = vector.broadcast %add3A_680 : i32 to vector<16xi32>
      %add3A_682 = arith.addi %iota3A_662, %add3A_681 : vector<16xi32>
      %ge3A_683 = arith.constant 10 : i32
      %ge3A_684 = vector.broadcast %ge3A_683 : i32 to vector<16xi32>
      %ge3A_685 = arith.cmpi sge, %add3A_682, %ge3A_684 : vector<16xi32>
      %sub3A_686 = arith.constant 10 : i32
      %sub3A_687 = vector.broadcast %sub3A_686 : i32 to vector<16xi32>
      %sub3A_688 = arith.subi %add3A_682, %sub3A_687 : vector<16xi32>
      %select_n3A_689 = arith.select %ge3A_685, %sub3A_688, %add3A_682 : vector<16xi1>, vector<16xi32>
      %ge3A_690 = arith.constant 10 : i32
      %ge3A_691 = vector.broadcast %ge3A_690 : i32 to vector<16xi32>
      %ge3A_692 = arith.cmpi sge, %select_n3A_689, %ge3A_691 : vector<16xi32>
      %sub3A_693 = arith.constant 10 : i32
      %sub3A_694 = vector.broadcast %sub3A_693 : i32 to vector<16xi32>
      %sub3A_695 = arith.subi %select_n3A_689, %sub3A_694 : vector<16xi32>
      %select_n3A_696 = arith.select %ge3A_692, %sub3A_695, %select_n3A_689 : vector<16xi1>, vector<16xi32>
      %add3A_697 = arith.constant 2 : i32
      %add3A_698 = vector.broadcast %add3A_697 : i32 to vector<16xi32>
      %add3A_699 = arith.addi %iota3A_662, %add3A_698 : vector<16xi32>
      %ge3A_700 = arith.constant 10 : i32
      %ge3A_701 = vector.broadcast %ge3A_700 : i32 to vector<16xi32>
      %ge3A_702 = arith.cmpi sge, %add3A_699, %ge3A_701 : vector<16xi32>
      %sub3A_703 = arith.constant 10 : i32
      %sub3A_704 = vector.broadcast %sub3A_703 : i32 to vector<16xi32>
      %sub3A_705 = arith.subi %add3A_699, %sub3A_704 : vector<16xi32>
      %select_n3A_706 = arith.select %ge3A_702, %sub3A_705, %add3A_699 : vector<16xi1>, vector<16xi32>
      %ge3A_707 = arith.constant 10 : i32
      %ge3A_708 = vector.broadcast %ge3A_707 : i32 to vector<16xi32>
      %ge3A_709 = arith.cmpi sge, %select_n3A_706, %ge3A_708 : vector<16xi32>
      %sub3A_710 = arith.constant 10 : i32
      %sub3A_711 = vector.broadcast %sub3A_710 : i32 to vector<16xi32>
      %sub3A_712 = arith.subi %select_n3A_706, %sub3A_711 : vector<16xi32>
      %select_n3A_713 = arith.select %ge3A_709, %sub3A_712, %select_n3A_706 : vector<16xi1>, vector<16xi32>
      %add3A_714 = arith.constant 3 : i32
      %add3A_715 = vector.broadcast %add3A_714 : i32 to vector<16xi32>
      %add3A_716 = arith.addi %iota3A_662, %add3A_715 : vector<16xi32>
      %ge3A_717 = arith.constant 10 : i32
      %ge3A_718 = vector.broadcast %ge3A_717 : i32 to vector<16xi32>
      %ge3A_719 = arith.cmpi sge, %add3A_716, %ge3A_718 : vector<16xi32>
      %sub3A_720 = arith.constant 10 : i32
      %sub3A_721 = vector.broadcast %sub3A_720 : i32 to vector<16xi32>
      %sub3A_722 = arith.subi %add3A_716, %sub3A_721 : vector<16xi32>
      %select_n3A_723 = arith.select %ge3A_719, %sub3A_722, %add3A_716 : vector<16xi1>, vector<16xi32>
      %ge3A_724 = arith.constant 10 : i32
      %ge3A_725 = vector.broadcast %ge3A_724 : i32 to vector<16xi32>
      %ge3A_726 = arith.cmpi sge, %select_n3A_723, %ge3A_725 : vector<16xi32>
      %sub3A_727 = arith.constant 10 : i32
      %sub3A_728 = vector.broadcast %sub3A_727 : i32 to vector<16xi32>
      %sub3A_729 = arith.subi %select_n3A_723, %sub3A_728 : vector<16xi32>
      %select_n3A_730 = arith.select %ge3A_726, %sub3A_729, %select_n3A_723 : vector<16xi1>, vector<16xi32>
      %add3A_731 = arith.constant 4 : i32
      %add3A_732 = vector.broadcast %add3A_731 : i32 to vector<16xi32>
      %add3A_733 = arith.addi %iota3A_662, %add3A_732 : vector<16xi32>
      %ge3A_734 = arith.constant 10 : i32
      %ge3A_735 = vector.broadcast %ge3A_734 : i32 to vector<16xi32>
      %ge3A_736 = arith.cmpi sge, %add3A_733, %ge3A_735 : vector<16xi32>
      %sub3A_737 = arith.constant 10 : i32
      %sub3A_738 = vector.broadcast %sub3A_737 : i32 to vector<16xi32>
      %sub3A_739 = arith.subi %add3A_733, %sub3A_738 : vector<16xi32>
      %select_n3A_740 = arith.select %ge3A_736, %sub3A_739, %add3A_733 : vector<16xi1>, vector<16xi32>
      %ge3A_741 = arith.constant 10 : i32
      %ge3A_742 = vector.broadcast %ge3A_741 : i32 to vector<16xi32>
      %ge3A_743 = arith.cmpi sge, %select_n3A_740, %ge3A_742 : vector<16xi32>
      %sub3A_744 = arith.constant 10 : i32
      %sub3A_745 = vector.broadcast %sub3A_744 : i32 to vector<16xi32>
      %sub3A_746 = arith.subi %select_n3A_740, %sub3A_745 : vector<16xi32>
      %select_n3A_747 = arith.select %ge3A_743, %sub3A_746, %select_n3A_740 : vector<16xi1>, vector<16xi32>
      %add3A_748 = arith.constant 5 : i32
      %add3A_749 = vector.broadcast %add3A_748 : i32 to vector<16xi32>
      %add3A_750 = arith.addi %iota3A_662, %add3A_749 : vector<16xi32>
      %ge3A_751 = arith.constant 10 : i32
      %ge3A_752 = vector.broadcast %ge3A_751 : i32 to vector<16xi32>
      %ge3A_753 = arith.cmpi sge, %add3A_750, %ge3A_752 : vector<16xi32>
      %sub3A_754 = arith.constant 10 : i32
      %sub3A_755 = vector.broadcast %sub3A_754 : i32 to vector<16xi32>
      %sub3A_756 = arith.subi %add3A_750, %sub3A_755 : vector<16xi32>
      %select_n3A_757 = arith.select %ge3A_753, %sub3A_756, %add3A_750 : vector<16xi1>, vector<16xi32>
      %ge3A_758 = arith.constant 10 : i32
      %ge3A_759 = vector.broadcast %ge3A_758 : i32 to vector<16xi32>
      %ge3A_760 = arith.cmpi sge, %select_n3A_757, %ge3A_759 : vector<16xi32>
      %sub3A_761 = arith.constant 10 : i32
      %sub3A_762 = vector.broadcast %sub3A_761 : i32 to vector<16xi32>
      %sub3A_763 = arith.subi %select_n3A_757, %sub3A_762 : vector<16xi32>
      %select_n3A_764 = arith.select %ge3A_760, %sub3A_763, %select_n3A_757 : vector<16xi1>, vector<16xi32>
      %add3A_765 = arith.constant 6 : i32
      %add3A_766 = vector.broadcast %add3A_765 : i32 to vector<16xi32>
      %add3A_767 = arith.addi %iota3A_662, %add3A_766 : vector<16xi32>
      %ge3A_768 = arith.constant 10 : i32
      %ge3A_769 = vector.broadcast %ge3A_768 : i32 to vector<16xi32>
      %ge3A_770 = arith.cmpi sge, %add3A_767, %ge3A_769 : vector<16xi32>
      %sub3A_771 = arith.constant 10 : i32
      %sub3A_772 = vector.broadcast %sub3A_771 : i32 to vector<16xi32>
      %sub3A_773 = arith.subi %add3A_767, %sub3A_772 : vector<16xi32>
      %select_n3A_774 = arith.select %ge3A_770, %sub3A_773, %add3A_767 : vector<16xi1>, vector<16xi32>
      %ge3A_775 = arith.constant 10 : i32
      %ge3A_776 = vector.broadcast %ge3A_775 : i32 to vector<16xi32>
      %ge3A_777 = arith.cmpi sge, %select_n3A_774, %ge3A_776 : vector<16xi32>
      %sub3A_778 = arith.constant 10 : i32
      %sub3A_779 = vector.broadcast %sub3A_778 : i32 to vector<16xi32>
      %sub3A_780 = arith.subi %select_n3A_774, %sub3A_779 : vector<16xi32>
      %select_n3A_781 = arith.select %ge3A_777, %sub3A_780, %select_n3A_774 : vector<16xi1>, vector<16xi32>
      %add3A_782 = arith.constant 7 : i32
      %add3A_783 = vector.broadcast %add3A_782 : i32 to vector<16xi32>
      %add3A_784 = arith.addi %iota3A_662, %add3A_783 : vector<16xi32>
      %ge3A_785 = arith.constant 10 : i32
      %ge3A_786 = vector.broadcast %ge3A_785 : i32 to vector<16xi32>
      %ge3A_787 = arith.cmpi sge, %add3A_784, %ge3A_786 : vector<16xi32>
      %sub3A_788 = arith.constant 10 : i32
      %sub3A_789 = vector.broadcast %sub3A_788 : i32 to vector<16xi32>
      %sub3A_790 = arith.subi %add3A_784, %sub3A_789 : vector<16xi32>
      %select_n3A_791 = arith.select %ge3A_787, %sub3A_790, %add3A_784 : vector<16xi1>, vector<16xi32>
      %ge3A_792 = arith.constant 10 : i32
      %ge3A_793 = vector.broadcast %ge3A_792 : i32 to vector<16xi32>
      %ge3A_794 = arith.cmpi sge, %select_n3A_791, %ge3A_793 : vector<16xi32>
      %sub3A_795 = arith.constant 10 : i32
      %sub3A_796 = vector.broadcast %sub3A_795 : i32 to vector<16xi32>
      %sub3A_797 = arith.subi %select_n3A_791, %sub3A_796 : vector<16xi32>
      %select_n3A_798 = arith.select %ge3A_794, %sub3A_797, %select_n3A_791 : vector<16xi1>, vector<16xi32>
      %add3A_799 = arith.constant 8 : i32
      %add3A_800 = vector.broadcast %add3A_799 : i32 to vector<16xi32>
      %add3A_801 = arith.addi %iota3A_662, %add3A_800 : vector<16xi32>
      %ge3A_802 = arith.constant 10 : i32
      %ge3A_803 = vector.broadcast %ge3A_802 : i32 to vector<16xi32>
      %ge3A_804 = arith.cmpi sge, %add3A_801, %ge3A_803 : vector<16xi32>
      %sub3A_805 = arith.constant 10 : i32
      %sub3A_806 = vector.broadcast %sub3A_805 : i32 to vector<16xi32>
      %sub3A_807 = arith.subi %add3A_801, %sub3A_806 : vector<16xi32>
      %select_n3A_808 = arith.select %ge3A_804, %sub3A_807, %add3A_801 : vector<16xi1>, vector<16xi32>
      %ge3A_809 = arith.constant 10 : i32
      %ge3A_810 = vector.broadcast %ge3A_809 : i32 to vector<16xi32>
      %ge3A_811 = arith.cmpi sge, %select_n3A_808, %ge3A_810 : vector<16xi32>
      %sub3A_812 = arith.constant 10 : i32
      %sub3A_813 = vector.broadcast %sub3A_812 : i32 to vector<16xi32>
      %sub3A_814 = arith.subi %select_n3A_808, %sub3A_813 : vector<16xi32>
      %select_n3A_815 = arith.select %ge3A_811, %sub3A_814, %select_n3A_808 : vector<16xi1>, vector<16xi32>
      %add3A_816 = arith.constant 9 : i32
      %add3A_817 = vector.broadcast %add3A_816 : i32 to vector<16xi32>
      %add3A_818 = arith.addi %iota3A_662, %add3A_817 : vector<16xi32>
      %ge3A_819 = arith.constant 10 : i32
      %ge3A_820 = vector.broadcast %ge3A_819 : i32 to vector<16xi32>
      %ge3A_821 = arith.cmpi sge, %add3A_818, %ge3A_820 : vector<16xi32>
      %sub3A_822 = arith.constant 10 : i32
      %sub3A_823 = vector.broadcast %sub3A_822 : i32 to vector<16xi32>
      %sub3A_824 = arith.subi %add3A_818, %sub3A_823 : vector<16xi32>
      %select_n3A_825 = arith.select %ge3A_821, %sub3A_824, %add3A_818 : vector<16xi1>, vector<16xi32>
      %ge3A_826 = arith.constant 10 : i32
      %ge3A_827 = vector.broadcast %ge3A_826 : i32 to vector<16xi32>
      %ge3A_828 = arith.cmpi sge, %select_n3A_825, %ge3A_827 : vector<16xi32>
      %sub3A_829 = arith.constant 10 : i32
      %sub3A_830 = vector.broadcast %sub3A_829 : i32 to vector<16xi32>
      %sub3A_831 = arith.subi %select_n3A_825, %sub3A_830 : vector<16xi32>
      %select_n3A_832 = arith.select %ge3A_828, %sub3A_831, %select_n3A_825 : vector<16xi1>, vector<16xi32>
      %scan3A_833 = arith.constant 0 : i32
      %scan3A_834 = arith.constant 0 : i32
      %scan3A_835 = arith.constant 16 : i32
      %scan3A_836 = arith.addi %scan3A_834, %scan3A_835 : i32
      %scan3A_837 = arith.constant 1 : i32
      scf.for %scan3A_846 = %scan3A_834 to %scan3A_836 step %scan3A_837  : i32 {
        %mul3A_847 = arith.constant 16 : i32
        %mul3A_848 = arith.muli %scan3A_846, %mul3A_847 : i32
        %add3A_849 = vector.broadcast %mul3A_848 : i32 to vector<16xi32>
        %add3A_850 = arith.addi %iota3A_662, %add3A_849 : vector<16xi32>
        %get3A = arith.index_cast %mul3A_848 : i32 to index
        %get3A_851 = tpu.vector_load %arg16[%get3A] {strides = array<i32>} : memref<256xi32, #tpu.memory_space<vmem>>, vector<16xi32>,
        %mul3A_852 = arith.constant 5 : i32
        %mul3A_853 = vector.broadcast %mul3A_852 : i32 to vector<16xi32>
        %mul3A_854 = arith.muli %get3A_851, %mul3A_853 : vector<16xi32>
        %get3A_855 = arith.index_cast %mul3A_848 : i32 to index
        %get3A_856 = tpu.vector_load %arg20[%get3A_855] {strides = array<i32>} : memref<256xi32, #tpu.memory_space<vmem>>, vector<16xi32>,
        %mul3A_857 = arith.constant 5 : i32
        %mul3A_858 = vector.broadcast %mul3A_857 : i32 to vector<16xi32>
        %mul3A_859 = arith.muli %get3A_856, %mul3A_858 : vector<16xi32>
        %add3A_860 = arith.constant 1995 : i32
        %add3A_861 = vector.broadcast %add3A_860 : i32 to vector<16xi32>
        %add3A_862 = arith.addi %mul3A_859, %add3A_861 : vector<16xi32>
        %lt3A_863 = arith.constant 5 : i32
        %lt3A_864 = vector.broadcast %lt3A_863 : i32 to vector<16xi32>
        %lt3A_865 = arith.cmpi slt, %select_n3A_679, %lt3A_864 : vector<16xi32>
        %add3A_866 = arith.addi %mul3A_854, %select_n3A_679 : vector<16xi32>
        %add3A_867 = arith.addi %add3A_862, %select_n3A_679 : vector<16xi32>
        %select_n3A_868 = arith.select %lt3A_865, %add3A_866, %add3A_867 : vector<16xi1>, vector<16xi32>
        %gather3A = tpu.vector_load_idx %arg25[%select_n3A_868] : memref<4000xf32, #tpu.memory_space<vmem>>[vector<16xi32>], vector<16xf32>,
        %add3A_869 = arith.constant 50 : i32
        %add3A_870 = vector.broadcast %add3A_869 : i32 to vector<16xi32>
        %add3A_871 = arith.addi %select_n3A_679, %add3A_870 : vector<16xi32>
        tpu.vector_store_idx %arg24[%add3A_850, %add3A_871], %gather3A : memref<256x64xf32, #tpu.memory_space<vmem>>[vector<16xi32>, vector<16xi32>], vector<16xf32>,
        %lt3A_872 = arith.constant 5 : i32
        %lt3A_873 = vector.broadcast %lt3A_872 : i32 to vector<16xi32>
        %lt3A_874 = arith.cmpi slt, %select_n3A_696, %lt3A_873 : vector<16xi32>
        %add3A_875 = arith.addi %mul3A_854, %select_n3A_696 : vector<16xi32>
        %add3A_876 = arith.addi %add3A_862, %select_n3A_696 : vector<16xi32>
        %select_n3A_877 = arith.select %lt3A_874, %add3A_875, %add3A_876 : vector<16xi1>, vector<16xi32>
        %gather3A_878 = tpu.vector_load_idx %arg25[%select_n3A_877] : memref<4000xf32, #tpu.memory_space<vmem>>[vector<16xi32>], vector<16xf32>,
        %add3A_879 = arith.constant 50 : i32
        %add3A_880 = vector.broadcast %add3A_879 : i32 to vector<16xi32>
        %add3A_881 = arith.addi %select_n3A_696, %add3A_880 : vector<16xi32>
        tpu.vector_store_idx %arg24[%add3A_850, %add3A_881], %gather3A_878 : memref<256x64xf32, #tpu.memory_space<vmem>>[vector<16xi32>, vector<16xi32>], vector<16xf32>,
        %lt3A_882 = arith.constant 5 : i32
        %lt3A_883 = vector.broadcast %lt3A_882 : i32 to vector<16xi32>
        %lt3A_884 = arith.cmpi slt, %select_n3A_713, %lt3A_883 : vector<16xi32>
        %add3A_885 = arith.addi %mul3A_854, %select_n3A_713 : vector<16xi32>
        %add3A_886 = arith.addi %add3A_862, %select_n3A_713 : vector<16xi32>
        %select_n3A_887 = arith.select %lt3A_884, %add3A_885, %add3A_886 : vector<16xi1>, vector<16xi32>
        %gather3A_888 = tpu.vector_load_idx %arg25[%select_n3A_887] : memref<4000xf32, #tpu.memory_space<vmem>>[vector<16xi32>], vector<16xf32>,
        %add3A_889 = arith.constant 50 : i32
        %add3A_890 = vector.broadcast %add3A_889 : i32 to vector<16xi32>
        %add3A_891 = arith.addi %select_n3A_713, %add3A_890 : vector<16xi32>
        tpu.vector_store_idx %arg24[%add3A_850, %add3A_891], %gather3A_888 : memref<256x64xf32, #tpu.memory_space<vmem>>[vector<16xi32>, vector<16xi32>], vector<16xf32>,
        %lt3A_892 = arith.constant 5 : i32
        %lt3A_893 = vector.broadcast %lt3A_892 : i32 to vector<16xi32>
        %lt3A_894 = arith.cmpi slt, %select_n3A_730, %lt3A_893 : vector<16xi32>
        %add3A_895 = arith.addi %mul3A_854, %select_n3A_730 : vector<16xi32>
        %add3A_896 = arith.addi %add3A_862, %select_n3A_730 : vector<16xi32>
        %select_n3A_897 = arith.select %lt3A_894, %add3A_895, %add3A_896 : vector<16xi1>, vector<16xi32>
        %gather3A_898 = tpu.vector_load_idx %arg25[%select_n3A_897] : memref<4000xf32, #tpu.memory_space<vmem>>[vector<16xi32>], vector<16xf32>,
        %add3A_899 = arith.constant 50 : i32
        %add3A_900 = vector.broadcast %add3A_899 : i32 to vector<16xi32>
        %add3A_901 = arith.addi %select_n3A_730, %add3A_900 : vector<16xi32>
        tpu.vector_store_idx %arg24[%add3A_850, %add3A_901], %gather3A_898 : memref<256x64xf32, #tpu.memory_space<vmem>>[vector<16xi32>, vector<16xi32>], vector<16xf32>,
        %lt3A_902 = arith.constant 5 : i32
        %lt3A_903 = vector.broadcast %lt3A_902 : i32 to vector<16xi32>
        %lt3A_904 = arith.cmpi slt, %select_n3A_747, %lt3A_903 : vector<16xi32>
        %add3A_905 = arith.addi %mul3A_854, %select_n3A_747 : vector<16xi32>
        %add3A_906 = arith.addi %add3A_862, %select_n3A_747 : vector<16xi32>
        %select_n3A_907 = arith.select %lt3A_904, %add3A_905, %add3A_906 : vector<16xi1>, vector<16xi32>
        %gather3A_908 = tpu.vector_load_idx %arg25[%select_n3A_907] : memref<4000xf32, #tpu.memory_space<vmem>>[vector<16xi32>], vector<16xf32>,
        %add3A_909 = arith.constant 50 : i32
        %add3A_910 = vector.broadcast %add3A_909 : i32 to vector<16xi32>
        %add3A_911 = arith.addi %select_n3A_747, %add3A_910 : vector<16xi32>
        tpu.vector_store_idx %arg24[%add3A_850, %add3A_911], %gather3A_908 : memref<256x64xf32, #tpu.memory_space<vmem>>[vector<16xi32>, vector<16xi32>], vector<16xf32>,
        %lt3A_912 = arith.constant 5 : i32
        %lt3A_913 = vector.broadcast %lt3A_912 : i32 to vector<16xi32>
        %lt3A_914 = arith.cmpi slt, %select_n3A_764, %lt3A_913 : vector<16xi32>
        %add3A_915 = arith.addi %mul3A_854, %select_n3A_764 : vector<16xi32>
        %add3A_916 = arith.addi %add3A_862, %select_n3A_764 : vector<16xi32>
        %select_n3A_917 = arith.select %lt3A_914, %add3A_915, %add3A_916 : vector<16xi1>, vector<16xi32>
        %gather3A_918 = tpu.vector_load_idx %arg25[%select_n3A_917] : memref<4000xf32, #tpu.memory_space<vmem>>[vector<16xi32>], vector<16xf32>,
        %add3A_919 = arith.constant 50 : i32
        %add3A_920 = vector.broadcast %add3A_919 : i32 to vector<16xi32>
        %add3A_921 = arith.addi %select_n3A_764, %add3A_920 : vector<16xi32>
        tpu.vector_store_idx %arg24[%add3A_850, %add3A_921], %gather3A_918 : memref<256x64xf32, #tpu.memory_space<vmem>>[vector<16xi32>, vector<16xi32>], vector<16xf32>,
        %lt3A_922 = arith.constant 5 : i32
        %lt3A_923 = vector.broadcast %lt3A_922 : i32 to vector<16xi32>
        %lt3A_924 = arith.cmpi slt, %select_n3A_781, %lt3A_923 : vector<16xi32>
        %add3A_925 = arith.addi %mul3A_854, %select_n3A_781 : vector<16xi32>
        %add3A_926 = arith.addi %add3A_862, %select_n3A_781 : vector<16xi32>
        %select_n3A_927 = arith.select %lt3A_924, %add3A_925, %add3A_926 : vector<16xi1>, vector<16xi32>
        %gather3A_928 = tpu.vector_load_idx %arg25[%select_n3A_927] : memref<4000xf32, #tpu.memory_space<vmem>>[vector<16xi32>], vector<16xf32>,
        %add3A_929 = arith.constant 50 : i32
        %add3A_930 = vector.broadcast %add3A_929 : i32 to vector<16xi32>
        %add3A_931 = arith.addi %select_n3A_781, %add3A_930 : vector<16xi32>
        tpu.vector_store_idx %arg24[%add3A_850, %add3A_931], %gather3A_928 : memref<256x64xf32, #tpu.memory_space<vmem>>[vector<16xi32>, vector<16xi32>], vector<16xf32>,
        %lt3A_932 = arith.constant 5 : i32
        %lt3A_933 = vector.broadcast %lt3A_932 : i32 to vector<16xi32>
        %lt3A_934 = arith.cmpi slt, %select_n3A_798, %lt3A_933 : vector<16xi32>
        %add3A_935 = arith.addi %mul3A_854, %select_n3A_798 : vector<16xi32>
        %add3A_936 = arith.addi %add3A_862, %select_n3A_798 : vector<16xi32>
        %select_n3A_937 = arith.select %lt3A_934, %add3A_935, %add3A_936 : vector<16xi1>, vector<16xi32>
        %gather3A_938 = tpu.vector_load_idx %arg25[%select_n3A_937] : memref<4000xf32, #tpu.memory_space<vmem>>[vector<16xi32>], vector<16xf32>,
        %add3A_939 = arith.constant 50 : i32
        %add3A_940 = vector.broadcast %add3A_939 : i32 to vector<16xi32>
        %add3A_941 = arith.addi %select_n3A_798, %add3A_940 : vector<16xi32>
        tpu.vector_store_idx %arg24[%add3A_850, %add3A_941], %gather3A_938 : memref<256x64xf32, #tpu.memory_space<vmem>>[vector<16xi32>, vector<16xi32>], vector<16xf32>,
        %lt3A_942 = arith.constant 5 : i32
        %lt3A_943 = vector.broadcast %lt3A_942 : i32 to vector<16xi32>
        %lt3A_944 = arith.cmpi slt, %select_n3A_815, %lt3A_943 : vector<16xi32>
        %add3A_945 = arith.addi %mul3A_854, %select_n3A_815 : vector<16xi32>
        %add3A_946 = arith.addi %add3A_862, %select_n3A_815 : vector<16xi32>
        %select_n3A_947 = arith.select %lt3A_944, %add3A_945, %add3A_946 : vector<16xi1>, vector<16xi32>
        %gather3A_948 = tpu.vector_load_idx %arg25[%select_n3A_947] : memref<4000xf32, #tpu.memory_space<vmem>>[vector<16xi32>], vector<16xf32>,
        %add3A_949 = arith.constant 50 : i32
        %add3A_950 = vector.broadcast %add3A_949 : i32 to vector<16xi32>
        %add3A_951 = arith.addi %select_n3A_815, %add3A_950 : vector<16xi32>
        tpu.vector_store_idx %arg24[%add3A_850, %add3A_951], %gather3A_948 : memref<256x64xf32, #tpu.memory_space<vmem>>[vector<16xi32>, vector<16xi32>], vector<16xf32>,
        %lt3A_952 = arith.constant 5 : i32
        %lt3A_953 = vector.broadcast %lt3A_952 : i32 to vector<16xi32>
        %lt3A_954 = arith.cmpi slt, %select_n3A_832, %lt3A_953 : vector<16xi32>
        %add3A_955 = arith.addi %mul3A_854, %select_n3A_832 : vector<16xi32>
        %add3A_956 = arith.addi %add3A_862, %select_n3A_832 : vector<16xi32>
        %select_n3A_957 = arith.select %lt3A_954, %add3A_955, %add3A_956 : vector<16xi1>, vector<16xi32>
        %gather3A_958 = tpu.vector_load_idx %arg25[%select_n3A_957] : memref<4000xf32, #tpu.memory_space<vmem>>[vector<16xi32>], vector<16xf32>,
        %add3A_959 = arith.constant 50 : i32
        %add3A_960 = vector.broadcast %add3A_959 : i32 to vector<16xi32>
        %add3A_961 = arith.addi %select_n3A_832, %add3A_960 : vector<16xi32>
        tpu.vector_store_idx %arg24[%add3A_850, %add3A_961], %gather3A_958 : memref<256x64xf32, #tpu.memory_space<vmem>>[vector<16xi32>, vector<16xi32>], vector<16xf32>,
      }
      %scan3A_838 = arith.constant 16 : i32
      %mul3A_839 = arith.constant 256 : i32
      %mul3A_840 = arith.muli %add3A_648, %mul3A_839 : i32
      %add3A_841 = arith.addi %mul3A_2, %mul3A_840 : i32
      %dma_start3A_842 = arith.constant 0 : i32
      %dma_start3A_843 = tpu.memref_slice %arg8[%add3A_841, %dma_start3A_842] : memref<819200x64xf32, #tpu.memory_space<hbm>> -> memref<256x64xf32, #tpu.memory_space<hbm>>
      %dma_start3A_844 = arith.constant 0 : i32
      %dma_start3A_845 = tpu.memref_slice %arg8[%add3A_841, %dma_start3A_844] : memref<819200x64xf32, #tpu.memory_space<hbm>> -> memref<256x64xf32, #tpu.memory_space<hbm>>
      tpu.enqueue_dma source(%arg24 : memref<256x64xf32, #tpu.memory_space<vmem>>) target(%dma_start3A_845 : memref<256x64xf32, #tpu.memory_space<hbm>>) target_semaphore(%arg33 : memref<!tpu.dma_semaphore, #tpu.memory_space<semaphore_mem>>)
    }
    %scan3A_24 = arith.constant 25 : i32
    %dma_wait3A = arith.constant 0 : i32
    %dma_wait3A_25 = arith.constant 0 : i32
    %dma_wait3A_26 = tpu.memref_slice %arg8[%dma_wait3A, %dma_wait3A_25] : memref<819200x64xf32, #tpu.memory_space<hbm>> -> memref<256x64xf32, #tpu.memory_space<hbm>>
    %dma_wait3A_27 = arith.constant 0 : i32
    %dma_wait3A_28 = arith.constant 0 : i32
    %dma_wait3A_29 = tpu.memref_slice %arg8[%dma_wait3A_27, %dma_wait3A_28] : memref<819200x64xf32, #tpu.memory_space<hbm>> -> memref<256x64xf32, #tpu.memory_space<hbm>>
    tpu.wait_dma2 semaphore(%arg30 : memref<!tpu.dma_semaphore, #tpu.memory_space<semaphore_mem>>) src(%arg21 : memref<256x64xf32, #tpu.memory_space<vmem>>) dst(%dma_wait3A_29 : memref<256x64xf32, #tpu.memory_space<hbm>>)
    %dma_wait3A_30 = arith.constant 0 : i32
    %dma_wait3A_31 = arith.constant 0 : i32
    %dma_wait3A_32 = tpu.memref_slice %arg8[%dma_wait3A_30, %dma_wait3A_31] : memref<819200x64xf32, #tpu.memory_space<hbm>> -> memref<256x64xf32, #tpu.memory_space<hbm>>
    %dma_wait3A_33 = arith.constant 0 : i32
    %dma_wait3A_34 = arith.constant 0 : i32
    %dma_wait3A_35 = tpu.memref_slice %arg8[%dma_wait3A_33, %dma_wait3A_34] : memref<819200x64xf32, #tpu.memory_space<hbm>> -> memref<256x64xf32, #tpu.memory_space<hbm>>
    tpu.wait_dma2 semaphore(%arg31 : memref<!tpu.dma_semaphore, #tpu.memory_space<semaphore_mem>>) src(%arg22 : memref<256x64xf32, #tpu.memory_space<vmem>>) dst(%dma_wait3A_35 : memref<256x64xf32, #tpu.memory_space<hbm>>)
    %dma_wait3A_36 = arith.constant 0 : i32
    %dma_wait3A_37 = arith.constant 0 : i32
    %dma_wait3A_38 = tpu.memref_slice %arg8[%dma_wait3A_36, %dma_wait3A_37] : memref<819200x64xf32, #tpu.memory_space<hbm>> -> memref<256x64xf32, #tpu.memory_space<hbm>>
    %dma_wait3A_39 = arith.constant 0 : i32
    %dma_wait3A_40 = arith.constant 0 : i32
    %dma_wait3A_41 = tpu.memref_slice %arg8[%dma_wait3A_39, %dma_wait3A_40] : memref<819200x64xf32, #tpu.memory_space<hbm>> -> memref<256x64xf32, #tpu.memory_space<hbm>>
    tpu.wait_dma2 semaphore(%arg32 : memref<!tpu.dma_semaphore, #tpu.memory_space<semaphore_mem>>) src(%arg23 : memref<256x64xf32, #tpu.memory_space<vmem>>) dst(%dma_wait3A_41 : memref<256x64xf32, #tpu.memory_space<hbm>>)
    %dma_wait3A_42 = arith.constant 0 : i32
    %dma_wait3A_43 = arith.constant 0 : i32
    %dma_wait3A_44 = tpu.memref_slice %arg8[%dma_wait3A_42, %dma_wait3A_43] : memref<819200x64xf32, #tpu.memory_space<hbm>> -> memref<256x64xf32, #tpu.memory_space<hbm>>
    %dma_wait3A_45 = arith.constant 0 : i32
    %dma_wait3A_46 = arith.constant 0 : i32
    %dma_wait3A_47 = tpu.memref_slice %arg8[%dma_wait3A_45, %dma_wait3A_46] : memref<819200x64xf32, #tpu.memory_space<hbm>> -> memref<256x64xf32, #tpu.memory_space<hbm>>
    tpu.wait_dma2 semaphore(%arg33 : memref<!tpu.dma_semaphore, #tpu.memory_space<semaphore_mem>>) src(%arg24 : memref<256x64xf32, #tpu.memory_space<vmem>>) dst(%dma_wait3A_47 : memref<256x64xf32, #tpu.memory_space<hbm>>)
    return
  }
}

</mosaic_0001>

<sc_bundles>
// kernel: kernel.3.cloned.1.call-start
scs
__scs_entry_jumppad:
0x0: {  	(pc) =	sbr.rel $0x88, $3  }
0x1: {  	(tag) =	ssettag $0x0;
	lr =	simm.s32 $0x1  }
0x2: {  	[smem:$0x3F9B] =	sst lr;
	_ =	strace $0xD0000000  }
0x3: {  	_ = 	snop  }
0x4: {  	_ = 	snop  }
0x5: {  	_ = 	snop  }
0x6: {  	_ = 	snop  }
0x7: {  	_ = 	snop  }
__scs_overlays_trampoline_lowered:
0x8: {  	[smem:$0x3FAA] =	sst s0  }
0x9: {  	[smem:$0x3FAB] =	sst s1  }
0xa: {  	[smem:$0x3FAC] =	sst s2  }
0xb: {  	[smem:$0x3FAD] =	sst s3  }
0xc: {  	[smem:$0x3FAE] =	sst s4  }
0xd: {  	[smem:$0x3FAF] =	sst s5  }
0xe: {  	[smem:$0x3FB0] =	sst s6  }
0xf: {  	[smem:$0x3FB1] =	sst s7  }
0x10: {  	[smem:$0x3FB2] =	sst s8  }
0x11: {  	[smem:$0x3FB3] =	sst s9;
	s0 =	simm.s32 @!p0 $0x0  }
0x12: {  	s1 =	sld [smem:$0x3F99];
	s0 =	simm.s32 @p0 $0x1  }
0x13: {  	[smem:$0x3FB4] =	sst s0;
	s0 =	simm.s32 @!p1 $0x0  }
0x14: {  	s2 =	sld [smem:$0x3F98];
	s0 =	simm.s32 @p1 $0x1  }
0x15: {  	[smem:$0x3FB5] =	sst s0;
	s0 =	simm.s32 @!p2 $0x0  }
0x16: {  	s3 =	sld [smem:$0x3FDB];
	s0 =	simm.s32 @p2 $0x1  }
0x17: {  	s4 =	simm.s32 $0x1BF5;
	[smem:$0x3FB7] =	sst s0  }
0x18: {  	s0 =	sld [smem:$0x3F9A];
	_ =	swait.ge [sflag:s4], $0x0  }
0x19: {  	s7 =	sld [smem:$0x3F9B]  }
0x1a: {  	s8 =	sadd.s32 $0xFFFFE003, lr  }
0x1b: {  	s9 =	sadd.s32 $0xFFFFFEF7, lr;
	s5 =	simm.s32 $0xFFFFFFFF;
	p2 =	slt.u32 s8, $0xFFFFF086  }
0x1c: {  	p1 =	slt.u32 s9, $0xF7A;
	s5 =	simm.s32 @!p2 $0x0  }
0x1d: {  	s5 =	simm.s32 @p1 $0x1;
	p0 =	seq.s32 s7, s2  }
0x1e: {  	s7 =	smul.u32 @!p0 $0xF7A, s2;
	p2 =	seq.s32 @!p0 s5, $0x0  }
0x1f: {  	s9 =	smul.u32 $0xF7A, s1;
	s8 =	simm.s32 @!p0 $0x1BF5;
	p2 =	por !p2, p0  }
0x20: {  	[sflag:s8] =	ssyncset.s32 @!p0 $0xFFFFF086;
	s6 =	sadd.s32 @!p0 s3, s7;
	s7 =	simm.s32 @!p0 $0x108  }
0x21: {  	s3 =	sadd.s32 s3, s9;
	s6 =	sadd.s32 @!p0 $0x88, s6;
	s7 =	simm.s32 @p2 $0x1082  }
0x22: {  	[simem:s7], [sflag:s8] =	dma.local @!p0 [hbm:s6], $0xF7A  }
0x23: {  	s9 =	sor.u32 $0xD0000000, s2;
	s6 =	simm.s32 $0x108;
	_ =	swait.ge @!p0 [sflag:s8], $0x0  }
0x24: {  	s3 =	sadd.s32 $0x88, s3;
	s6 =	simm.s32 @!p1 $0x1082;
	[sflag:s4] =	ssyncset.s32 $0xFFFFF086  }
0x25: {  	[simem:s6], [sflag:s4] =	dma.local [hbm:s3], $0xF7A  }
0x26: {  	[smem:$0x3F9B] =	sst s1;
	(tag) =	ssettag s2;
	_ =	strace s9  }
0x27: {  	s1 =	sld [smem:$0x3FAB]  }
0x28: {  	s2 =	sld [smem:$0x3FAC]  }
0x29: {  	s4 =	sld [smem:$0x3FAE]  }
0x2a: {  	p0 =	seq.s32 s5, $0x0;
	s5 =	sld [smem:$0x3FAF]  }
0x2b: {  	s6 =	sld [smem:$0x3FB0]  }
0x2c: {  	s7 =	sld [smem:$0x3FB1]  }
0x2d: {  	s3 =	simm.s32 $0x108;
	s8 =	sld [smem:$0x3FB2]  }
0x2e: {  	s3 =	simm.s32 @!p0 $0x1082;
	s9 =	sld [smem:$0x3FB3]  }
0x2f: {  	lr =	sadd.s32 s0, s3;
	s0 =	sld [smem:$0x3FAA]  }
0x30: {  	s3 =	sld [smem:$0x3FAD]  }
0x31: {  	[smem:$0x3FB6] =	sst s10  }
0x32: {  	s10 =	sld [smem:$0x3FB4];
	_ =	sdelay $0x3  }
0x33: {  	p0 =	seq.s32 s10, $0x1;
	s10 =	sld [smem:$0x3FB6];
	_ =	sdelay $0x3  }
0x34: {  	[smem:$0x3FB6] =	sst s10  }
0x35: {  	s10 =	sld [smem:$0x3FB5];
	_ =	sdelay $0x3  }
0x36: {  	p1 =	seq.s32 s10, $0x1;
	s10 =	sld [smem:$0x3FB6];
	_ =	sdelay $0x3  }
0x37: {  	[smem:$0x3FB6] =	sst s10  }
0x38: {  	s10 =	sld [smem:$0x3FB7]  }
0x39: {  	_ = 	snop;
	(pc) =	sbr.ind lr, $3  }
0x3a: {  	_ = 	snop  }
0x3b: {  	_ = 	snop  }
0x3c: {  	p2 =	seq.s32 s10, $0x1;
	s10 =	sld [smem:$0x3FB6]  }
0x3d: {  	_ =	shalt  }
0x3e: {  	_ =	shalt  }
0x3f: {  	_ =	shalt  }
0x40: {  	_ =	shalt  }
0x41: {  	_ =	shalt  }
0x42: {  	_ =	shalt  }
0x43: {  	_ =	shalt  }
0x44: {  	_ =	shalt  }
0x45: {  	_ =	shalt  }
0x46: {  	_ =	shalt  }
0x47: {  	_ =	shalt  }
0x48: {  	_ =	shalt  }
0x49: {  	_ =	shalt  }
0x4a: {  	_ =	shalt  }
0x4b: {  	_ =	shalt  }
0x4c: {  	_ =	shalt  }
0x4d: {  	_ =	shalt  }
0x4e: {  	_ =	shalt  }
0x4f: {  	_ =	shalt  }
0x50: {  	_ =	shalt  }
0x51: {  	_ =	shalt  }
0x52: {  	_ =	shalt  }
0x53: {  	_ =	shalt  }
0x54: {  	_ =	shalt  }
0x55: {  	_ =	shalt  }
0x56: {  	_ =	shalt  }
0x57: {  	_ =	shalt  }
0x58: {  	_ =	shalt  }
0x59: {  	_ =	shalt  }
0x5a: {  	_ =	shalt  }
0x5b: {  	_ =	shalt  }
0x5c: {  	_ =	shalt  }
0x5d: {  	_ =	shalt  }
0x5e: {  	_ =	shalt  }
0x5f: {  	_ =	shalt  }
0x60: {  	_ =	shalt  }
0x61: {  	_ =	shalt  }
0x62: {  	_ =	shalt  }
0x63: {  	_ =	shalt  }
0x64: {  	_ =	shalt  }
0x65: {  	_ =	shalt  }
0x66: {  	_ =	shalt  }
0x67: {  	_ =	shalt  }
0x68: {  	_ =	shalt  }
0x69: {  	_ =	shalt  }
0x6a: {  	_ =	shalt  }
0x6b: {  	_ =	shalt  }
0x6c: {  	_ =	shalt  }
0x6d: {  	_ =	shalt  }
0x6e: {  	_ =	shalt  }
0x6f: {  	_ =	shalt  }
0x70: {  	_ =	shalt  }
0x71: {  	_ =	shalt  }
0x72: {  	_ =	shalt  }
0x73: {  	_ =	shalt  }
0x74: {  	_ =	shalt  }
0x75: {  	_ =	shalt  }
0x76: {  	_ =	shalt  }
0x77: {  	_ =	shalt  }
0x78: {  	_ =	shalt  }
0x79: {  	_ =	shalt  }
0x7a: {  	_ =	shalt  }
0x7b: {  	_ =	shalt  }
0x7c: {  	_ =	shalt  }
0x7d: {  	_ =	shalt  }
0x7e: {  	_ =	shalt  }
0x7f: {  	_ =	shalt  }
0x80: {  	_ =	shalt  }
0x81: {  	_ =	shalt  }
0x82: {  	_ =	shalt  }
0x83: {  	_ =	shalt  }
0x84: {  	_ =	shalt  }
0x85: {  	_ =	shalt  }
0x86: {  	_ =	shalt  }
0x87: {  	_ =	shalt  }
.Lfunc_end0:
.L_simem_size_0:
called_computation.1_lowered:
.L_overlay_start_0:
0x88: {  	s2 =	sld [smem:$0x3FD9]  }
0x89: {  	s3 =	sld [smem:$0x3FFE];
	_ =	sdelay $0x1  }
0x8a: {  	s1 =	srdreg.scid  }
0x8b: {  	s0 =	sand.u32 $0x1, s1  }
0x8c: {  	s17 =	sshll.u32 s0, $0xA;
	s2 =	sadd.s32 s3, s2  }
0x8d: {  	s2 =	sadd.s32 s2, s17  }
0x8e: {  	[smem:$0x3FC2] =	sst s2  }
0x8f: {  	_ = 	snop  }
0x90: {  	s2 =	sld [smem:$0x3FD0];
	(tm) =	ssettm $0x1  }
0x91: {  	s18 =	sld [smem:$0x3FFB];
	_ =	sdelay $0x3  }
0x92: {  	_ =	strace s18  }
0x93: {  	s3 =	sld [smem:$0x3FFC];
	_ =	sdelay $0x3  }
0x94: {  	_ =	strace s3  }
0x95: {  	s3 =	sld [smem:$0x3FFD];
	_ =	sdelay $0x3  }
0x96: {  	_ =	strace s3  }
0x97: {  	_ =	strace $0x8FFFFFFF  }
0x98: {  	s19 =	sld [smem:$0x3FDB];
	_ =	sdelay $0x1  }
0x99: {  	s4 =	simm.s32 $_scs_section_size  }
0x9a: {  	s5 =	simm.s32 $_size__tile_overlayer_lowered;
	s6 =	simm.s32 $_tile_overlayer_lowered  }
0x9b: {  	s22 =	simm.s32 $0x1BFF;
	s21 =	sshll.u32 s6, $0x1;
	s3 =	sadd.s32 s4, s19  }
0x9c: {  	s7 =	simm.s32 $0x0;
	s20 =	sshll.u32 s5, $0x1;
	s5 =	sadd.s32 s21, s3  }
0x9d: {  	[timem:s7], [sflag:s22] =	dma.local [hbm:s5], s20  }
0x9e: {  	_ =	swait.ge [sflag:s22], s20  }
0x9f: {  	s4 =	ssub.s32 $0x0, s20;
	[sflag:s22] =	ssyncset.done $0x0  }
0xa0: {  	[sflag:s22] =	ssyncadd.s32 s4;
	_ =	sdelay $0x1  }
0xa1: {  	s23 =	simm.s32 $0x1B8B  }
0xa2: {  	_ =	swait.ge [sflag:s23], $0x1  }
0xa3: {  	[sflag:s23] =	ssyncset.done $0x0  }
0xa4: {  	s25 =	simm.s32 $0x1B8E;
	s24 =	sld [smem:$0x3FFE];
	[sflag:s23] =	ssyncadd.s32 $0xFFFFFFFF  }
0xa5: {  	s26 =	simm.s32 $execute0_lowered;
	[smem:$0x3FD2] =	sst s25  }
0xa6: {  	s5 =	sshll.u32 s26, $0x1;
	_ =	strace $0x80000046;
	[dreg:$0x1] =	wrdreg $0xFFFFFFFF  }
0xa7: {  	s28 =	simm.s32 $_size_execute0_lowered;
	s3 =	sadd.s32 s3, s5;
	[dreg:$0x0] =	wrdreg $0x0  }
0xa8: {  	s5 =	sshll.u32 s28, $0x1;
	[dreg:$0x2] =	wrdreg s3  }
0xa9: {  	[dreg:$0x3] =	wrdreg s5  }
0xaa: {  	[dreg:$0x4] =	wrdreg $0xC0  }
0xab: {  	_ =	task [dreg:s7], $0x5FFFF  }
0xac: {  	[dreg:$0x1] =	wrdreg $0xFFFFFFFF  }
0xad: {  	[dreg:$0x0] =	wrdreg $0x60  }
0xae: {  	[dreg:$0x2] =	wrdreg s2  }
0xaf: {  	[dreg:$0x3] =	wrdreg s24  }
0xb0: {  	[dreg:$0x4] =	wrdreg $0x9  }
0xb1: {  	_ =	task.clear_ibuf [dreg:s7], $0x5FFFF;
	_ =	strace $0x90000046  }
0xb2: {  	s29 =	simm.s32 $0x9;
	_ =	strace $0x80000048  }
0xb3: {  	_ =	swait.ge [sflag:s29], $0x1  }
0xb4: {  	[sflag:s29] =	ssyncadd.s32 $0xFFFFFFFF  }
0xb5: {  	_ =	strace $0x90000048  }
0xb6: {  	_ =	sfence  }
0xb7: {  	s30 =	sld [smem:$0x0];
	_ =	sdelay $0x2  }
0xb8: {  	s31 =	sshll.u32 s1, $0xD;
	s1 =	sshrl.u32 s1, $0x2  }
0xb9: {  	s3 =	sand.u32 $0x4000, s31;
	s1 =	sadd.s32 s1, s30  }
0xba: {  	s0 =	sor.u32 s3, s0;
	s1 =	sshll.u32 s1, $0x11  }
0xbb: {  	s0 =	sor.u32 s1, s0  }
0xbc: {  	s0 =	sadd.s32 $0x8F2B, s0  }
0xbd: {  	[sflag:s0] =	ssyncadd.remote.s32 $0x1  }
0xbe: {  	_ =	sfence.sel $0xFFFF  }
0xbf: {  	[dreg:$0x0] =	wrdreg $0xFFFFFFFF;
	(pc) =	sbr.abs _section_cstart, $3  }
0xc0: {  	[dreg:$0x1] =	wrdreg $0xFFFFFFFF  }
0xc1: {  	_ =	task.clear_ibuf [dreg:s7], $0x2FFFF;
	_ =	strace $0x9FFFFFFF  }
0xc2: {  	(tm) =	ssettm $0x7FFFFFFF  }
0xc3: {  	_ =	shalt  }
tec
execute0_lowered:
.L_overlay_start_1:
0x0: {  	(tag) =	ssettag $0x1  }
0x1: {  	v0 =	vimm.s32 $0x43210  }
0x2: {  	vm0 =	vcmask $0x1300;
	vm9 =	vcmask $0x1B18;
	vm6 =	vcmask $0x1F1C  }
0x3: {  	v2 =	vimm.s32 $0x4321000;
	vm4 =	vcmask $0x2320;
	vm1 =	vcmask $0x3B28  }
0x4: {  	v3 =	vimm.s32 $0x4030201;
	vm7 =	vcmask $0x2724;
	vm2 =	vcmask $0xF00  }
0x5: {  	vm5 =	vcmask $0x1310;
	vm3 =	vcmask $0x3724;
	v4 =	vimm.s32 $0x40302  }
0x6: {  	vm11 =	vcmask $0xF0C;
	v5 =	vimm.s32 $0x403;
	vm8 =	vcmask $0x700  }
0x7: {  	vm12 =	vcmask $0xB08;
	vm10 =	vcmask $0x2F1C;
	vm13 =	vcmask $0x300  }
0x8: {  	v6 =	vimm.s32 $0x10000432;
	v8 =	vimm.s32 $0x0;
	vm14 =	vcmask $0x2B18  }
0x9: {  	v9 =	vimm.s32 $0x2010403;
	vm15 =	vcmask $0x2718;
	v10 =	vimm.s32 $0x7D0  }
0xa: {  	v11 =	vimm.s32 $0x35343332;
	v12 =	vimm.s32 $0x33323B3A;
	v13 =	vimm.s32 $0x37363534  }
0xb: {  	v17 =	vimm.s32 $0x3A393837;
	v18 =	vimm.s32 $0x36353433;
	v19 =	vimm.s32 $0x3433323B  }
0xc: {  	v20 =	vimm.s32 $0x38373635;
	v21 =	vimm.s32 $0x3B3A3938;
	v22 =	vimm.s32 $0x323B3A39  }
0xd: {  	v0 =	vunpack.c.l.s4.s8 v0;
	v2 =	vunpack.c.l.s4.s8 v2;
	v4 =	vunpack.c.0.s8.s32 v4  }
0xe: {  	v6 =	vunpack.c.l.s4.s8 v6;
	v8 =	vsel vm13, $0x7D0, v8;
	v9 =	vunpack.c.0.s8.s32 v9  }
0xf: {  	v11 =	vunpack.c.0.s8.s32 v11;
	v12 =	vunpack.c.0.s8.s32 v12;
	v1 =	vunpack.c.0.s8.s32 v0  }
0x10: {  	v13 =	vunpack.c.0.s8.s32 v13;
	v7 =	vunpack.c.0.s8.s32 v2;
	v2 =	vunpack.c.0.s8.s32 v3  }
0x11: {  	v17 =	vunpack.c.0.s8.s32 v17;
	v18 =	vunpack.c.0.s8.s32 v18;
	v0 =	vnsel vm0, $0x7D0, v1  }
0x12: {  	v3 =	vimm.s32 $0x432100;
	v2 =	vnsel vm2, $0x7D1, v2;
	v0 =	vsel vm9, $0x7D1, v0  }
0x13: {  	v3 =	vunpack.c.l.s4.s8 v3;
	v2 =	vsel vm5, $0x7D0, v2;
	v0 =	vsel vm6, $0x7D2, v0  }
0x14: {  	vm0 =	vmor vm0, vm1;
	v2 =	vsel vm9, $0x7D2, v2;
	v0 =	vsel vm4, $0x7D3, v0  }
0x15: {  	v3 =	vunpack.c.0.s8.s32 v3;
	v2 =	vsel vm6, $0x7D3, v2;
	v0 =	vsel vm7, $0x7D4, v0  }
0x16: {  	v0 =	vsel vm1, v7, v0;
	vm1 =	vmor vm2, vm3;
	vm2 =	vcmask $0xB00  }
0x17: {  	v19 =	vunpack.c.0.s8.s32 v19;
	v2 =	vsel vm4, $0x7D4, v2;
	v4 =	vnsel vm2, $0x7D2, v4  }
0x18: {  	v2 =	vsel vm3, v3, v2;
	v3 =	vsel vm11, $0x7D0, v4;
	v4 =	vunpack.c.0.s8.s32 v5  }
0x19: {  	v20 =	vunpack.c.0.s8.s32 v20;
	vm3 =	vcmask $0x3320;
	v3 =	vsel vm5, $0x7D1, v3  }
0x1a: {  	vm2 =	vmor vm2, vm3;
	v3 =	vsel vm9, $0x7D3, v3;
	v4 =	vnsel vm8, $0x7D3, v4  }
0x1b: {  	v5 =	vimm.s32 $0x7D4;
	v3 =	vsel vm6, $0x7D4, v3;
	v4 =	vsel vm12, $0x7D0, v4  }
0x1c: {  	v5 =	vsel vm13, $0x4, v5;
	v1 =	vsel vm3, v1, v3;
	v3 =	vsel vm11, $0x7D1, v4  }
0x1d: {  	vm3 =	vmor vm8, vm10;
	v4 =	vimm.s32 $0x4321;
	vm8 =	vcmask $0x704  }
0x1e: {  	v21 =	vunpack.c.0.s8.s32 v21;
	v4 =	vunpack.c.l.s4.s8 v4;
	v5 =	vsel vm8, $0x7D0, v5  }
0x1f: {  	v22 =	vunpack.c.0.s8.s32 v22;
	v6 =	vunpack.c.0.s8.s32 v6;
	v5 =	vsel vm12, $0x7D1, v5  }
0x20: {  	v3 =	vsel vm5, $0x7D2, v3;
	v4 =	vunpack.c.0.s8.s32 v4;
	v5 =	vsel vm11, $0x7D2, v5  }
0x21: {  	vm4 =	vcmask $0x3330;
	v3 =	vsel vm9, $0x7D4, v3;
	v5 =	vsel vm5, $0x7D3, v5  }
0x22: {  	v8 =	vsel vm8, $0x7D1, v8;
	v3 =	vsel vm10, v4, v3;
	v4 =	vsel vm14, v6, v5  }
0x23: {  	v5 =	vsel vm12, $0x7D2, v8;
	v6 =	vimm.s32 $0x1;
	v8 =	vimm.s32 $0x32100004  }
0x24: {  	v10 =	vsel vm8, $0x7D1, v10;
	v6 =	vsel vm13, $0x7D1, v6;
	v8 =	vunpack.c.l.s4.s8 v8  }
0x25: {  	vm10 =	vcmask $0x2310;
	v5 =	vsel vm11, $0x7D3, v5;
	v6 =	vsel vm8, $0x7D2, v6  }
0x26: {  	v5 =	vsel vm5, $0x7D4, v5;
	v6 =	vsel vm12, $0x7D3, v6;
	v8 =	vunpack.c.0.s8.s32 v8  }
0x27: {  	v3 =	vsel vm4, $0x7D0, v3;
	v5 =	vsel vm15, v9, v5;
	v6 =	vsel vm11, $0x7D4, v6  }
0x28: {  	vm15 =	vcmask $0x2F2C;
	v9 =	vimm.s32 $0x7D2;
	v6 =	vsel vm10, v8, v6  }
0x29: {  	v4 =	vsel vm15, $0x7D0, v4;
	vm10 =	vcmask $0x2B28;
	v6 =	vsel vm7, $0x7D0, v6  }
0x2a: {  	v9 =	vsel vm8, $0x7D3, v9;
	v5 =	vsel vm10, $0x7D0, v5;
	v6 =	vsel vm10, $0x7D1, v6  }
0x2b: {  	v4 =	vsel vm4, $0x7D1, v4;
	v5 =	vsel vm15, $0x7D1, v5;
	v6 =	vsel vm15, $0x7D2, v6  }
0x2c: {  	v5 =	vsel vm4, $0x7D2, v5;
	v6 =	vsel vm4, $0x7D3, v6;
	vm4 =	vcmask $0x3734  }
0x2d: {  	v8 =	vsel vm4, $0x7D0, v1;
	v3 =	vsel vm4, $0x7D1, v3;
	v4 =	vsel vm4, $0x7D2, v4  }
0x2e: {  	v5 =	vsel vm4, $0x7D3, v5;
	v6 =	vsel vm4, $0x7D4, v6;
	vm4 =	vcmask $0x3B38  }
0x2f: {  	v1 =	vsel vm4, $0x7D0, v2;
	v2 =	vsel vm4, $0x7D1, v8;
	v8 =	vimm.s32 $0x43210000  }
0x30: {  	v9 =	vsel vm12, $0x7D4, v9;
	vm15 =	vcmask $0x1F10;
	v8 =	vunpack.c.l.s4.s8 v8  }
0x31: {  	v23 =	vsel vm15, v13, v12;
	v24 =	vsel vm15, v17, v18;
	v26 =	vsel vm15, v20, v19  }
0x32: {  	v3 =	vsel vm4, $0x7D2, v3;
	v4 =	vsel vm4, $0x7D3, v4;
	v8 =	vunpack.c.0.s8.s32 v8  }
0x33: {  	v5 =	vsel vm4, $0x7D4, v5;
	v6 =	vsel vm4, $0x0, v6;
	vm4 =	vcmask $0x1F0C  }
0x34: {  	v15 =	vsel vm4, v8, v9;
	v8 =	vsel vm12, $0x7D2, v10;
	v9 =	vimm.s32 $0x2010000  }
0x35: {  	v17 =	vsel vm15, v19, v17;
	v8 =	vsel vm11, $0x7D3, v8;
	v9 =	vunpack.c.0.s8.s32 v9  }
0x36: {  	v10 =	vimm.s32 $0x7D1;
	vm4 =	vcmask $0x1F14;
	v8 =	vsel vm5, $0x7D4, v8  }
0x37: {  	s0 =	rddreg [dreg:$0x0];
	v10 =	vsel vm8, $0x7D2, v10;
	v16 =	vsel vm4, v9, v8;
	v9 =	vimm.s32 $0x2010003  }
0x38: {  	s1 =	rddreg [dreg:$0x1];
	s2 =	simm.s32 $0x0;
	v8 =	vsel vm12, $0x7D3, v10;
	v10 =	vimm.s32 $0x4;
	v9 =	vunpack.c.0.s8.s32 v9  }
0x39: {  	s3 =	srdreg.scid;
	s5 =	stileid.u32;
	s17 =	simm.s32 $0x10C00;
	v19 =	vsel vm15, v11, v21;
	vm5 =	vcmask $0x1304;
	v10 =	vsel vm13, $0x7D4, v10  }
0x3a: {  	s18 =	simm.s32 $0x9;
	s22 =	simm.s32 $0x80;
	s23 =	simm.s32 $0xC00;
	vm4 =	vmor vm13, vm14;
	v9 =	vsel vm5, v9, v10;
	v10 =	vimm.s32 $0x39383736  }
0x3b: {  	s30 =	simm.s32 $0x4C00;
	s19 =	simm.s32 $0x200;
	s11 =	simm.s32 $0x3;
	v8 =	vsel vm11, $0x7D4, v8;
	v10 =	vunpack.c.0.s8.s32 v10;
	v9 =	vsel vm9, $0x7D0, v9  }
0x3c: {  	s12 =	simm.s32 $0x300;
	s28 =	simm.s32 $0xCC00;
	s13 =	simm.s32 $0x0;
	v15 =	vcombine.low v15, v16;
	vm5 =	vcmask $0x1B08;
	v9 =	vsel vm6, $0x7D1, v9  }
0x3d: {  	[smem:$0x7FF] =	sst s2;
	s4 =	sadd.s32 $0x2800, s1;
	s3 =	sand.u32 $0x1, s3;
	v14 =	vsel vm15, v10, v11;
	v25 =	vsel vm15, v12, v10;
	v12 =	vsel vm15, v21, v13  }
0x3e: {  	s6 =	sshll.u32 s5, $0x1;
	s5 =	sadd.s32 $0x1B800, s1;
	s8 =	sadd.s32 $0x2400, s1;
	v13 =	vsel vm15, v22, v20;
	v10 =	vimm.s32 $0x3020100;
	v11 =	vimm.s32 $0x7D3  }
0x3f: {  	s9 =	sadd.s32 $0x2600, s1;
	s10 =	sadd.s32 $0x4D800, s1;
	_ =	strace $0x80000047;
	v20 =	vsel vm15, v18, v22;
	v10 =	vunpack.c.0.s8.s32 v10;
	v11 =	vsel vm8, $0x7D4, v11  }
0x40: {  	s7 =	sor.u32 s3, s6;
	s6 =	sadd.s32 $0x34800, s1;
	s24 =	ssub.s32 $0x2, s3;
	v16 =	vcombine.low v20, v17;
	v20 =	vcombine.low v26, v20;
	v7 =	vsel vm5, v7, v11  }
0x41: {  	[dreg:$0x3] =	wrdreg s8;
	s8 =	smul.u32 $0x6400, s7;
	s3 =	sshrl.u32 s24, $0x1;
	vm5 =	vcmask $0x2320;
	v11 =	vcombine.low v25, v12;
	v18 =	vsel vm15, v10, v8  }
0x42: {  	[dreg:$0x4] =	wrdreg s9;
	s14 =	smul.u32 $0x190000, s7;
	s1 =	ssub.s32 s24, s3;
	v8 =	vsel vm5, $0x7D2, v9;
	v21 =	vsel vm6, $0x7D0, v7;
	v7 =	vcombine.low v14, v23  }
0x43: {  	s3 =	simm.s32 $0x2;
	s25 =	sshrl.u32 s8, $0x3;
	s1 =	smax.u32 s1, $0x1;
	v9 =	vcombine.low v12, v14;
	v14 =	vimm.s32 $0x30201;
	v10 =	vcombine.low v13, v24  }
0x44: {  	s24 =	simm.s32 $0x8C00;
	s26 =	sadd.s32 s4, s25;
	[dreg:$0x8] =	wrdreg s1;
	v12 =	vcombine.low v17, v13;
	v22 =	vsel vm7, $0x7D3, v8;
	v14 =	vunpack.c.0.s8.s32 v14  }
0x45: {  	s15 =	sadd.s32 $0x400, s8;
	s29 =	sadd.s32 s5, s25;
	[dreg:$0x5] =	wrdreg s26;
	vm5 =	vcmask $0x3B2C;
	v8 =	vcombine.low v24, v26;
	v13 =	vsel vm10, $0x7D4, v22  }
0x46: {  	s31 =	sadd.s32 s6, s25;
	s25 =	simm.s32 $0x1;
	[dreg:$0x6] =	wrdreg s29;
	v17 =	vcombine.low v21, v18;
	v22 =	vlaneseq.u32;
	v13 =	vsel vm5, v14, v13  }
0x47: {  	s1 =	simm.s32 $0x4;
	[dreg:$0x7] =	wrdreg s31;
	s26 =	simm.s32 $0x100;
	v14 =	vcombine.low v19, v25;
	v18 =	vmul.u32 $0x40, v22;
	v19 =	vcombine.low v23, v19  }
.LBB2_1:
0x48: {  	[dreg:$0x9] =	wrdreg s13  }
0x49: {  	s7 =	rddreg [dreg:$0x3]  }
0x4a: {  	[tilespmem:s17], [sflag:$0x9] =	stream.linear.gather [hbm4b:s7+s2], $0x7D0, $0x38;
	[tilespmem:$0x11BA0] =	vst v63  }
0x4b: {  	_ =	swait.ge [sflag:s18], $0x7D0  }
0x4c: {  	[sflag:s18] =	ssyncset.done $0x0  }
0x4d: {  	s9 =	simm.s32 $0x113D0;
	s31 =	rddreg [dreg:$0x4];
	[sflag:s18] =	ssyncadd.s32 $0xFFFFF830  }
0x4e: {  	[tilespmem:s9], [sflag:$0x9] =	stream.linear.gather [hbm4b:s31+s2], $0x7D0, $0x38;
	[tilespmem:$0x11BA0] =	vst v63  }
0x4f: {  	_ =	swait.ge [sflag:s18], $0x7D0  }
0x50: {  	[sflag:s18] =	ssyncset.done $0x0  }
0x51: {  	s13 =	rddreg [dreg:$0x5];
	[sflag:s18] =	ssyncadd.s32 $0xFFFFF830  }
0x52: {  	[tilespmem:s2], [sflag:$0x9] =	stream.linear.gather [hbm4b:s13+s2], $0x100, $0x38;
	[tilespmem:$0x11BA0] =	vst v63  }
0x53: {  	_ =	swait.ge [sflag:s18], $0x100  }
0x54: {  	[sflag:s18] =	ssyncset.done $0x0  }
0x55: {  	s20 =	simm.s32 $0x400;
	s16 =	rddreg [dreg:$0x6];
	[sflag:s18] =	ssyncadd.s32 $0xFFFFFF00  }
0x56: {  	[tilespmem:s20], [sflag:$0x9] =	stream.linear.gather [hbm4b:s16+s2], $0x100, $0x38;
	[tilespmem:$0x11BA0] =	vst v63  }
0x57: {  	_ =	swait.ge [sflag:s18], $0x100  }
0x58: {  	[sflag:s18] =	ssyncset.done $0x0  }
0x59: {  	s29 =	simm.s32 $0x800;
	s21 =	rddreg [dreg:$0x7];
	[sflag:s18] =	ssyncadd.s32 $0xFFFFFF00  }
0x5a: {  	[tilespmem:s29], [sflag:$0x9] =	stream.linear.gather [hbm4b:s21+s2], $0x100, $0x38;
	[tilespmem:$0x11BA0] =	vst v63  }
0x5b: {  	_ =	swait.ge [sflag:s18], $0x100  }
0x5c: {  	[sflag:s18] =	ssyncset.done $0x0  }
0x5d: {  	[sflag:s18] =	ssyncadd.s32 $0xFFFFFF00  }
0x5e: {  	[tilespmem:s23], [sflag:$0x1] =	stream.indirect.gather [hbm4b:s0+s22], $0x40, s2, s22, $0xb8;
	[tilespmem:$0x11BA0] =	vst v63  }
0x5f: {  	s31 =	simm.s32 $0x2C00;
	s20 =	simm.s32 $0x0  }
0x60: {  	[tilespmem:s31], [sflag:$0x1] =	stream.indirect.gather [hbm4b:s0+s22], $0x40, s22, s22, $0xb8;
	[tilespmem:$0x11BA0] =	vst v63  }
.LBB2_2:
0x61: {  	s21 =	sshll.u32 s20, $0x2;
	_ =	swait.ge [sflag:s25], $0x4000  }
0x62: {  	p0 =	seq.s32 s20, $0x0;
	[sflag:s25] =	ssyncset.done $0x0;
	s7 =	sor.u32 $0x1, s21  }
0x63: {  	s9 =	simm.s32 @!p0 $0x6;
	[sflag:s25] =	ssyncadd.s32 $0xFFFFC000;
	s13 =	sshll.u32 s7, $0x8  }
0x64: {  	_ =	swait.ge @!p0 [sflag:s9], $0x4000;
	s13 =	sadd.s32 s8, s13  }
0x65: {  	[sflag:s9] =	ssyncset.done @!p0 $0x0;
	s13 =	sshrl.u32 s13, $0x3  }
0x66: {  	s16 =	simm.s32 $0x0;
	[sflag:s9] =	ssyncadd.s32 @!p0 $0xFFFFC000;
	s29 =	sadd.s32 s4, s13  }
0x67: {  	[tilespmem:s26], [sflag:$0x9] =	stream.linear.gather [hbm4b:s29+s16], $0x100, $0x38;
	[tilespmem:$0x11BA0] =	vst v63  }
0x68: {  	_ =	swait.ge [sflag:s18], $0x100  }
0x69: {  	[sflag:s18] =	ssyncset.done $0x0  }
0x6a: {  	s31 =	sadd.s32 s5, s13;
	s29 =	simm.s32 $0x500;
	[sflag:s18] =	ssyncadd.s32 $0xFFFFFF00  }
0x6b: {  	[tilespmem:s29], [sflag:$0x9] =	stream.linear.gather [hbm4b:s31+s16], $0x100, $0x38;
	[tilespmem:$0x11BA0] =	vst v63  }
0x6c: {  	_ =	swait.ge [sflag:s18], $0x100  }
0x6d: {  	[sflag:s18] =	ssyncset.done $0x0  }
0x6e: {  	s29 =	sadd.s32 s6, s13;
	s31 =	simm.s32 $0x900;
	[sflag:s18] =	ssyncadd.s32 $0xFFFFFF00  }
0x6f: {  	[tilespmem:s31], [sflag:$0x9] =	stream.linear.gather [hbm4b:s29+s16], $0x100, $0x38;
	[tilespmem:$0x11BA0] =	vst v63  }
0x70: {  	_ =	swait.ge [sflag:s18], $0x100  }
0x71: {  	[sflag:s18] =	ssyncset.done $0x0  }
0x72: {  	[sflag:s18] =	ssyncadd.s32 $0xFFFFFF00  }
0x73: {  	[tilespmem:s30], [sflag:$0x2] =	stream.indirect.gather [hbm4b:s0+s22], $0x40, s26, s22, $0xb8;
	[tilespmem:$0x11BA0] =	vst v63  }
0x74: {  	s9 =	simm.s32 $0x800;
	s29 =	simm.s32 $0x180;
	s31 =	simm.s32 $0x6C00  }
0x75: {  	[tilespmem:s31], [sflag:$0x2] =	stream.indirect.gather [hbm4b:s0+s22], $0x40, s29, s22, $0xb8;
	[tilespmem:$0x11BA0] =	vst v63  }
0x76: {  	s13 =	simm.s32 $0x400;
	v21 =	vld [tilespmem:s9+$0x0]  }
0x77: {  	v22 =	vld [tilespmem:s13+$0x0];
	_ =	sdelay $0x4  }
0x78: {  	v21 =	vmul.u32 $0x5, v21;
	v22 =	vmul.u32 $0x5, v22;
	_ =	sdelay $0x1  }
0x79: {  	v23 =	vsel vm0, v22, v21  }
0x7a: {  	v23 =	vadd.s32 v0, v23;
	_ =	sdelay $0x1  }
0x7b: {  	v24 =	vmov s16  }
0x7c: {  	v24 =	vshll.u32 v24, $0x6  }
0x7d: {  	v24 =	vor.u32 v18, v24  }
0x7e: {  	v26 =	vor.u32 v7, v24;
	v25 =	vsel vm1, v22, v21;
	v23 =	vld.idx.msk [tilespmem:v23+s17+$0x0], $0xffff  }
0x7f: {  	v25 =	vadd.s32 v1, v25;
	_ =	sdelay $0x3  }
0x80: {  	[tilespmem:v26+s23+$0x0] =	vst.idx.msk $0xffff, v23  }
0x81: {  	v54 =	vor.u32 v8, v24;
	v23 =	vsel vm2, v22, v21;
	v25 =	vld.idx.msk [tilespmem:v25+s17+$0x0], $0xffff  }
0x82: {  	v23 =	vadd.s32 v2, v23;
	_ =	sdelay $0x3  }
0x83: {  	[tilespmem:v54+s23+$0x0] =	vst.idx.msk $0xffff, v25  }
0x84: {  	v56 =	vor.u32 v9, v24;
	v55 =	vsel vm3, v22, v21;
	v23 =	vld.idx.msk [tilespmem:v23+s17+$0x0], $0xffff  }
0x85: {  	v25 =	vadd.s32 v3, v55;
	_ =	sdelay $0x3  }
0x86: {  	[tilespmem:v56+s23+$0x0] =	vst.idx.msk $0xffff, v23  }
0x87: {  	v57 =	vor.u32 v10, v24;
	v23 =	vsel vm4, v22, v21;
	v25 =	vld.idx.msk [tilespmem:v25+s17+$0x0], $0xffff  }
0x88: {  	v23 =	vadd.s32 v4, v23;
	_ =	sdelay $0x3  }
0x89: {  	[tilespmem:v57+s23+$0x0] =	vst.idx.msk $0xffff, v25  }
0x8a: {  	v59 =	vor.u32 v11, v24;
	v58 =	vsel vm0, v21, v22;
	v23 =	vld.idx.msk [tilespmem:v23+s17+$0x0], $0xffff  }
0x8b: {  	v25 =	vadd.s32 v5, v58;
	_ =	sdelay $0x3  }
0x8c: {  	[tilespmem:v59+s23+$0x0] =	vst.idx.msk $0xffff, v23  }
0x8d: {  	v60 =	vor.u32 v12, v24;
	v23 =	vsel vm1, v21, v22;
	v25 =	vld.idx.msk [tilespmem:v25+s17+$0x0], $0xffff  }
0x8e: {  	v23 =	vadd.s32 v6, v23;
	_ =	sdelay $0x3  }
0x8f: {  	[tilespmem:v60+s23+$0x0] =	vst.idx.msk $0xffff, v25  }
0x90: {  	v62 =	vor.u32 v14, v24;
	v61 =	vsel vm2, v21, v22;
	v23 =	vld.idx.msk [tilespmem:v23+s17+$0x0], $0xffff  }
0x91: {  	v25 =	vadd.s32 v15, v61;
	_ =	sdelay $0x3  }
0x92: {  	[tilespmem:v62+s23+$0x0] =	vst.idx.msk $0xffff, v23  }
0x93: {  	v63 =	vor.u32 v16, v24;
	v23 =	vsel vm3, v21, v22;
	v25 =	vld.idx.msk [tilespmem:v25+s17+$0x0], $0xffff  }
0x94: {  	v23 =	vadd.s32 v17, v23;
	_ =	sdelay $0x3  }
0x95: {  	[tilespmem:v63+s23+$0x0] =	vst.idx.msk $0xffff, v25  }
0x96: {  	v21 =	vsel vm4, v21, v22;
	v22 =	vld.idx.msk [tilespmem:v23+s17+$0x0], $0xffff;
	v23 =	vor.u32 v19, v24  }
0x97: {  	v21 =	vadd.s32 v13, v21;
	_ =	sdelay $0x3  }
0x98: {  	[tilespmem:v23+s23+$0x0] =	vst.idx.msk $0xffff, v22  }
0x99: {  	s16 =	simm.s32 $0x10;
	v22 =	vor.u32 v20, v24;
	v21 =	vld.idx.msk [tilespmem:v21+s17+$0x0], $0xffff  }
.LBB2_3:
0x9a: {  	_ =	sdelay $0x3  }
0x9b: {  	p1 =	sne.s32 s16, $0xF0;
	s13 =	sadd.s32 $0x10, s13;
	s9 =	sadd.s32 $0x10, s9;
	[tilespmem:v22+s23+$0x0] =	vst.idx.msk $0xffff, v21  }
0x9c: {  	s29 =	smov.u32 s16;
	s16 =	sadd.s32 $0x10, s16;
	v21 =	vld [tilespmem:s9+$0x0]  }
0x9d: {  	v22 =	vld [tilespmem:s13+$0x0];
	_ =	sdelay $0x3  }
0x9e: {  	v21 =	vmul.u32 $0x5, v21  }
0x9f: {  	v22 =	vmul.u32 $0x5, v22;
	_ =	sdelay $0x1  }
0xa0: {  	v23 =	vsel vm0, v22, v21;
	v24 =	vsel vm1, v22, v21;
	v25 =	vsel vm2, v22, v21  }
0xa1: {  	v26 =	vsel vm3, v22, v21;
	v27 =	vsel vm4, v22, v21;
	v23 =	vadd.s32 v0, v23  }
0xa2: {  	v28 =	vsel vm0, v21, v22;
	v29 =	vsel vm1, v21, v22;
	v30 =	vsel vm2, v21, v22  }
0xa3: {  	v31 =	vsel vm3, v21, v22;
	v21 =	vsel vm4, v21, v22  }
0xa4: {  	v22 =	vmov s29  }
0xa5: {  	v22 =	vshll.u32 v22, $0x6  }
0xa6: {  	v22 =	vor.u32 v18, v22;
	v23 =	vld.idx.msk [tilespmem:v23+s17+$0x0], $0xffff  }
0xa7: {  	v32 =	vor.u32 v7, v22  }
0xa8: {  	v24 =	vadd.s32 v1, v24;
	_ =	sdelay $0x3  }
0xa9: {  	[tilespmem:v32+s23+$0x0] =	vst.idx.msk $0xffff, v23  }
0xaa: {  	v23 =	vld.idx.msk [tilespmem:v24+s17+$0x0], $0xffff  }
0xab: {  	v24 =	vor.u32 v8, v22  }
0xac: {  	v25 =	vadd.s32 v2, v25;
	_ =	sdelay $0x3  }
0xad: {  	[tilespmem:v24+s23+$0x0] =	vst.idx.msk $0xffff, v23  }
0xae: {  	v23 =	vld.idx.msk [tilespmem:v25+s17+$0x0], $0xffff  }
0xaf: {  	v24 =	vor.u32 v9, v22  }
0xb0: {  	v25 =	vadd.s32 v3, v26;
	_ =	sdelay $0x3  }
0xb1: {  	[tilespmem:v24+s23+$0x0] =	vst.idx.msk $0xffff, v23  }
0xb2: {  	v23 =	vld.idx.msk [tilespmem:v25+s17+$0x0], $0xffff  }
0xb3: {  	v24 =	vor.u32 v10, v22  }
0xb4: {  	v25 =	vadd.s32 v4, v27;
	_ =	sdelay $0x3  }
0xb5: {  	[tilespmem:v24+s23+$0x0] =	vst.idx.msk $0xffff, v23  }
0xb6: {  	v23 =	vld.idx.msk [tilespmem:v25+s17+$0x0], $0xffff  }
0xb7: {  	v24 =	vor.u32 v11, v22  }
0xb8: {  	v25 =	vadd.s32 v5, v28;
	_ =	sdelay $0x3  }
0xb9: {  	[tilespmem:v24+s23+$0x0] =	vst.idx.msk $0xffff, v23  }
0xba: {  	v23 =	vld.idx.msk [tilespmem:v25+s17+$0x0], $0xffff  }
0xbb: {  	v24 =	vor.u32 v12, v22  }
0xbc: {  	v25 =	vadd.s32 v6, v29;
	_ =	sdelay $0x3  }
0xbd: {  	[tilespmem:v24+s23+$0x0] =	vst.idx.msk $0xffff, v23  }
0xbe: {  	v23 =	vld.idx.msk [tilespmem:v25+s17+$0x0], $0xffff  }
0xbf: {  	v24 =	vor.u32 v14, v22  }
0xc0: {  	v25 =	vadd.s32 v15, v30;
	_ =	sdelay $0x3  }
0xc1: {  	[tilespmem:v24+s23+$0x0] =	vst.idx.msk $0xffff, v23  }
0xc2: {  	v23 =	vld.idx.msk [tilespmem:v25+s17+$0x0], $0xffff  }
0xc3: {  	v24 =	vor.u32 v16, v22  }
0xc4: {  	v25 =	vadd.s32 v17, v31;
	_ =	sdelay $0x3  }
0xc5: {  	[tilespmem:v24+s23+$0x0] =	vst.idx.msk $0xffff, v23  }
0xc6: {  	v23 =	vld.idx.msk [tilespmem:v25+s17+$0x0], $0xffff  }
0xc7: {  	v24 =	vor.u32 v19, v22  }
0xc8: {  	v21 =	vadd.s32 v13, v21;
	_ =	sdelay $0x1  }
.Ltmp0:
0xc9: {  	(pc) =	sbr.rel @p1 .LBB2_3-.Ltmp0, $4  }
0xca: {  	_ = 	snop  }
0xcb: {  	[tilespmem:v24+s23+$0x0] =	vst.idx.msk $0xffff, v23  }
0xcc: {  	v21 =	vld.idx.msk [tilespmem:v21+s17+$0x0], $0xffff  }
0xcd: {  	v22 =	vor.u32 v20, v22  }
0xce: {  	_ = 	snop  }
0xcf: {  	s9 =	sshll.u32 s20, $0x10  }
0xd0: {  	s9 =	sadd.s32 s14, s9  }
0xd1: {  	s9 =	sshrl.u32 s9, $0x3  }
0xd2: {  	[tilespmem:v22+s23+$0x0] =	vst.idx.msk $0xffff, v21;
	s9 =	sadd.s32 s10, s9  }
0xd3: {  	[hbm4b:s9+s2] =	stream.linear.scatter [tilespmem:s23], [sflag:$0x5], $0x4000, $0x38;
	[tilespmem:$0x11BA0] =	vst v63  }
0xd4: {  	_ =	swait.ge [sflag:s3], $0x4000  }
0xd5: {  	s9 =	sor.u32 $0x2, s21;
	[sflag:s3] =	ssyncset.done $0x0  }
0xd6: {  	s13 =	simm.s32 @!p0 $0x7;
	s16 =	sshll.u32 s9, $0x8;
	[sflag:s3] =	ssyncadd.s32 $0xFFFFC000  }
0xd7: {  	s16 =	sadd.s32 s8, s16;
	_ =	swait.ge @!p0 [sflag:s13], $0x4000  }
0xd8: {  	s16 =	sshrl.u32 s16, $0x3;
	[sflag:s13] =	ssyncset.done @!p0 $0x0  }
0xd9: {  	s29 =	simm.s32 $0x0;
	s31 =	sadd.s32 s4, s16;
	[sflag:s13] =	ssyncadd.s32 @!p0 $0xFFFFC000  }
0xda: {  	[tilespmem:s19], [sflag:$0x9] =	stream.linear.gather [hbm4b:s31+s29], $0x100, $0x38;
	[tilespmem:$0x11BA0] =	vst v63  }
0xdb: {  	_ =	swait.ge [sflag:s18], $0x100  }
0xdc: {  	[sflag:s18] =	ssyncset.done $0x0  }
0xdd: {  	s13 =	sadd.s32 s5, s16;
	s31 =	simm.s32 $0x600;
	[sflag:s18] =	ssyncadd.s32 $0xFFFFFF00  }
0xde: {  	[tilespmem:s31], [sflag:$0x9] =	stream.linear.gather [hbm4b:s13+s29], $0x100, $0x38;
	[tilespmem:$0x11BA0] =	vst v63  }
0xdf: {  	_ =	swait.ge [sflag:s18], $0x100  }
0xe0: {  	[sflag:s18] =	ssyncset.done $0x0  }
0xe1: {  	s16 =	sadd.s32 s6, s16;
	s31 =	simm.s32 $0xA00;
	[sflag:s18] =	ssyncadd.s32 $0xFFFFFF00  }
0xe2: {  	[tilespmem:s31], [sflag:$0x9] =	stream.linear.gather [hbm4b:s16+s29], $0x100, $0x38;
	[tilespmem:$0x11BA0] =	vst v63  }
0xe3: {  	_ =	swait.ge [sflag:s18], $0x100  }
0xe4: {  	[sflag:s18] =	ssyncset.done $0x0  }
0xe5: {  	[sflag:s18] =	ssyncadd.s32 $0xFFFFFF00  }
0xe6: {  	[tilespmem:s24], [sflag:$0x3] =	stream.indirect.gather [hbm4b:s0+s22], $0x40, s19, s22, $0xb8;
	[tilespmem:$0x11BA0] =	vst v63  }
0xe7: {  	s13 =	simm.s32 $0x900;
	s16 =	simm.s32 $0x280;
	s31 =	simm.s32 $0xAC00  }
0xe8: {  	[tilespmem:s31], [sflag:$0x3] =	stream.indirect.gather [hbm4b:s0+s22], $0x40, s16, s22, $0xb8;
	[tilespmem:$0x11BA0] =	vst v63  }
0xe9: {  	s16 =	simm.s32 $0x500;
	v21 =	vld [tilespmem:s13+$0x0]  }
0xea: {  	v22 =	vld [tilespmem:s16+$0x0];
	_ =	sdelay $0x4  }
0xeb: {  	v21 =	vmul.u32 $0x5, v21;
	v22 =	vmul.u32 $0x5, v22;
	_ =	sdelay $0x1  }
0xec: {  	v23 =	vsel vm0, v22, v21  }
0xed: {  	v23 =	vadd.s32 v0, v23;
	_ =	sdelay $0x1  }
0xee: {  	v24 =	vmov s29  }
0xef: {  	v24 =	vshll.u32 v24, $0x6  }
0xf0: {  	v24 =	vor.u32 v18, v24  }
0xf1: {  	v26 =	vor.u32 v7, v24;
	v25 =	vsel vm1, v22, v21;
	v23 =	vld.idx.msk [tilespmem:v23+s17+$0x0], $0xffff  }
0xf2: {  	v25 =	vadd.s32 v1, v25;
	_ =	sdelay $0x3  }
0xf3: {  	[tilespmem:v26+s30+$0x0] =	vst.idx.msk $0xffff, v23  }
0xf4: {  	v54 =	vor.u32 v8, v24;
	v23 =	vsel vm2, v22, v21;
	v25 =	vld.idx.msk [tilespmem:v25+s17+$0x0], $0xffff  }
0xf5: {  	v23 =	vadd.s32 v2, v23;
	_ =	sdelay $0x3  }
0xf6: {  	[tilespmem:v54+s30+$0x0] =	vst.idx.msk $0xffff, v25  }
0xf7: {  	v56 =	vor.u32 v9, v24;
	v55 =	vsel vm3, v22, v21;
	v23 =	vld.idx.msk [tilespmem:v23+s17+$0x0], $0xffff  }
0xf8: {  	v25 =	vadd.s32 v3, v55;
	_ =	sdelay $0x3  }
0xf9: {  	[tilespmem:v56+s30+$0x0] =	vst.idx.msk $0xffff, v23  }
0xfa: {  	v57 =	vor.u32 v10, v24;
	v23 =	vsel vm4, v22, v21;
	v25 =	vld.idx.msk [tilespmem:v25+s17+$0x0], $0xffff  }
0xfb: {  	v23 =	vadd.s32 v4, v23;
	_ =	sdelay $0x3  }
0xfc: {  	[tilespmem:v57+s30+$0x0] =	vst.idx.msk $0xffff, v25  }
0xfd: {  	v59 =	vor.u32 v11, v24;
	v58 =	vsel vm0, v21, v22;
	v23 =	vld.idx.msk [tilespmem:v23+s17+$0x0], $0xffff  }
0xfe: {  	v25 =	vadd.s32 v5, v58;
	_ =	sdelay $0x3  }
0xff: {  	[tilespmem:v59+s30+$0x0] =	vst.idx.msk $0xffff, v23  }
0x100: {  	v60 =	vor.u32 v12, v24;
	v23 =	vsel vm1, v21, v22;
	v25 =	vld.idx.msk [tilespmem:v25+s17+$0x0], $0xffff  }
0x101: {  	v23 =	vadd.s32 v6, v23;
	_ =	sdelay $0x3  }
0x102: {  	[tilespmem:v60+s30+$0x0] =	vst.idx.msk $0xffff, v25  }
0x103: {  	v62 =	vor.u32 v14, v24;
	v61 =	vsel vm2, v21, v22;
	v23 =	vld.idx.msk [tilespmem:v23+s17+$0x0], $0xffff  }
0x104: {  	v25 =	vadd.s32 v15, v61;
	_ =	sdelay $0x3  }
0x105: {  	[tilespmem:v62+s30+$0x0] =	vst.idx.msk $0xffff, v23  }
0x106: {  	v63 =	vor.u32 v16, v24;
	v23 =	vsel vm3, v21, v22;
	v25 =	vld.idx.msk [tilespmem:v25+s17+$0x0], $0xffff  }
0x107: {  	v23 =	vadd.s32 v17, v23;
	_ =	sdelay $0x3  }
0x108: {  	[tilespmem:v63+s30+$0x0] =	vst.idx.msk $0xffff, v25  }
0x109: {  	v21 =	vsel vm4, v21, v22;
	v22 =	vld.idx.msk [tilespmem:v23+s17+$0x0], $0xffff;
	v23 =	vor.u32 v19, v24  }
0x10a: {  	v21 =	vadd.s32 v13, v21;
	_ =	sdelay $0x3  }
0x10b: {  	[tilespmem:v23+s30+$0x0] =	vst.idx.msk $0xffff, v22  }
0x10c: {  	s29 =	simm.s32 $0x10;
	v22 =	vor.u32 v20, v24;
	v21 =	vld.idx.msk [tilespmem:v21+s17+$0x0], $0xffff  }
.LBB2_5:
0x10d: {  	_ =	sdelay $0x3  }
0x10e: {  	p1 =	sne.s32 s29, $0xF0;
	s16 =	sadd.s32 $0x10, s16;
	s13 =	sadd.s32 $0x10, s13;
	[tilespmem:v22+s30+$0x0] =	vst.idx.msk $0xffff, v21  }
0x10f: {  	s31 =	smov.u32 s29;
	s29 =	sadd.s32 $0x10, s29;
	v21 =	vld [tilespmem:s13+$0x0]  }
0x110: {  	v22 =	vld [tilespmem:s16+$0x0];
	_ =	sdelay $0x3  }
0x111: {  	v21 =	vmul.u32 $0x5, v21  }
0x112: {  	v22 =	vmul.u32 $0x5, v22;
	_ =	sdelay $0x1  }
0x113: {  	v23 =	vsel vm0, v22, v21;
	v24 =	vsel vm1, v22, v21;
	v25 =	vsel vm2, v22, v21  }
0x114: {  	v26 =	vsel vm3, v22, v21;
	v27 =	vsel vm4, v22, v21;
	v23 =	vadd.s32 v0, v23  }
0x115: {  	v28 =	vsel vm0, v21, v22;
	v29 =	vsel vm1, v21, v22;
	v30 =	vsel vm2, v21, v22  }
0x116: {  	v31 =	vsel vm3, v21, v22;
	v21 =	vsel vm4, v21, v22  }
0x117: {  	v22 =	vmov s31  }
0x118: {  	v22 =	vshll.u32 v22, $0x6  }
0x119: {  	v22 =	vor.u32 v18, v22;
	v23 =	vld.idx.msk [tilespmem:v23+s17+$0x0], $0xffff  }
0x11a: {  	v32 =	vor.u32 v7, v22  }
0x11b: {  	v24 =	vadd.s32 v1, v24;
	_ =	sdelay $0x3  }
0x11c: {  	[tilespmem:v32+s30+$0x0] =	vst.idx.msk $0xffff, v23  }
0x11d: {  	v23 =	vld.idx.msk [tilespmem:v24+s17+$0x0], $0xffff  }
0x11e: {  	v24 =	vor.u32 v8, v22  }
0x11f: {  	v25 =	vadd.s32 v2, v25;
	_ =	sdelay $0x3  }
0x120: {  	[tilespmem:v24+s30+$0x0] =	vst.idx.msk $0xffff, v23  }
0x121: {  	v23 =	vld.idx.msk [tilespmem:v25+s17+$0x0], $0xffff  }
0x122: {  	v24 =	vor.u32 v9, v22  }
0x123: {  	v25 =	vadd.s32 v3, v26;
	_ =	sdelay $0x3  }
0x124: {  	[tilespmem:v24+s30+$0x0] =	vst.idx.msk $0xffff, v23  }
0x125: {  	v23 =	vld.idx.msk [tilespmem:v25+s17+$0x0], $0xffff  }
0x126: {  	v24 =	vor.u32 v10, v22  }
0x127: {  	v25 =	vadd.s32 v4, v27;
	_ =	sdelay $0x3  }
0x128: {  	[tilespmem:v24+s30+$0x0] =	vst.idx.msk $0xffff, v23  }
0x129: {  	v23 =	vld.idx.msk [tilespmem:v25+s17+$0x0], $0xffff  }
0x12a: {  	v24 =	vor.u32 v11, v22  }
0x12b: {  	v25 =	vadd.s32 v5, v28;
	_ =	sdelay $0x3  }
0x12c: {  	[tilespmem:v24+s30+$0x0] =	vst.idx.msk $0xffff, v23  }
0x12d: {  	v23 =	vld.idx.msk [tilespmem:v25+s17+$0x0], $0xffff  }
0x12e: {  	v24 =	vor.u32 v12, v22  }
0x12f: {  	v25 =	vadd.s32 v6, v29;
	_ =	sdelay $0x3  }
0x130: {  	[tilespmem:v24+s30+$0x0] =	vst.idx.msk $0xffff, v23  }
0x131: {  	v23 =	vld.idx.msk [tilespmem:v25+s17+$0x0], $0xffff  }
0x132: {  	v24 =	vor.u32 v14, v22  }
0x133: {  	v25 =	vadd.s32 v15, v30;
	_ =	sdelay $0x3  }
0x134: {  	[tilespmem:v24+s30+$0x0] =	vst.idx.msk $0xffff, v23  }
0x135: {  	v23 =	vld.idx.msk [tilespmem:v25+s17+$0x0], $0xffff  }
0x136: {  	v24 =	vor.u32 v16, v22  }
0x137: {  	v25 =	vadd.s32 v17, v31;
	_ =	sdelay $0x3  }
0x138: {  	[tilespmem:v24+s30+$0x0] =	vst.idx.msk $0xffff, v23  }
0x139: {  	v23 =	vld.idx.msk [tilespmem:v25+s17+$0x0], $0xffff  }
0x13a: {  	v24 =	vor.u32 v19, v22  }
0x13b: {  	v21 =	vadd.s32 v13, v21;
	_ =	sdelay $0x1  }
.Ltmp1:
0x13c: {  	(pc) =	sbr.rel @p1 .LBB2_5-.Ltmp1, $4  }
0x13d: {  	_ = 	snop  }
0x13e: {  	[tilespmem:v24+s30+$0x0] =	vst.idx.msk $0xffff, v23  }
0x13f: {  	v21 =	vld.idx.msk [tilespmem:v21+s17+$0x0], $0xffff  }
0x140: {  	v22 =	vor.u32 v20, v22  }
0x141: {  	_ = 	snop  }
0x142: {  	s7 =	sshll.u32 s7, $0xE  }
0x143: {  	s7 =	sadd.s32 s14, s7  }
0x144: {  	s7 =	sshrl.u32 s7, $0x3  }
0x145: {  	[tilespmem:v22+s30+$0x0] =	vst.idx.msk $0xffff, v21;
	s7 =	sadd.s32 s10, s7  }
0x146: {  	[hbm4b:s7+s2] =	stream.linear.scatter [tilespmem:s30], [sflag:$0x6], $0x4000, $0x38;
	[tilespmem:$0x11BA0] =	vst v63  }
0x147: {  	_ =	swait.ge [sflag:s11], $0x4000  }
0x148: {  	s21 =	sor.u32 $0x3, s21;
	[sflag:s11] =	ssyncset.done $0x0  }
0x149: {  	s13 =	sshll.u32 s21, $0x8;
	s7 =	simm.s32 @!p0 $0x8;
	[sflag:s11] =	ssyncadd.s32 $0xFFFFC000  }
0x14a: {  	s13 =	sadd.s32 s8, s13;
	_ =	swait.ge @!p0 [sflag:s7], $0x4000  }
0x14b: {  	s13 =	sshrl.u32 s13, $0x3;
	[sflag:s7] =	ssyncset.done @!p0 $0x0  }
0x14c: {  	s16 =	simm.s32 $0x0;
	s29 =	sadd.s32 s4, s13;
	[sflag:s7] =	ssyncadd.s32 @!p0 $0xFFFFC000  }
0x14d: {  	[tilespmem:s12], [sflag:$0x9] =	stream.linear.gather [hbm4b:s29+s16], $0x100, $0x38;
	[tilespmem:$0x11BA0] =	vst v63  }
0x14e: {  	_ =	swait.ge [sflag:s18], $0x100  }
0x14f: {  	[sflag:s18] =	ssyncset.done $0x0  }
0x150: {  	s31 =	sadd.s32 s5, s13;
	s29 =	simm.s32 $0x700;
	[sflag:s18] =	ssyncadd.s32 $0xFFFFFF00  }
0x151: {  	[tilespmem:s29], [sflag:$0x9] =	stream.linear.gather [hbm4b:s31+s16], $0x100, $0x38;
	[tilespmem:$0x11BA0] =	vst v63  }
0x152: {  	_ =	swait.ge [sflag:s18], $0x100  }
0x153: {  	[sflag:s18] =	ssyncset.done $0x0  }
0x154: {  	s29 =	sadd.s32 s6, s13;
	s31 =	simm.s32 $0xB00;
	[sflag:s18] =	ssyncadd.s32 $0xFFFFFF00  }
0x155: {  	[tilespmem:s31], [sflag:$0x9] =	stream.linear.gather [hbm4b:s29+s16], $0x100, $0x38;
	[tilespmem:$0x11BA0] =	vst v63  }
0x156: {  	_ =	swait.ge [sflag:s18], $0x100  }
0x157: {  	[sflag:s18] =	ssyncset.done $0x0  }
0x158: {  	[sflag:s18] =	ssyncadd.s32 $0xFFFFFF00  }
0x159: {  	[tilespmem:s28], [sflag:$0x4] =	stream.indirect.gather [hbm4b:s0+s22], $0x40, s12, s22, $0xb8;
	[tilespmem:$0x11BA0] =	vst v63  }
0x15a: {  	s7 =	simm.s32 $0xA00;
	s29 =	simm.s32 $0x380;
	s31 =	simm.s32 $0xEC00  }
0x15b: {  	[tilespmem:s31], [sflag:$0x4] =	stream.indirect.gather [hbm4b:s0+s22], $0x40, s29, s22, $0xb8;
	[tilespmem:$0x11BA0] =	vst v63  }
0x15c: {  	s13 =	simm.s32 $0x600;
	v21 =	vld [tilespmem:s7+$0x0]  }
0x15d: {  	v22 =	vld [tilespmem:s13+$0x0];
	_ =	sdelay $0x4  }
0x15e: {  	v21 =	vmul.u32 $0x5, v21;
	v22 =	vmul.u32 $0x5, v22;
	_ =	sdelay $0x1  }
0x15f: {  	v23 =	vsel vm0, v22, v21  }
0x160: {  	v23 =	vadd.s32 v0, v23;
	_ =	sdelay $0x1  }
0x161: {  	v24 =	vmov s16  }
0x162: {  	v24 =	vshll.u32 v24, $0x6  }
0x163: {  	v24 =	vor.u32 v18, v24  }
0x164: {  	v26 =	vor.u32 v7, v24;
	v25 =	vsel vm1, v22, v21;
	v23 =	vld.idx.msk [tilespmem:v23+s17+$0x0], $0xffff  }
0x165: {  	v25 =	vadd.s32 v1, v25;
	_ =	sdelay $0x3  }
0x166: {  	[tilespmem:v26+s24+$0x0] =	vst.idx.msk $0xffff, v23  }
0x167: {  	v54 =	vor.u32 v8, v24;
	v23 =	vsel vm2, v22, v21;
	v25 =	vld.idx.msk [tilespmem:v25+s17+$0x0], $0xffff  }
0x168: {  	v23 =	vadd.s32 v2, v23;
	_ =	sdelay $0x3  }
0x169: {  	[tilespmem:v54+s24+$0x0] =	vst.idx.msk $0xffff, v25  }
0x16a: {  	v56 =	vor.u32 v9, v24;
	v55 =	vsel vm3, v22, v21;
	v23 =	vld.idx.msk [tilespmem:v23+s17+$0x0], $0xffff  }
0x16b: {  	v25 =	vadd.s32 v3, v55;
	_ =	sdelay $0x3  }
0x16c: {  	[tilespmem:v56+s24+$0x0] =	vst.idx.msk $0xffff, v23  }
0x16d: {  	v57 =	vor.u32 v10, v24;
	v23 =	vsel vm4, v22, v21;
	v25 =	vld.idx.msk [tilespmem:v25+s17+$0x0], $0xffff  }
0x16e: {  	v23 =	vadd.s32 v4, v23;
	_ =	sdelay $0x3  }
0x16f: {  	[tilespmem:v57+s24+$0x0] =	vst.idx.msk $0xffff, v25  }
0x170: {  	v59 =	vor.u32 v11, v24;
	v58 =	vsel vm0, v21, v22;
	v23 =	vld.idx.msk [tilespmem:v23+s17+$0x0], $0xffff  }
0x171: {  	v25 =	vadd.s32 v5, v58;
	_ =	sdelay $0x3  }
0x172: {  	[tilespmem:v59+s24+$0x0] =	vst.idx.msk $0xffff, v23  }
0x173: {  	v60 =	vor.u32 v12, v24;
	v23 =	vsel vm1, v21, v22;
	v25 =	vld.idx.msk [tilespmem:v25+s17+$0x0], $0xffff  }
0x174: {  	v23 =	vadd.s32 v6, v23;
	_ =	sdelay $0x3  }
0x175: {  	[tilespmem:v60+s24+$0x0] =	vst.idx.msk $0xffff, v25  }
0x176: {  	v62 =	vor.u32 v14, v24;
	v61 =	vsel vm2, v21, v22;
	v23 =	vld.idx.msk [tilespmem:v23+s17+$0x0], $0xffff  }
0x177: {  	v25 =	vadd.s32 v15, v61;
	_ =	sdelay $0x3  }
0x178: {  	[tilespmem:v62+s24+$0x0] =	vst.idx.msk $0xffff, v23  }
0x179: {  	v63 =	vor.u32 v16, v24;
	v23 =	vsel vm3, v21, v22;
	v25 =	vld.idx.msk [tilespmem:v25+s17+$0x0], $0xffff  }
0x17a: {  	v23 =	vadd.s32 v17, v23;
	_ =	sdelay $0x3  }
0x17b: {  	[tilespmem:v63+s24+$0x0] =	vst.idx.msk $0xffff, v25  }
0x17c: {  	v21 =	vsel vm4, v21, v22;
	v22 =	vld.idx.msk [tilespmem:v23+s17+$0x0], $0xffff;
	v23 =	vor.u32 v19, v24  }
0x17d: {  	v21 =	vadd.s32 v13, v21;
	_ =	sdelay $0x3  }
0x17e: {  	[tilespmem:v23+s24+$0x0] =	vst.idx.msk $0xffff, v22  }
0x17f: {  	s16 =	simm.s32 $0x10;
	v22 =	vor.u32 v20, v24;
	v21 =	vld.idx.msk [tilespmem:v21+s17+$0x0], $0xffff  }
.LBB2_7:
0x180: {  	_ =	sdelay $0x3  }
0x181: {  	p0 =	sne.s32 s16, $0xF0;
	s13 =	sadd.s32 $0x10, s13;
	s7 =	sadd.s32 $0x10, s7;
	[tilespmem:v22+s24+$0x0] =	vst.idx.msk $0xffff, v21  }
0x182: {  	s29 =	smov.u32 s16;
	s16 =	sadd.s32 $0x10, s16;
	v21 =	vld [tilespmem:s7+$0x0]  }
0x183: {  	v22 =	vld [tilespmem:s13+$0x0];
	_ =	sdelay $0x3  }
0x184: {  	v21 =	vmul.u32 $0x5, v21  }
0x185: {  	v22 =	vmul.u32 $0x5, v22;
	_ =	sdelay $0x1  }
0x186: {  	v23 =	vsel vm0, v22, v21;
	v24 =	vsel vm1, v22, v21;
	v25 =	vsel vm2, v22, v21  }
0x187: {  	v26 =	vsel vm3, v22, v21;
	v27 =	vsel vm4, v22, v21;
	v23 =	vadd.s32 v0, v23  }
0x188: {  	v28 =	vsel vm0, v21, v22;
	v29 =	vsel vm1, v21, v22;
	v30 =	vsel vm2, v21, v22  }
0x189: {  	v31 =	vsel vm3, v21, v22;
	v21 =	vsel vm4, v21, v22  }
0x18a: {  	v22 =	vmov s29  }
0x18b: {  	v22 =	vshll.u32 v22, $0x6  }
0x18c: {  	v22 =	vor.u32 v18, v22;
	v23 =	vld.idx.msk [tilespmem:v23+s17+$0x0], $0xffff  }
0x18d: {  	v32 =	vor.u32 v7, v22  }
0x18e: {  	v24 =	vadd.s32 v1, v24;
	_ =	sdelay $0x3  }
0x18f: {  	[tilespmem:v32+s24+$0x0] =	vst.idx.msk $0xffff, v23  }
0x190: {  	v23 =	vld.idx.msk [tilespmem:v24+s17+$0x0], $0xffff  }
0x191: {  	v24 =	vor.u32 v8, v22  }
0x192: {  	v25 =	vadd.s32 v2, v25;
	_ =	sdelay $0x3  }
0x193: {  	[tilespmem:v24+s24+$0x0] =	vst.idx.msk $0xffff, v23  }
0x194: {  	v23 =	vld.idx.msk [tilespmem:v25+s17+$0x0], $0xffff  }
0x195: {  	v24 =	vor.u32 v9, v22  }
0x196: {  	v25 =	vadd.s32 v3, v26;
	_ =	sdelay $0x3  }
0x197: {  	[tilespmem:v24+s24+$0x0] =	vst.idx.msk $0xffff, v23  }
0x198: {  	v23 =	vld.idx.msk [tilespmem:v25+s17+$0x0], $0xffff  }
0x199: {  	v24 =	vor.u32 v10, v22  }
0x19a: {  	v25 =	vadd.s32 v4, v27;
	_ =	sdelay $0x3  }
0x19b: {  	[tilespmem:v24+s24+$0x0] =	vst.idx.msk $0xffff, v23  }
0x19c: {  	v23 =	vld.idx.msk [tilespmem:v25+s17+$0x0], $0xffff  }
0x19d: {  	v24 =	vor.u32 v11, v22  }
0x19e: {  	v25 =	vadd.s32 v5, v28;
	_ =	sdelay $0x3  }
0x19f: {  	[tilespmem:v24+s24+$0x0] =	vst.idx.msk $0xffff, v23  }
0x1a0: {  	v23 =	vld.idx.msk [tilespmem:v25+s17+$0x0], $0xffff  }
0x1a1: {  	v24 =	vor.u32 v12, v22  }
0x1a2: {  	v25 =	vadd.s32 v6, v29;
	_ =	sdelay $0x3  }
0x1a3: {  	[tilespmem:v24+s24+$0x0] =	vst.idx.msk $0xffff, v23  }
0x1a4: {  	v23 =	vld.idx.msk [tilespmem:v25+s17+$0x0], $0xffff  }
0x1a5: {  	v24 =	vor.u32 v14, v22  }
0x1a6: {  	v25 =	vadd.s32 v15, v30;
	_ =	sdelay $0x3  }
0x1a7: {  	[tilespmem:v24+s24+$0x0] =	vst.idx.msk $0xffff, v23  }
0x1a8: {  	v23 =	vld.idx.msk [tilespmem:v25+s17+$0x0], $0xffff  }
0x1a9: {  	v24 =	vor.u32 v16, v22  }
0x1aa: {  	v25 =	vadd.s32 v17, v31;
	_ =	sdelay $0x3  }
0x1ab: {  	[tilespmem:v24+s24+$0x0] =	vst.idx.msk $0xffff, v23  }
0x1ac: {  	v23 =	vld.idx.msk [tilespmem:v25+s17+$0x0], $0xffff  }
0x1ad: {  	v24 =	vor.u32 v19, v22  }
0x1ae: {  	v21 =	vadd.s32 v13, v21;
	_ =	sdelay $0x1  }
.Ltmp2:
0x1af: {  	(pc) =	sbr.rel @p0 .LBB2_7-.Ltmp2, $4  }
0x1b0: {  	_ = 	snop  }
0x1b1: {  	[tilespmem:v24+s24+$0x0] =	vst.idx.msk $0xffff, v23  }
0x1b2: {  	v21 =	vld.idx.msk [tilespmem:v21+s17+$0x0], $0xffff  }
0x1b3: {  	v22 =	vor.u32 v20, v22  }
0x1b4: {  	_ = 	snop  }
0x1b5: {  	s7 =	sshll.u32 s9, $0xE  }
0x1b6: {  	s7 =	sadd.s32 s14, s7  }
0x1b7: {  	s7 =	sshrl.u32 s7, $0x3  }
0x1b8: {  	[tilespmem:v22+s24+$0x0] =	vst.idx.msk $0xffff, v21;
	s7 =	sadd.s32 s10, s7  }
0x1b9: {  	[hbm4b:s7+s2] =	stream.linear.scatter [tilespmem:s24], [sflag:$0x7], $0x4000, $0x38;
	[tilespmem:$0x11BA0] =	vst v63  }
0x1ba: {  	_ =	swait.ge [sflag:s1], $0x4000  }
0x1bb: {  	p0 =	seq.s32 s20, $0x18;
	[sflag:s1] =	ssyncset.done $0x0  }
0x1bc: {  	s9 =	sshll.u32 @!p0 s20, $0xA;
	s7 =	simm.s32 @!p0 $0x5;
	[sflag:s1] =	ssyncadd.s32 $0xFFFFC000  }
0x1bd: {  	s9 =	sadd.s32 @!p0 s9, s15;
	_ =	swait.ge @!p0 [sflag:s7], $0x4000  }
0x1be: {  	s9 =	sshrl.u32 @!p0 s9, $0x3;
	[sflag:s7] =	ssyncset.done @!p0 $0x0  }
0x1bf: {  	s13 =	simm.s32 @!p0 $0x0;
	[sflag:s7] =	ssyncadd.s32 @!p0 $0xFFFFC000;
	s7 =	sadd.s32 @!p0 s4, s9  }
0x1c0: {  	[tilespmem:s13], [sflag:$0x9] =	stream.linear.gather @!p0 [hbm4b:s7+s13], $0x100, $0x38;
	[tilespmem:$0x11BA0] =	vst v63  }
0x1c1: {  	s7 =	simm.s32 @!p0 $0x9  }
0x1c2: {  	_ =	swait.ge @!p0 [sflag:s7], $0x100  }
0x1c3: {  	[sflag:s7] =	ssyncset.done @!p0 $0x0  }
0x1c4: {  	s29 =	simm.s32 @!p0 $0x400;
	s16 =	sadd.s32 @!p0 s5, s9;
	[sflag:s7] =	ssyncadd.s32 @!p0 $0xFFFFFF00  }
0x1c5: {  	[tilespmem:s29], [sflag:$0x9] =	stream.linear.gather @!p0 [hbm4b:s16+s13], $0x100, $0x38;
	[tilespmem:$0x11BA0] =	vst v63  }
0x1c6: {  	_ =	swait.ge @!p0 [sflag:s7], $0x100  }
0x1c7: {  	[sflag:s7] =	ssyncset.done @!p0 $0x0  }
0x1c8: {  	s9 =	sadd.s32 @!p0 s6, s9;
	s16 =	simm.s32 @!p0 $0x800;
	[sflag:s7] =	ssyncadd.s32 @!p0 $0xFFFFFF00  }
0x1c9: {  	[tilespmem:s16], [sflag:$0x9] =	stream.linear.gather @!p0 [hbm4b:s9+s13], $0x100, $0x38;
	[tilespmem:$0x11BA0] =	vst v63  }
0x1ca: {  	_ =	swait.ge @!p0 [sflag:s7], $0x100  }
0x1cb: {  	[sflag:s7] =	ssyncset.done @!p0 $0x0  }
0x1cc: {  	s9 =	simm.s32 @!p0 $0xC00;
	[sflag:s7] =	ssyncadd.s32 @!p0 $0xFFFFFF00;
	s7 =	simm.s32 @!p0 $0x80  }
0x1cd: {  	[tilespmem:s9], [sflag:$0x1] =	stream.indirect.gather @!p0 [hbm4b:s0+s7], $0x40, s13, s7, $0xb8;
	[tilespmem:$0x11BA0] =	vst v63  }
0x1ce: {  	s9 =	simm.s32 @!p0 $0x2C00  }
0x1cf: {  	[tilespmem:s9], [sflag:$0x1] =	stream.indirect.gather @!p0 [hbm4b:s0+s7], $0x40, s7, s7, $0xb8;
	[tilespmem:$0x11BA0] =	vst v63  }
0x1d0: {  	s7 =	simm.s32 $0xB00  }
0x1d1: {  	s9 =	simm.s32 $0x700;
	v21 =	vld [tilespmem:s7+$0x0]  }
0x1d2: {  	v22 =	vld [tilespmem:s9+$0x0];
	_ =	sdelay $0x4  }
0x1d3: {  	v21 =	vmul.u32 $0x5, v21;
	v22 =	vmul.u32 $0x5, v22;
	_ =	sdelay $0x1  }
0x1d4: {  	v23 =	vsel vm0, v22, v21  }
0x1d5: {  	v23 =	vadd.s32 v0, v23  }
0x1d6: {  	s31 =	simm.s32 $0x0  }
0x1d7: {  	v24 =	vmov s31  }
0x1d8: {  	v24 =	vshll.u32 v24, $0x6  }
0x1d9: {  	v24 =	vor.u32 v18, v24  }
0x1da: {  	v26 =	vor.u32 v7, v24;
	v25 =	vsel vm1, v22, v21;
	v23 =	vld.idx.msk [tilespmem:v23+s17+$0x0], $0xffff  }
0x1db: {  	v25 =	vadd.s32 v1, v25;
	_ =	sdelay $0x3  }
0x1dc: {  	[tilespmem:v26+s28+$0x0] =	vst.idx.msk $0xffff, v23  }
0x1dd: {  	v54 =	vor.u32 v8, v24;
	v23 =	vsel vm2, v22, v21;
	v25 =	vld.idx.msk [tilespmem:v25+s17+$0x0], $0xffff  }
0x1de: {  	v23 =	vadd.s32 v2, v23;
	_ =	sdelay $0x3  }
0x1df: {  	[tilespmem:v54+s28+$0x0] =	vst.idx.msk $0xffff, v25  }
0x1e0: {  	v56 =	vor.u32 v9, v24;
	v55 =	vsel vm3, v22, v21;
	v23 =	vld.idx.msk [tilespmem:v23+s17+$0x0], $0xffff  }
0x1e1: {  	v25 =	vadd.s32 v3, v55;
	_ =	sdelay $0x3  }
0x1e2: {  	[tilespmem:v56+s28+$0x0] =	vst.idx.msk $0xffff, v23  }
0x1e3: {  	v57 =	vor.u32 v10, v24;
	v23 =	vsel vm4, v22, v21;
	v25 =	vld.idx.msk [tilespmem:v25+s17+$0x0], $0xffff  }
0x1e4: {  	v23 =	vadd.s32 v4, v23;
	_ =	sdelay $0x3  }
0x1e5: {  	[tilespmem:v57+s28+$0x0] =	vst.idx.msk $0xffff, v25  }
0x1e6: {  	v59 =	vor.u32 v11, v24;
	v58 =	vsel vm0, v21, v22;
	v23 =	vld.idx.msk [tilespmem:v23+s17+$0x0], $0xffff  }
0x1e7: {  	v25 =	vadd.s32 v5, v58;
	_ =	sdelay $0x3  }
0x1e8: {  	[tilespmem:v59+s28+$0x0] =	vst.idx.msk $0xffff, v23  }
0x1e9: {  	v60 =	vor.u32 v12, v24;
	v23 =	vsel vm1, v21, v22;
	v25 =	vld.idx.msk [tilespmem:v25+s17+$0x0], $0xffff  }
0x1ea: {  	v23 =	vadd.s32 v6, v23;
	_ =	sdelay $0x3  }
0x1eb: {  	[tilespmem:v60+s28+$0x0] =	vst.idx.msk $0xffff, v25  }
0x1ec: {  	v62 =	vor.u32 v14, v24;
	v61 =	vsel vm2, v21, v22;
	v23 =	vld.idx.msk [tilespmem:v23+s17+$0x0], $0xffff  }
0x1ed: {  	v25 =	vadd.s32 v15, v61;
	_ =	sdelay $0x3  }
0x1ee: {  	[tilespmem:v62+s28+$0x0] =	vst.idx.msk $0xffff, v23  }
0x1ef: {  	v63 =	vor.u32 v16, v24;
	v23 =	vsel vm3, v21, v22;
	v25 =	vld.idx.msk [tilespmem:v25+s17+$0x0], $0xffff  }
0x1f0: {  	v23 =	vadd.s32 v17, v23;
	_ =	sdelay $0x3  }
0x1f1: {  	[tilespmem:v63+s28+$0x0] =	vst.idx.msk $0xffff, v25  }
0x1f2: {  	v21 =	vsel vm4, v21, v22;
	v22 =	vld.idx.msk [tilespmem:v23+s17+$0x0], $0xffff;
	v23 =	vor.u32 v19, v24  }
0x1f3: {  	v21 =	vadd.s32 v13, v21;
	_ =	sdelay $0x3  }
0x1f4: {  	[tilespmem:v23+s28+$0x0] =	vst.idx.msk $0xffff, v22  }
0x1f5: {  	s13 =	simm.s32 $0x10;
	v22 =	vor.u32 v20, v24;
	v21 =	vld.idx.msk [tilespmem:v21+s17+$0x0], $0xffff  }
.LBB2_9:
0x1f6: {  	_ =	sdelay $0x3  }
0x1f7: {  	p0 =	sne.s32 s13, $0xF0;
	s9 =	sadd.s32 $0x10, s9;
	s7 =	sadd.s32 $0x10, s7;
	[tilespmem:v22+s28+$0x0] =	vst.idx.msk $0xffff, v21  }
0x1f8: {  	s16 =	smov.u32 s13;
	s13 =	sadd.s32 $0x10, s13;
	v21 =	vld [tilespmem:s7+$0x0]  }
0x1f9: {  	v22 =	vld [tilespmem:s9+$0x0];
	_ =	sdelay $0x3  }
0x1fa: {  	v21 =	vmul.u32 $0x5, v21  }
0x1fb: {  	v22 =	vmul.u32 $0x5, v22;
	_ =	sdelay $0x1  }
0x1fc: {  	v23 =	vsel vm0, v22, v21;
	v24 =	vsel vm1, v22, v21;
	v25 =	vsel vm2, v22, v21  }
0x1fd: {  	v26 =	vsel vm3, v22, v21;
	v27 =	vsel vm4, v22, v21;
	v23 =	vadd.s32 v0, v23  }
0x1fe: {  	v28 =	vsel vm0, v21, v22;
	v29 =	vsel vm1, v21, v22;
	v30 =	vsel vm2, v21, v22  }
0x1ff: {  	v31 =	vsel vm3, v21, v22;
	v21 =	vsel vm4, v21, v22  }
0x200: {  	v22 =	vmov s16  }
0x201: {  	v22 =	vshll.u32 v22, $0x6  }
0x202: {  	v22 =	vor.u32 v18, v22;
	v23 =	vld.idx.msk [tilespmem:v23+s17+$0x0], $0xffff  }
0x203: {  	v32 =	vor.u32 v7, v22  }
0x204: {  	v24 =	vadd.s32 v1, v24;
	_ =	sdelay $0x3  }
0x205: {  	[tilespmem:v32+s28+$0x0] =	vst.idx.msk $0xffff, v23  }
0x206: {  	v23 =	vld.idx.msk [tilespmem:v24+s17+$0x0], $0xffff  }
0x207: {  	v24 =	vor.u32 v8, v22  }
0x208: {  	v25 =	vadd.s32 v2, v25;
	_ =	sdelay $0x3  }
0x209: {  	[tilespmem:v24+s28+$0x0] =	vst.idx.msk $0xffff, v23  }
0x20a: {  	v23 =	vld.idx.msk [tilespmem:v25+s17+$0x0], $0xffff  }
0x20b: {  	v24 =	vor.u32 v9, v22  }
0x20c: {  	v25 =	vadd.s32 v3, v26;
	_ =	sdelay $0x3  }
0x20d: {  	[tilespmem:v24+s28+$0x0] =	vst.idx.msk $0xffff, v23  }
0x20e: {  	v23 =	vld.idx.msk [tilespmem:v25+s17+$0x0], $0xffff  }
0x20f: {  	v24 =	vor.u32 v10, v22  }
0x210: {  	v25 =	vadd.s32 v4, v27;
	_ =	sdelay $0x3  }
0x211: {  	[tilespmem:v24+s28+$0x0] =	vst.idx.msk $0xffff, v23  }
0x212: {  	v23 =	vld.idx.msk [tilespmem:v25+s17+$0x0], $0xffff  }
0x213: {  	v24 =	vor.u32 v11, v22  }
0x214: {  	v25 =	vadd.s32 v5, v28;
	_ =	sdelay $0x3  }
0x215: {  	[tilespmem:v24+s28+$0x0] =	vst.idx.msk $0xffff, v23  }
0x216: {  	v23 =	vld.idx.msk [tilespmem:v25+s17+$0x0], $0xffff  }
0x217: {  	v24 =	vor.u32 v12, v22  }
0x218: {  	v25 =	vadd.s32 v6, v29;
	_ =	sdelay $0x3  }
0x219: {  	[tilespmem:v24+s28+$0x0] =	vst.idx.msk $0xffff, v23  }
0x21a: {  	v23 =	vld.idx.msk [tilespmem:v25+s17+$0x0], $0xffff  }
0x21b: {  	v24 =	vor.u32 v14, v22  }
0x21c: {  	v25 =	vadd.s32 v15, v30;
	_ =	sdelay $0x3  }
0x21d: {  	[tilespmem:v24+s28+$0x0] =	vst.idx.msk $0xffff, v23  }
0x21e: {  	v23 =	vld.idx.msk [tilespmem:v25+s17+$0x0], $0xffff  }
0x21f: {  	v24 =	vor.u32 v16, v22  }
0x220: {  	v25 =	vadd.s32 v17, v31;
	_ =	sdelay $0x3  }
0x221: {  	[tilespmem:v24+s28+$0x0] =	vst.idx.msk $0xffff, v23  }
0x222: {  	v23 =	vld.idx.msk [tilespmem:v25+s17+$0x0], $0xffff  }
0x223: {  	v24 =	vor.u32 v19, v22  }
0x224: {  	v21 =	vadd.s32 v13, v21;
	_ =	sdelay $0x1  }
.Ltmp3:
0x225: {  	(pc) =	sbr.rel @p0 .LBB2_9-.Ltmp3, $4  }
0x226: {  	_ = 	snop  }
0x227: {  	[tilespmem:v24+s28+$0x0] =	vst.idx.msk $0xffff, v23  }
0x228: {  	v21 =	vld.idx.msk [tilespmem:v21+s17+$0x0], $0xffff  }
0x229: {  	v22 =	vor.u32 v20, v22  }
0x22a: {  	s20 =	sadd.s32 $0x1, s20  }
0x22b: {  	p0 =	sne.s32 s20, $0x19  }
.Ltmp4:
0x22c: {  	s7 =	sshll.u32 s21, $0xE;
	(pc) =	sbr.rel @p0 .LBB2_2-.Ltmp4, $4  }
0x22d: {  	s7 =	sadd.s32 s14, s7  }
0x22e: {  	s7 =	sshrl.u32 s7, $0x3  }
0x22f: {  	[tilespmem:v22+s28+$0x0] =	vst.idx.msk $0xffff, v21;
	s7 =	sadd.s32 s10, s7  }
0x230: {  	[hbm4b:s7+s2] =	stream.linear.scatter [tilespmem:s28], [sflag:$0x8], $0x4000, $0x38;
	[tilespmem:$0x11BA0] =	vst v63  }
0x231: {  	s7 =	simm.s32 $0x5  }
0x232: {  	_ =	swait.ge [sflag:s7], $0x4000  }
0x233: {  	[sflag:s7] =	ssyncset.done $0x0  }
0x234: {  	s21 =	simm.s32 $0x6;
	[sflag:s7] =	ssyncadd.s32 $0xFFFFC000  }
0x235: {  	_ =	swait.ge [sflag:s21], $0x4000  }
0x236: {  	[sflag:s21] =	ssyncset.done $0x0  }
0x237: {  	s29 =	simm.s32 $0x7;
	[sflag:s21] =	ssyncadd.s32 $0xFFFFC000  }
0x238: {  	_ =	swait.ge [sflag:s29], $0x4000  }
0x239: {  	[sflag:s29] =	ssyncset.done $0x0  }
0x23a: {  	s9 =	simm.s32 $0x8;
	[sflag:s29] =	ssyncadd.s32 $0xFFFFC000  }
0x23b: {  	_ =	swait.ge [sflag:s9], $0x4000  }
0x23c: {  	s13 =	rddreg [dreg:$0x9]  }
0x23d: {  	s31 =	rddreg [dreg:$0x8];
	s13 =	sadd.s32 $0x1, s13  }
0x23e: {  	p0 =	sne.s32 s13, s31  }
.Ltmp5:
0x23f: {  	_ = 	snop;
	(pc) =	sbr.rel @p0 .LBB2_1-.Ltmp5, $3  }
0x240: {  	_ =	sdelay $0x1  }
0x241: {  	[sflag:s9] =	ssyncset.done $0x0  }
0x242: {  	[sflag:s9] =	ssyncadd.s32 $0xFFFFC000  }
0x243: {  	_ =	sfence.sel $0x180000  }
0x244: {  	[bflag:$0x0] =	sbarrier.arrive $0xFFFF  }
0x245: {  	_ =	strace $0x90000047  }
0x246: {  	s0 =	stileid.u32;
	[bflag:$0x2] =	sbarrier.arrive $0xFFFF  }
0x247: {  	p0 =	sne.s32 s0, $0x0;
	s0 =	rddreg [dreg:$0x2]  }
0x248: {  	s0 =	sadd.s32 @!p0 $0x100000, s0  }
0x249: {  	[sflag:s0] =	ssyncadd.tile.s32 @!p0 $0x1;
	_ =	shalt  }
.Lfunc_end2:
_tile_overlayer_lowered:
.L_overlay_start_2:
0x24a: {  	(tag) =	ssettag $0x2  }
0x24b: {  	s0 =	rddreg [dreg:$0x0];
	s2 =	stileid.u32  }
0x24c: {  	s1 =	rddreg [dreg:$0x1];
	p0 =	sne.s32 s2, $0x0  }
0x24d: {  	s3 =	rddreg [dreg:$0x2];
	[bflag:$0x3] =	sbarrier.arrive $0xFFFF;
	s2 =	simm.s32 @!p0 $0x1C09  }
0x24e: {  	[timem:s3], [sflag:s2] =	dma.local @!p0 [hbm:s0], s1  }
0x24f: {  	s0 =	simm.s32 @!p0 $0x9  }
0x250: {  	_ =	swait.ge @!p0 [sflag:s0], s1  }
0x251: {  	s1 =	ssub.s32 @!p0 $0x0, s1;
	[sflag:s0] =	ssyncset.done @!p0 $0x0  }
0x252: {  	[sflag:s0] =	ssyncadd.s32 @!p0 s1  }
0x253: {  	[bflag:$0x3] =	sbarrier.arrive $0xFFFF  }
0x254: {  	_ =	shalt  }

// kernel: sparse-core-data-format-call.cloned.1.call-start
scs
called_computation_lowered:
.L_overlay_start_0:
0x0: {  	s2 =	sld [smem:$0x3FD9]  }
0x1: {  	s3 =	sld [smem:$0x3FFE];
	_ =	sdelay $0x1  }
0x2: {  	s1 =	srdreg.scid  }
0x3: {  	s0 =	sand.u32 $0x1, s1  }
0x4: {  	s18 =	sshll.u32 s0, $0xA;
	s2 =	sadd.s32 s3, s2  }
0x5: {  	s2 =	sadd.s32 s2, s18  }
0x6: {  	[smem:$0x3FC2] =	sst s2  }
0x7: {  	_ = 	snop  }
0x8: {  	s2 =	sld [smem:$0x3FD0];
	(tm) =	ssettm $0x1  }
0x9: {  	s19 =	sld [smem:$0x3FFB];
	_ =	sdelay $0x3  }
0xa: {  	_ =	strace s19  }
0xb: {  	s3 =	sld [smem:$0x3FFC];
	_ =	sdelay $0x3  }
0xc: {  	_ =	strace s3  }
0xd: {  	s3 =	sld [smem:$0x3FFD];
	_ =	sdelay $0x3  }
0xe: {  	_ =	strace s3  }
0xf: {  	_ =	strace $0x8FFFFFFF  }
0x10: {  	s20 =	sld [smem:$0x3FDB];
	_ =	sdelay $0x1  }
0x11: {  	s4 =	simm.s32 $_scs_section_size  }
0x12: {  	s5 =	simm.s32 $_size__tile_overlayer_lowered;
	s6 =	simm.s32 $_tile_overlayer_lowered  }
0x13: {  	s23 =	simm.s32 $0x1BFF;
	s22 =	sshll.u32 s6, $0x1;
	s3 =	sadd.s32 s4, s20  }
0x14: {  	s7 =	simm.s32 $0x0;
	s21 =	sshll.u32 s5, $0x1;
	s5 =	sadd.s32 s22, s3  }
0x15: {  	[timem:s7], [sflag:s23] =	dma.local [hbm:s5], s21  }
0x16: {  	_ =	swait.ge [sflag:s23], s21  }
0x17: {  	s4 =	ssub.s32 $0x0, s21;
	[sflag:s23] =	ssyncset.done $0x0  }
0x18: {  	[sflag:s23] =	ssyncadd.s32 s4;
	_ =	sdelay $0x1  }
0x19: {  	s24 =	simm.s32 $0x1B8B  }
0x1a: {  	_ =	swait.ge [sflag:s24], $0x1  }
0x1b: {  	[sflag:s24] =	ssyncset.done $0x0  }
0x1c: {  	s26 =	simm.s32 $0x1B8E;
	s25 =	sld [smem:$0x3FFE];
	[sflag:s24] =	ssyncadd.s32 $0xFFFFFFFF  }
0x1d: {  	s27 =	simm.s32 $execute0_lowered;
	[smem:$0x3FD2] =	sst s26  }
0x1e: {  	s5 =	sshll.u32 s27, $0x1;
	_ =	strace $0x80000049;
	[dreg:$0x1] =	wrdreg $0xFFFFFFFF  }
0x1f: {  	s28 =	simm.s32 $_size_execute0_lowered;
	s3 =	sadd.s32 s3, s5;
	[dreg:$0x0] =	wrdreg $0x0  }
0x20: {  	s5 =	sshll.u32 s28, $0x1;
	[dreg:$0x2] =	wrdreg s3  }
0x21: {  	[dreg:$0x3] =	wrdreg s5  }
0x22: {  	[dreg:$0x4] =	wrdreg $0xC0  }
0x23: {  	_ =	task [dreg:s7], $0x5FFFF  }
0x24: {  	[dreg:$0x1] =	wrdreg $0xFFFFFFFF  }
0x25: {  	[dreg:$0x0] =	wrdreg $0x60  }
0x26: {  	[dreg:$0x2] =	wrdreg s25  }
0x27: {  	[dreg:$0x3] =	wrdreg s2  }
0x28: {  	[dreg:$0x4] =	wrdreg $0x9  }
0x29: {  	_ =	task.clear_ibuf [dreg:s7], $0x5FFFF;
	_ =	strace $0x90000049  }
0x2a: {  	s29 =	simm.s32 $0x9;
	_ =	strace $0x8000004B  }
0x2b: {  	_ =	swait.ge [sflag:s29], $0x1  }
0x2c: {  	[sflag:s29] =	ssyncadd.s32 $0xFFFFFFFF  }
0x2d: {  	_ =	strace $0x9000004B  }
0x2e: {  	_ =	sfence  }
0x2f: {  	s30 =	sld [smem:$0x0];
	_ =	sdelay $0x2  }
0x30: {  	s31 =	sshll.u32 s1, $0xD;
	s1 =	sshrl.u32 s1, $0x2  }
0x31: {  	s3 =	sand.u32 $0x4000, s31;
	s1 =	sadd.s32 s1, s30  }
0x32: {  	s0 =	sor.u32 s3, s0;
	s1 =	sshll.u32 s1, $0x11  }
0x33: {  	s0 =	sor.u32 s1, s0  }
0x34: {  	s0 =	sadd.s32 $0x8F2B, s0  }
0x35: {  	[sflag:s0] =	ssyncadd.remote.s32 $0x1  }
0x36: {  	_ =	sfence.sel $0xFFFF  }
0x37: {  	[dreg:$0x0] =	wrdreg $0xFFFFFFFF;
	(pc) =	sbr.abs _section_cstart, $3  }
0x38: {  	[dreg:$0x1] =	wrdreg $0xFFFFFFFF  }
0x39: {  	_ =	task.clear_ibuf [dreg:s7], $0x2FFFF;
	_ =	strace $0x9FFFFFFF  }
0x3a: {  	(tm) =	ssettm $0x7FFFFFFF  }
0x3b: {  	_ =	shalt  }
tec
execute0_lowered:
.L_overlay_start_1:
0x0: {  	(tag) =	ssettag $0x1  }
0x1: {  	s0 =	srdreg.scid  }
0x2: {  	s1 =	sshll.u32 s0, $0x4  }
0x3: {  	s6 =	rddreg [dreg:$0x0];
	s0 =	stileid.u32;
	s1 =	sand.u32 $0x10, s1  }
0x4: {  	s3 =	rddreg [dreg:$0x1];
	s1 =	sor.u32 s0, s1  }
0x5: {  	s5 =	simm.s32 $0x1;
	s31 =	simm.s32 $0x2;
	s2 =	sshll.u32 s1, $0x7  }
0x6: {  	s15 =	simm.s32 $0x0;
	s8 =	simm.s32 $0xC8000;
	s4 =	ssub.s32 $0x1000, s2  }
0x7: {  	s14 =	simm.s32 $0x0;
	s9 =	simm.s32 $0x0;
	s30 =	sand.u32 $0xF80, s4  }
0x8: {  	s10 =	simm.s32 $0x0;
	s11 =	simm.s32 $0x0;
	p0 =	sne.s32 s30, $0x0  }
.Ltmp0:
0x9: {  	s7 =	sshrl.u32 s4, $0xC;
	s5 =	simm.s32 @!p0 $0x0;
	(pc) =	sbr.rel .LBB1_1-.Ltmp0, $4  }
0xa: {  	s13 =	simm.s32 $0x0;
	s1 =	rddreg [dreg:$0x2];
	s5 =	sadd.s32 s5, s7  }
0xb: {  	_ =	strace $0x8000004A;
	s4 =	simm.s32 $0x1;
	s5 =	smul.u32 $0xC8, s5  }
0xc: {  	s6 =	sadd.s32 $0x68D800, s6;
	s12 =	smov.u32 s2;
	[sflag:s4] =	ssyncpa.u1 $0x0  }
0xd: {  	[sflag:s31] =	ssyncpa.u1 $0x0;
	p0 =	por $0x0, $0x0;
	s7 =	sor.u32 $0x1, s5  }
.LBB1_4:
0xe: {  	s18 =	sshll.u32 s9, $0xC;
	s19 =	sand.u32 $0x78, s10;
	s20 =	sshll.u32 s10, $0x3  }
0xf: {  	s22 =	sshll.u32 s9, $0x7;
	p1 =	sgt.s32 s9, $0xC7;
	s25 =	sshra.s32 s9, $0x1F  }
0x10: {  	s23 =	smov.u32 s10;
	s24 =	sshra.s32 s10, $0x1F;
	s29 =	sand.u32 $0x7, s10  }
0x11: {  	s18 =	sand.u32 $0xFFFF8000, s18;
	s21 =	sand.u32 $0xFFFFFC00, s20;
	s20 =	sand.u32 $0xC00, s20  }
0x12: {  	s30 =	sand.u32 $0x380, s22;
	s22 =	sand.u32 s25, s9;
	s18 =	sadd.s32 s21, s18  }
0x13: {  	s19 =	sor.u32 s19, s20;
	s20 =	smov.u32 s9;
	s18 =	sshrl.u32 s18, $0xC  }
0x14: {  	s20 =	simm.s32 @!p1 $0xC7;
	p1 =	sgt.s32 s10, $0xF80;
	s31 =	smulhi.u32 $0x147AE15, s18  }
0x15: {  	s26 =	sand.u32 s24, s10;
	s20 =	ssub.s32 s20, s22;
	s23 =	simm.s32 @!p1 $0xF80  }
0x16: {  	s27 =	ssub.s32 $0xC8, s20;
	s22 =	ssub.s32 s23, s26;
	s21 =	smul.u32 $0xC8, s31  }
0x17: {  	s20 =	sadd.s32 $0xFFFFFF39, s20;
	s23 =	smul.u32 $0x3C, s27;
	s28 =	sadd.s32 $0xFFFFF080, s22  }
0x18: {  	p1 =	sgt.s32 s20, $0x0;
	s20 =	ssub.s32 $0x1000, s22;
	p2 =	sgt.s32 s28, $0x7F  }
0x19: {  	s19 =	sor.u32 s30, s19;
	s23 =	simm.s32 @p1 $0x0;
	s20 =	simm.s32 @p2 $0x0  }
0x1a: {  	[tilespmem:s17+$0x810 ss:$0x81] =	vst.msk $0xffff, v2;
	s19 =	sshrl.u32 s19, $0x3;
	s18 =	ssub.s32 s18, s21;
	s20 =	smul.u32 s20, s23  }
0x1b: {  	[tilespmem:s17+$0x1020 ss:$0x81] =	vst.msk $0xffff, v0;
	s19 =	sadd.s32 s3, s19;
	s21 =	sshll.u32 s29, $0x12;
	s18 =	sshll.u32 s18, $0x9  }
0x1c: {  	[tilespmem:s17+$0x0 ss:$0x81] =	vst.msk $0xffff, v1;
	s31 =	sor.u32 $0x80, s21;
	s18 =	sadd.s32 s18, s19;
	s30 =	sand.u32 $0x3FFFFFFC, s20  }
0x1d: {  	[hbm4b:s18+s31] =	stream.strided.scatter [tilespmem:s16], [sflag:$0x2], s30, s8, s31, $0x20;
	[tilespmem:$0x8080] =	vst v63  }
.LBB1_5:
0x1e: {  	p1 =	slt.u32 s13, $0x2  }
0x1f: {  	s17 =	smov.u32 s15;
	p2 =	sgt.s32 @!p1 s15, $0xC7;
	s16 =	sshra.s32 @!p1 s15, $0x1F  }
0x20: {  	p3 =	sgt.s32 @!p1 s14, $0xF80;
	s18 =	sshra.s32 @!p1 s14, $0x1F;
	p2 =	por !p2, p1  }
0x21: {  	s15 =	sand.u32 @!p1 s16, s15;
	p3 =	por !p3, p1;
	s16 =	smov.u32 s14  }
0x22: {  	s14 =	sand.u32 @!p1 s18, s14;
	s17 =	simm.s32 @p2 $0xC7;
	s16 =	simm.s32 @p3 $0xF80  }
0x23: {  	s18 =	smov.u32 s12;
	s15 =	ssub.s32 @!p1 s17, s15;
	s14 =	ssub.s32 @!p1 s16, s14  }
0x24: {  	s16 =	sadd.s32 @!p1 $0xFFFFFF39, s15;
	s15 =	ssub.s32 @!p1 $0xC8, s15;
	s17 =	sadd.s32 @!p1 $0xFFFFF080, s14  }
0x25: {  	p2 =	sgt.s32 @!p1 s16, $0x0;
	s15 =	smul.u32 @!p1 $0x3C, s15;
	p3 =	sgt.s32 @!p1 s17, $0x7F  }
0x26: {  	s14 =	ssub.s32 @!p1 $0x1000, s14;
	p2 =	por !p2, p1;
	p3 =	por !p3, p1  }
0x27: {  	s16 =	sadd.s32 $0x1, s11;
	s15 =	simm.s32 @!p2 $0x0;
	s14 =	simm.s32 @!p3 $0x0  }
0x28: {  	p2 =	sgt.s32 s16, $0xC7;
	s14 =	smul.u32 @!p1 s14, s15;
	s15 =	sadd.s32 $0x1000, s12  }
0x29: {  	s18 =	smov.u32 @p2 s15  }
0x2a: {  	s16 =	simm.s32 @p2 $0x0;
	p2 =	sgt.s32 s18, $0xFFF  }
0x2b: {  	s18 =	smov.u32 @p2 s2;
	p2 =	sne.s32 s13, s7  }
.Ltmp1:
0x2c: {  	p0 =	por !p0, !p0;
	s17 =	simm.s32 @!p1 $0x2;
	(pc) =	sbr.rel @!p2 .LBB1_6-.Ltmp1, $4  }
0x2d: {  	s15 =	smov.u32 s9;
	s9 =	smov.u32 s11;
	s14 =	sand.u32 @!p1 $0x3FFFFFFC, s14  }
0x2e: {  	s11 =	smov.u32 s16;
	_ =	swait.ge @!p1 [sflag:s17], s14;
	s19 =	ssub.s32 @!p1 $0x0, s14  }
0x2f: {  	s14 =	smov.u32 s10;
	s13 =	sadd.s32 $0x1, s13;
	[sflag:s17] =	ssyncset.done @!p1 $0x0  }
0x30: {  	s10 =	smov.u32 s12;
	s12 =	smov.u32 s18;
	[sflag:s17] =	ssyncadd.s32 @!p1 s19  }
.LBB1_1:
0x31: {  	p1 =	sge.u32 s13, s5  }
0x32: {  	s16 =	sand.u32 @!p1 $0x1FFFFFF, s11  }
0x33: {  	s17 =	smulhi.u32 @!p1 $0x147AE15, s16;
	_ =	sdelay $0x1  }
0x34: {  	s17 =	smul.u32 @!p1 $0xC8, s17  }
0x35: {  	s18 =	sxor.u32 @!p1 $0xFFFFFFFF, s13;
	s19 =	smul.u32 @!p1 $0xC80, s12  }
0x36: {  	s31 =	sadd.s32 $0xFFFFFFFF, s13;
	s18 =	sshll.u32 @!p1 s18, $0xD;
	s16 =	ssub.s32 @!p1 s16, s17  }
0x37: {  	s17 =	sand.u32 @!p1 $0x2000, s18;
	s18 =	sadd.s32 @!p1 s6, s19;
	s16 =	sshll.u32 @!p1 s16, $0x4  }
0x38: {  	s19 =	simm.s32 @!p1 $0x6400;
	s16 =	sadd.s32 @!p1 s16, s18;
	s18 =	simm.s32 @!p1 $0x40  }
0x39: {  	[tilespmem:s17], [sflag:$0x1] =	stream.strided.gather @!p1 [hbm4b:s16+s18], $0x2000, s19, s18, $0x38;
	[tilespmem:$0x8080] =	vst v63  }
0x3a: {  	p1 =	sge.u32 s31, s5  }
.Ltmp2:
0x3b: {  	_ = 	snop;
	(pc) =	sbr.rel @p1 .LBB1_5-.Ltmp2, $1  }
0x3c: {  	_ =	sdelay $0x3  }
0x3d: {  	s16 =	simm.s32 $0x1  }
0x3e: {  	_ =	swait.ge [sflag:s4], $0x2000;
	s16 =	simm.s32 @!p0 $0x0  }
0x3f: {  	[sflag:s4] =	ssyncset.done $0x0;
	s17 =	sshll.u32 s16, $0xD  }
0x40: {  	[sflag:s4] =	ssyncadd.s32 $0xFFFFE000;
	s20 =	sor.u32 $0x20, s17  }
0x41: {  	s16 =	smul.u32 $0x8100, s16;
	v3 =	vld [tilespmem:s20+$0x10]  }
0x42: {  	s30 =	sand.u32 $0x1, s13;
	v2 =	vld [tilespmem:s20+$0xFFFFFFF0]  }
0x43: {  	s17 =	smul.u32 $0x8100, s30;
	s16 =	sshrl.u32 s16, $0x2;
	v0 =	vld [tilespmem:s20+$0x0]  }
0x44: {  	v1 =	vld [tilespmem:s20+$0xFFFFFFE0];
	s18 =	sor.u32 $0x4000, s16  }
0x45: {  	s31 =	sshrl.u32 s17, $0x2;
	s17 =	sadd.s32 $0x0, s18  }
0x46: {  	s19 =	simm.s32 $0x4;
	s20 =	sadd.s32 $0x40, s20;
	s16 =	sor.u32 $0x4000, s31;
	[tilespmem:s17+$0x1830 ss:$0x81] =	vst.msk $0xffff, v3  }
.LBB1_3:
0x47: {  	v3 =	vld [tilespmem:s20+$0x10];
	p1 =	sne.s32 s19, $0x1FC;
	[tilespmem:s17+$0x810 ss:$0x81] =	vst.msk $0xffff, v2;
	s21 =	smov.u32 s19;
	s19 =	sadd.s32 $0x4, s19  }
.Ltmp3:
0x48: {  	v2 =	vld [tilespmem:s20+$0xFFFFFFF0];
	[tilespmem:s17+$0x1020 ss:$0x81] =	vst.msk $0xffff, v0;
	(pc) =	sbr.rel @p1 .LBB1_3-.Ltmp3, $4  }
0x49: {  	v0 =	vld [tilespmem:s20+$0x0];
	[tilespmem:s17+$0x0 ss:$0x81] =	vst.msk $0xffff, v1  }
0x4a: {  	s17 =	sshra.s32 s21, $0x2;
	v1 =	vld [tilespmem:s20+$0xFFFFFFE0]  }
0x4b: {  	s17 =	sadd.s32 s17, s18  }
0x4c: {  	s20 =	sadd.s32 $0x40, s20;
	[tilespmem:s17+$0x1830 ss:$0x81] =	vst.msk $0xffff, v3  }
.Ltmp4:
0x4d: {  	_ = 	snop;
	(pc) =	sbr.rel .LBB1_4-.Ltmp4, $1  }
0x4e: {  	_ =	sdelay $0x3  }
.LBB1_6:
0x4f: {  	_ =	sfence.sel $0x180000  }
0x50: {  	s2 =	simm.s32 $0x1;
	[bflag:$0x0] =	sbarrier.arrive $0xFFFF  }
0x51: {  	s31 =	simm.s32 $0x2;
	[sflag:s2] =	ssyncpa.u1 $0x1  }
0x52: {  	[sflag:s31] =	ssyncpa.u1 $0x1  }
0x53: {  	p0 =	sne.s32 s0, $0x0;
	_ =	strace $0x9000004A  }
0x54: {  	s0 =	sadd.s32 @!p0 $0x100000, s1;
	[bflag:$0x2] =	sbarrier.arrive $0xFFFF  }
0x55: {  	[sflag:s0] =	ssyncadd.tile.s32 @!p0 $0x1;
	_ =	shalt  }
.Lfunc_end1:
_tile_overlayer_lowered:
.L_overlay_start_2:
0x56: {  	(tag) =	ssettag $0x2  }
0x57: {  	s0 =	rddreg [dreg:$0x0];
	s2 =	stileid.u32  }
0x58: {  	s1 =	rddreg [dreg:$0x1];
	p0 =	sne.s32 s2, $0x0  }
0x59: {  	s3 =	rddreg [dreg:$0x2];
	[bflag:$0x3] =	sbarrier.arrive $0xFFFF;
	s2 =	simm.s32 @!p0 $0x1C01  }
0x5a: {  	[timem:s3], [sflag:s2] =	dma.local @!p0 [hbm:s0], s1  }
0x5b: {  	s0 =	simm.s32 @!p0 $0x1  }
0x5c: {  	_ =	swait.ge @!p0 [sflag:s0], s1  }
0x5d: {  	s1 =	ssub.s32 @!p0 $0x0, s1;
	[sflag:s0] =	ssyncset.done @!p0 $0x0  }
0x5e: {  	[sflag:s0] =	ssyncadd.s32 @!p0 s1  }
0x5f: {  	[bflag:$0x3] =	sbarrier.arrive $0xFFFF  }
0x60: {  	_ =	shalt  }

</sc_bundles>
